<compile_context>
chip_gen: v7x
topology: tpu7x:2x2x1
jax: 0.10.2.dev20260603
libtpu: 0.0.44.dev20260713+nightly
codegen_flags: <defaults>
</compile_context>

<pallas_src>
import jax
import jax.numpy as jnp
from jax import lax
from jax.experimental import pallas as pl
from jax.experimental.pallas import tpu as pltpu
from jax.experimental.pallas import tpu_sc as plsc

VOCAB = 100000
EMB = 128
SEQ = 200
BATCH = 1024

NC = 2
NS = 16
NW = NC * NS

ROWS = BATCH * SEQ
ROWS_PER_W = ROWS // NW
CHUNK = 100
CHUNKS_PER_W = ROWS_PER_W // CHUNK
NBUF = 6
AHEAD = 3
MAIN_GROUPS = 10
LANES = 16
VECS_PER_ROW = EMB // LANES


def _body(table_hbm, tokens_hbm, pos_hbm, out_hbm, idx_v, pos_v, rows6, *sems):
    gsem = sems[0:NBUF]
    osem = sems[NBUF:2 * NBUF]
    psem = sems[2 * NBUF]
    wid = lax.axis_index("s") * NC + lax.axis_index("c")
    out_base = wid * ROWS_PER_W

    pltpu.sync_copy(tokens_hbm.at[pl.ds(wid * CHUNKS_PER_W, CHUNKS_PER_W)], idx_v)
    pltpu.async_copy(pos_hbm, pos_v, psem)

    def gather(c, u):
        pltpu.async_copy(table_hbm.at[idx_v.at[c]], rows6.at[u], gsem[u])

    def wait_gather(c, u):
        pltpu.make_async_copy(table_hbm.at[idx_v.at[c]], rows6.at[u], gsem[u]).wait()

    def wait_out(u):
        pltpu.make_async_copy(rows6.at[u], out_hbm.at[pl.ds(0, CHUNK)], osem[u]).wait()

    def add_pos_and_writeback(c, u):
        rows_u = rows6.at[u]
        pr0 = lax.rem(c, 2) * CHUNK

        def add_row(r, carry2):
            pr = pr0 + r
            for d in range(VECS_PER_ROW):
                sl = pl.ds(d * LANES, LANES)
                plsc.addupdate(rows_u.at[r, sl], pos_v[pr, sl])
            return carry2

        lax.fori_loop(0, CHUNK, add_row, 0)
        pltpu.async_copy(
            rows_u, out_hbm.at[pl.ds(out_base + c * CHUNK, CHUNK)], osem[u])

    for c0 in range(AHEAD):
        gather(c0, c0)
    pltpu.make_async_copy(pos_hbm, pos_v, psem).wait()

    def group_step(g, carry):
        for u in range(NBUF):
            c = g * NBUF + u
            u3 = (u + AHEAD) % NBUF
            wait_gather(c, u)
            @pl.when(c >= AHEAD)
            def _():
                wait_out(u3)

            @pl.when(c + AHEAD < CHUNKS_PER_W)
            def _():
                gather(c + AHEAD, u3)

            add_pos_and_writeback(c, u)
        return carry

    lax.fori_loop(0, MAIN_GROUPS, group_step, 0)

    for c in range(MAIN_GROUPS * NBUF, CHUNKS_PER_W):
        u = c % NBUF
        u3 = (u + AHEAD) % NBUF
        wait_gather(c, u)
        wait_out(u3)
        if c + AHEAD < CHUNKS_PER_W:
            gather(c + AHEAD, u3)
        add_pos_and_writeback(c, u)

    for c in range(CHUNKS_PER_W - AHEAD, CHUNKS_PER_W):
        wait_out(c % NBUF)


@jax.jit
def _emb(tokens2d, table, pos):
    mesh = plsc.VectorSubcoreMesh(core_axis_name="c", subcore_axis_name="s")
    k = pl.kernel(
        _body,
        out_type=jax.ShapeDtypeStruct((ROWS, EMB), jnp.float32),
        mesh=mesh,
        scratch_types=[
            pltpu.VMEM((CHUNKS_PER_W, CHUNK), jnp.int32),
            pltpu.VMEM((SEQ, EMB), jnp.float32),
            pltpu.VMEM((NBUF, CHUNK, EMB), jnp.float32),
        ] + [pltpu.SemaphoreType.DMA] * (2 * NBUF + 1),
        compiler_params=pltpu.CompilerParams(use_tc_tiling_on_sc=False),
    )
    return k(table, tokens2d, pos)


def kernel(tokens, token_embedding, positional_embedding):
    tokens2d = tokens.astype(jnp.int32).reshape(ROWS // CHUNK, CHUNK)
    out = _emb(tokens2d, token_embedding, positional_embedding)
    return out.reshape(BATCH, SEQ, EMB)

# --- scband reference (transcript-rebuilt; emitter-appended) ---
"""Pipeline reference for scband-clipembedding-2010044694540 (READ-ONLY COPY).

The authoritative reference and input builder live on the scoring server;
editing this copy changes nothing except your own understanding.
"""

import jax, jax.numpy as jnp
import numpy as np

VOCAB = 100000
EMB = 128
SEQ = 200
BATCH = 1024


def setup_inputs(seed: int = 0) -> dict:
    key = jax.random.key(seed)
    k1, k2, k3 = jax.random.split(key, 3)
    tokens = jax.random.randint(k1, (BATCH, SEQ), 0, VOCAB)
    token_embedding = jax.random.normal(k2, (VOCAB, EMB), dtype=jnp.float32) * 0.02
    positional_embedding = jax.random.normal(k3, (SEQ, EMB), dtype=jnp.float32) * 0.02
    return {
        "tokens": tokens,
        "token_embedding": token_embedding,
        "positional_embedding": positional_embedding,
    }


def reference(tokens, token_embedding, positional_embedding):
    # x = self.token_embedding(tokens)
    x = jnp.take(token_embedding, tokens, axis=0)  # [B, S, D]
    # x += self.positional_embedding (broadcast over batch)
    x = x + positional_embedding
    return x

if __name__ == "__main__":
    import jax
    _d = setup_inputs()
    print(jax.jit(kernel)(*tuple(_d.values())))

</pallas_src>

<mosaic_0001>
#map = affine_map<(d0, d1) -> (0, 0)>
module attributes {stable_mosaic.version = 14 : i64} {
  func.func @_body(%arg0: i32, %arg1: i32, %arg2: memref<100000x128xf32, #tpu.memory_space<hbm>>, %arg3: memref<2048x100xi32, #tpu.memory_space<hbm>>, %arg4: memref<200x128xf32, #tpu.memory_space<hbm>>, %arg5: memref<204800x128xf32, #tpu.memory_space<hbm>>, %arg6: memref<64x100xi32, #tpu.memory_space<vmem>>, %arg7: memref<200x128xf32, #tpu.memory_space<vmem>>, %arg8: memref<6x100x128xf32, #tpu.memory_space<vmem>>, %arg9: memref<!tpu.dma_semaphore, #tpu.memory_space<semaphore_mem>>, %arg10: memref<!tpu.dma_semaphore, #tpu.memory_space<semaphore_mem>>, %arg11: memref<!tpu.dma_semaphore, #tpu.memory_space<semaphore_mem>>, %arg12: memref<!tpu.dma_semaphore, #tpu.memory_space<semaphore_mem>>, %arg13: memref<!tpu.dma_semaphore, #tpu.memory_space<semaphore_mem>>, %arg14: memref<!tpu.dma_semaphore, #tpu.memory_space<semaphore_mem>>, %arg15: memref<!tpu.dma_semaphore, #tpu.memory_space<semaphore_mem>>, %arg16: memref<!tpu.dma_semaphore, #tpu.memory_space<semaphore_mem>>, %arg17: memref<!tpu.dma_semaphore, #tpu.memory_space<semaphore_mem>>, %arg18: memref<!tpu.dma_semaphore, #tpu.memory_space<semaphore_mem>>, %arg19: memref<!tpu.dma_semaphore, #tpu.memory_space<semaphore_mem>>, %arg20: memref<!tpu.dma_semaphore, #tpu.memory_space<semaphore_mem>>, %arg21: memref<!tpu.dma_semaphore, #tpu.memory_space<semaphore_mem>>) attributes {dimension_semantics = [#tpu.dimension_semantics<core_parallel>, #tpu.dimension_semantics<subcore_parallel>], iteration_bounds = array<i64: 2, 16>, scalar_prefetch = 0 : i64, scratch_operands = 16 : i64, tpu.core_type = #tpu.core_type<sc_vector_subcore>, window_params = [{transform_indices = #map}, {transform_indices = #map}, {transform_indices = #map}, {transform_indices = #map}]} {
    %mul3A = arith.constant 2 : i32
    %mul3A_0 = arith.muli %arg1, %mul3A : i32
    %add3A = arith.addi %mul3A_0, %arg0 : i32
    %mul3A_1 = arith.constant 6400 : i32
    %mul3A_2 = arith.muli %add3A, %mul3A_1 : i32
    %mul3A_3 = arith.constant 64 : i32
    %mul3A_4 = arith.muli %add3A, %mul3A_3 : i32
    "tpu.region"() ({
      %run_scoped3A = tpu.sem_alloc : memref<!tpu.dma_semaphore, #tpu.memory_space<semaphore_mem>>
      %dma_start3A_316 = arith.constant 0 : i32
      %dma_start3A_317 = tpu.memref_slice %arg3[%mul3A_4, %dma_start3A_316] : memref<2048x100xi32, #tpu.memory_space<hbm>> -> memref<64x100xi32, #tpu.memory_space<hbm>>
      %dma_start3A_318 = arith.constant 0 : i32
      %dma_start3A_319 = tpu.memref_slice %arg3[%mul3A_4, %dma_start3A_318] : memref<2048x100xi32, #tpu.memory_space<hbm>> -> memref<64x100xi32, #tpu.memory_space<hbm>>
      tpu.enqueue_dma source(%dma_start3A_319 : memref<64x100xi32, #tpu.memory_space<hbm>>) target(%arg6 : memref<64x100xi32, #tpu.memory_space<vmem>>) target_semaphore(%run_scoped3A : memref<!tpu.dma_semaphore, #tpu.memory_space<semaphore_mem>>)
      %dma_wait3A_320 = arith.constant 0 : i32
      %dma_wait3A_321 = tpu.memref_slice %arg3[%mul3A_4, %dma_wait3A_320] : memref<2048x100xi32, #tpu.memory_space<hbm>> -> memref<64x100xi32, #tpu.memory_space<hbm>>
      %dma_wait3A_322 = arith.constant 0 : i32
      %dma_wait3A_323 = tpu.memref_slice %arg3[%mul3A_4, %dma_wait3A_322] : memref<2048x100xi32, #tpu.memory_space<hbm>> -> memref<64x100xi32, #tpu.memory_space<hbm>>
      tpu.wait_dma2 semaphore(%run_scoped3A : memref<!tpu.dma_semaphore, #tpu.memory_space<semaphore_mem>>) src(%dma_wait3A_323 : memref<64x100xi32, #tpu.memory_space<hbm>>) dst(%arg6 : memref<64x100xi32, #tpu.memory_space<vmem>>)
      tpu.yield
    }) : () -> ()
    tpu.enqueue_dma source(%arg4 : memref<200x128xf32, #tpu.memory_space<hbm>>) target(%arg7 : memref<200x128xf32, #tpu.memory_space<vmem>>) target_semaphore(%arg21 : memref<!tpu.dma_semaphore, #tpu.memory_space<semaphore_mem>>)
    %dma_start3A = arith.constant 0 : i32
    %dma_start3A_5 = arith.constant 0 : i32
    %dma_start3A_6 = arith.constant 0 : i32
    %dma_start3A_7 = arith.constant 0 : i32
    %dma_start3A_8 = tpu.memref_slice %arg8[%dma_start3A_5, %dma_start3A_6, %dma_start3A_7] : memref<6x100x128xf32, #tpu.memory_space<vmem>> -> memref<1x100x128xf32, #tpu.memory_space<vmem>>
    %dma_start3A_9 = tpu.memref_squeeze %dma_start3A_8 : memref<1x100x128xf32, #tpu.memory_space<vmem>> -> memref<100x128xf32, #tpu.memory_space<vmem>>
    %dma_start3A_10 = arith.constant 0 : i32
    %dma_start3A_11 = tpu.memref_slice %arg6[%dma_start3A, %dma_start3A_10] : memref<64x100xi32, #tpu.memory_space<vmem>> -> memref<1x100xi32, #tpu.memory_space<vmem>>
    %dma_start3A_12 = tpu.memref_squeeze %dma_start3A_11 : memref<1x100xi32, #tpu.memory_space<vmem>> -> memref<100xi32, #tpu.memory_space<vmem>>
    %dma_start3A_13 = arith.constant 0 : i32
    %dma_start3A_14 = arith.constant 0 : i32
    %dma_start3A_15 = tpu.memref_slice %arg2[%dma_start3A_13, %dma_start3A_14] : memref<100000x128xf32, #tpu.memory_space<hbm>> -> memref<100000x128xf32, #tpu.memory_space<hbm>>
    tpu.enqueue_indirect_dma source(%dma_start3A_15 : memref<100000x128xf32, #tpu.memory_space<hbm>>) target(%dma_start3A_9 : memref<100x128xf32, #tpu.memory_space<vmem>>) offsets(%dma_start3A_12 : memref<100xi32, #tpu.memory_space<vmem>>) semaphore(%arg9 : memref<!tpu.dma_semaphore, #tpu.memory_space<semaphore_mem>>)
    %dma_start3A_16 = arith.constant 1 : i32
    %dma_start3A_17 = arith.constant 1 : i32
    %dma_start3A_18 = arith.constant 0 : i32
    %dma_start3A_19 = arith.constant 0 : i32
    %dma_start3A_20 = tpu.memref_slice %arg8[%dma_start3A_17, %dma_start3A_18, %dma_start3A_19] : memref<6x100x128xf32, #tpu.memory_space<vmem>> -> memref<1x100x128xf32, #tpu.memory_space<vmem>>
    %dma_start3A_21 = tpu.memref_squeeze %dma_start3A_20 : memref<1x100x128xf32, #tpu.memory_space<vmem>> -> memref<100x128xf32, #tpu.memory_space<vmem>>
    %dma_start3A_22 = arith.constant 0 : i32
    %dma_start3A_23 = tpu.memref_slice %arg6[%dma_start3A_16, %dma_start3A_22] : memref<64x100xi32, #tpu.memory_space<vmem>> -> memref<1x100xi32, #tpu.memory_space<vmem>>
    %dma_start3A_24 = tpu.memref_squeeze %dma_start3A_23 : memref<1x100xi32, #tpu.memory_space<vmem>> -> memref<100xi32, #tpu.memory_space<vmem>>
    %dma_start3A_25 = arith.constant 0 : i32
    %dma_start3A_26 = arith.constant 0 : i32
    %dma_start3A_27 = tpu.memref_slice %arg2[%dma_start3A_25, %dma_start3A_26] : memref<100000x128xf32, #tpu.memory_space<hbm>> -> memref<100000x128xf32, #tpu.memory_space<hbm>>
    tpu.enqueue_indirect_dma source(%dma_start3A_27 : memref<100000x128xf32, #tpu.memory_space<hbm>>) target(%dma_start3A_21 : memref<100x128xf32, #tpu.memory_space<vmem>>) offsets(%dma_start3A_24 : memref<100xi32, #tpu.memory_space<vmem>>) semaphore(%arg10 : memref<!tpu.dma_semaphore, #tpu.memory_space<semaphore_mem>>)
    %dma_start3A_28 = arith.constant 2 : i32
    %dma_start3A_29 = arith.constant 2 : i32
    %dma_start3A_30 = arith.constant 0 : i32
    %dma_start3A_31 = arith.constant 0 : i32
    %dma_start3A_32 = tpu.memref_slice %arg8[%dma_start3A_29, %dma_start3A_30, %dma_start3A_31] : memref<6x100x128xf32, #tpu.memory_space<vmem>> -> memref<1x100x128xf32, #tpu.memory_space<vmem>>
    %dma_start3A_33 = tpu.memref_squeeze %dma_start3A_32 : memref<1x100x128xf32, #tpu.memory_space<vmem>> -> memref<100x128xf32, #tpu.memory_space<vmem>>
    %dma_start3A_34 = arith.constant 0 : i32
    %dma_start3A_35 = tpu.memref_slice %arg6[%dma_start3A_28, %dma_start3A_34] : memref<64x100xi32, #tpu.memory_space<vmem>> -> memref<1x100xi32, #tpu.memory_space<vmem>>
    %dma_start3A_36 = tpu.memref_squeeze %dma_start3A_35 : memref<1x100xi32, #tpu.memory_space<vmem>> -> memref<100xi32, #tpu.memory_space<vmem>>
    %dma_start3A_37 = arith.constant 0 : i32
    %dma_start3A_38 = arith.constant 0 : i32
    %dma_start3A_39 = tpu.memref_slice %arg2[%dma_start3A_37, %dma_start3A_38] : memref<100000x128xf32, #tpu.memory_space<hbm>> -> memref<100000x128xf32, #tpu.memory_space<hbm>>
    tpu.enqueue_indirect_dma source(%dma_start3A_39 : memref<100000x128xf32, #tpu.memory_space<hbm>>) target(%dma_start3A_33 : memref<100x128xf32, #tpu.memory_space<vmem>>) offsets(%dma_start3A_36 : memref<100xi32, #tpu.memory_space<vmem>>) semaphore(%arg11 : memref<!tpu.dma_semaphore, #tpu.memory_space<semaphore_mem>>)
    tpu.wait_dma2 semaphore(%arg21 : memref<!tpu.dma_semaphore, #tpu.memory_space<semaphore_mem>>) src(%arg4 : memref<200x128xf32, #tpu.memory_space<hbm>>) dst(%arg7 : memref<200x128xf32, #tpu.memory_space<vmem>>)
    %scan3A = arith.constant 0 : i32
    %scan3A_40 = arith.constant 0 : i32
    %scan3A_41 = arith.constant 10 : i32
    %scan3A_42 = arith.addi %scan3A_40, %scan3A_41 : i32
    %scan3A_43 = arith.constant 1 : i32
    scf.for %scan3A_316 = %scan3A_40 to %scan3A_42 step %scan3A_43  : i32 {
      %mul3A_317 = arith.constant 6 : i32
      %mul3A_318 = arith.muli %scan3A_316, %mul3A_317 : i32
      %add3A_319 = arith.constant 0 : i32
      %add3A_320 = arith.addi %mul3A_318, %add3A_319 : i32
      %dma_wait3A_321 = arith.constant 0 : i32
      %dma_wait3A_322 = arith.constant 0 : i32
      %dma_wait3A_323 = arith.constant 0 : i32
      %dma_wait3A_324 = tpu.memref_slice %arg8[%dma_wait3A_321, %dma_wait3A_322, %dma_wait3A_323] : memref<6x100x128xf32, #tpu.memory_space<vmem>> -> memref<1x100x128xf32, #tpu.memory_space<vmem>>
      %dma_wait3A_325 = tpu.memref_squeeze %dma_wait3A_324 : memref<1x100x128xf32, #tpu.memory_space<vmem>> -> memref<100x128xf32, #tpu.memory_space<vmem>>
      %dma_wait3A_326 = arith.constant 0 : i32
      %dma_wait3A_327 = tpu.memref_slice %arg6[%add3A_320, %dma_wait3A_326] : memref<64x100xi32, #tpu.memory_space<vmem>> -> memref<1x100xi32, #tpu.memory_space<vmem>>
      %dma_wait3A_328 = tpu.memref_squeeze %dma_wait3A_327 : memref<1x100xi32, #tpu.memory_space<vmem>> -> memref<100xi32, #tpu.memory_space<vmem>>
      %dma_wait3A_329 = arith.constant 0 : i32
      %dma_wait3A_330 = arith.constant 0 : i32
      %dma_wait3A_331 = tpu.memref_slice %arg2[%dma_wait3A_329, %dma_wait3A_330] : memref<100000x128xf32, #tpu.memory_space<hbm>> -> memref<100000x128xf32, #tpu.memory_space<hbm>>
      tpu.wait_indirect_dma semaphore(%arg9 : memref<!tpu.dma_semaphore, #tpu.memory_space<semaphore_mem>>) src(%dma_wait3A_331 : memref<100000x128xf32, #tpu.memory_space<hbm>>) dst(%dma_wait3A_325 : memref<100x128xf32, #tpu.memory_space<vmem>>)
      %ge3A = arith.constant 3 : i32
      %ge3A_332 = arith.cmpi sge, %add3A_320, %ge3A : i32
      %convert_element_type3A = arith.extui %ge3A_332 : i1 to i32
      %cond3A = arith.constant 0 : i32
      %cond3A_333 = arith.cmpi ne, %convert_element_type3A, %cond3A : i32
      scf.if %cond3A_333 {
        %dma_wait3A_637 = arith.constant 3 : i32
        %dma_wait3A_638 = arith.constant 0 : i32
        %dma_wait3A_639 = arith.constant 0 : i32
        %dma_wait3A_640 = tpu.memref_slice %arg8[%dma_wait3A_637, %dma_wait3A_638, %dma_wait3A_639] : memref<6x100x128xf32, #tpu.memory_space<vmem>> -> memref<1x100x128xf32, #tpu.memory_space<vmem>>
        %dma_wait3A_641 = tpu.memref_squeeze %dma_wait3A_640 : memref<1x100x128xf32, #tpu.memory_space<vmem>> -> memref<100x128xf32, #tpu.memory_space<vmem>>
        %dma_wait3A_642 = arith.constant 0 : i32
        %dma_wait3A_643 = arith.constant 0 : i32
        %dma_wait3A_644 = tpu.memref_slice %arg5[%dma_wait3A_642, %dma_wait3A_643] : memref<204800x128xf32, #tpu.memory_space<hbm>> -> memref<100x128xf32, #tpu.memory_space<hbm>>
        %dma_wait3A_645 = arith.constant 0 : i32
        %dma_wait3A_646 = arith.constant 0 : i32
        %dma_wait3A_647 = tpu.memref_slice %arg5[%dma_wait3A_645, %dma_wait3A_646] : memref<204800x128xf32, #tpu.memory_space<hbm>> -> memref<100x128xf32, #tpu.memory_space<hbm>>
        %dma_wait3A_648 = arith.constant 0 : i32
        %dma_wait3A_649 = arith.constant 0 : i32
        %dma_wait3A_650 = tpu.memref_slice %arg8[%dma_wait3A_637, %dma_wait3A_648, %dma_wait3A_649] : memref<6x100x128xf32, #tpu.memory_space<vmem>> -> memref<1x100x128xf32, #tpu.memory_space<vmem>>
        %dma_wait3A_651 = tpu.memref_squeeze %dma_wait3A_650 : memref<1x100x128xf32, #tpu.memory_space<vmem>> -> memref<100x128xf32, #tpu.memory_space<vmem>>
        tpu.wait_dma2 semaphore(%arg18 : memref<!tpu.dma_semaphore, #tpu.memory_space<semaphore_mem>>) src(%dma_wait3A_651 : memref<100x128xf32, #tpu.memory_space<vmem>>) dst(%dma_wait3A_647 : memref<100x128xf32, #tpu.memory_space<hbm>>)
      } else {
      }
      %add3A_334 = arith.constant 3 : i32
      %add3A_335 = arith.addi %add3A_320, %add3A_334 : i32
      %lt3A = arith.constant 64 : i32
      %lt3A_336 = arith.cmpi slt, %add3A_335, %lt3A : i32
      %convert_element_type3A_337 = arith.extui %lt3A_336 : i1 to i32
      %cond3A_338 = arith.constant 0 : i32
      %cond3A_339 = arith.cmpi ne, %convert_element_type3A_337, %cond3A_338 : i32
      scf.if %cond3A_339 {
        %add3A_637 = arith.constant 3 : i32
        %add3A_638 = arith.addi %add3A_320, %add3A_637 : i32
        %dma_start3A_639 = arith.constant 3 : i32
        %dma_start3A_640 = arith.constant 0 : i32
        %dma_start3A_641 = arith.constant 0 : i32
        %dma_start3A_642 = tpu.memref_slice %arg8[%dma_start3A_639, %dma_start3A_640, %dma_start3A_641] : memref<6x100x128xf32, #tpu.memory_space<vmem>> -> memref<1x100x128xf32, #tpu.memory_space<vmem>>
        %dma_start3A_643 = tpu.memref_squeeze %dma_start3A_642 : memref<1x100x128xf32, #tpu.memory_space<vmem>> -> memref<100x128xf32, #tpu.memory_space<vmem>>
        %dma_start3A_644 = arith.constant 0 : i32
        %dma_start3A_645 = tpu.memref_slice %arg6[%add3A_638, %dma_start3A_644] : memref<64x100xi32, #tpu.memory_space<vmem>> -> memref<1x100xi32, #tpu.memory_space<vmem>>
        %dma_start3A_646 = tpu.memref_squeeze %dma_start3A_645 : memref<1x100xi32, #tpu.memory_space<vmem>> -> memref<100xi32, #tpu.memory_space<vmem>>
        %dma_start3A_647 = arith.constant 0 : i32
        %dma_start3A_648 = arith.constant 0 : i32
        %dma_start3A_649 = tpu.memref_slice %arg2[%dma_start3A_647, %dma_start3A_648] : memref<100000x128xf32, #tpu.memory_space<hbm>> -> memref<100000x128xf32, #tpu.memory_space<hbm>>
        tpu.enqueue_indirect_dma source(%dma_start3A_649 : memref<100000x128xf32, #tpu.memory_space<hbm>>) target(%dma_start3A_643 : memref<100x128xf32, #tpu.memory_space<vmem>>) offsets(%dma_start3A_646 : memref<100xi32, #tpu.memory_space<vmem>>) semaphore(%arg12 : memref<!tpu.dma_semaphore, #tpu.memory_space<semaphore_mem>>)
      } else {
      }
      %rem3A_340 = arith.constant 2 : i32
      %rem3A_341 = arith.remsi %add3A_320, %rem3A_340 : i32
      %mul3A_342 = arith.constant 100 : i32
      %mul3A_343 = arith.muli %rem3A_341, %mul3A_342 : i32
      %scan3A_344 = arith.constant 0 : i32
      %scan3A_345 = arith.constant 0 : i32
      %scan3A_346 = arith.constant 0 : i32
      %scan3A_347 = arith.constant 100 : i32
      %scan3A_348 = arith.addi %scan3A_346, %scan3A_347 : i32
      %scan3A_349 = arith.constant 1 : i32
      scf.for %scan3A_637 = %scan3A_346 to %scan3A_348 step %scan3A_349  : i32 {
        %add3A_638 = arith.addi %mul3A_343, %scan3A_637 : i32
        %get3A = arith.index_cast %add3A_638 : i32 to index
        %get3A_639 = arith.constant 0 : index
        %get3A_640 = tpu.vector_load %arg7[%get3A, %get3A_639] {strides = array<i32>} : memref<200x128xf32, #tpu.memory_space<vmem>>, vector<1x16xf32>,
        %get3A_641 = vector.shape_cast %get3A_640 : vector<1x16xf32> to vector<16xf32>
        %swap3A = arith.constant 0 : i32
        %swap3A_642 = arith.constant 0 : i32
        %swap3A_643 = tpu.memref_slice %arg8[%scan3A_345, %swap3A, %swap3A_642] : memref<6x100x128xf32, #tpu.memory_space<vmem>> -> memref<1x100x128xf32, #tpu.memory_space<vmem>>
        %swap3A_644 = tpu.memref_squeeze %swap3A_643 : memref<1x100x128xf32, #tpu.memory_space<vmem>> -> memref<100x128xf32, #tpu.memory_space<vmem>>
        %swap3A_645 = arith.index_cast %scan3A_637 : i32 to index
        %swap3A_646 = arith.constant 0 : index
        %swap3A_647 = tpu.vector_load %swap3A_644[%swap3A_645, %swap3A_646] {strides = array<i32>} : memref<100x128xf32, #tpu.memory_space<vmem>>, vector<1x16xf32>,
        %swap3A_648 = vector.shape_cast %swap3A_647 : vector<1x16xf32> to vector<16xf32>
        %swap3A_649 = vector.shape_cast %get3A_641 : vector<16xf32> to vector<1x16xf32>
        tpu.vector_store %swap3A_644[%swap3A_645, %swap3A_646], %swap3A_649 {add = true, strides = array<i32>} : memref<100x128xf32, #tpu.memory_space<vmem>>, vector<1x16xf32>,
        %get3A_650 = arith.index_cast %add3A_638 : i32 to index
        %get3A_651 = arith.constant 16 : index
        %get3A_652 = tpu.vector_load %arg7[%get3A_650, %get3A_651] {strides = array<i32>} : memref<200x128xf32, #tpu.memory_space<vmem>>, vector<1x16xf32>,
        %get3A_653 = vector.shape_cast %get3A_652 : vector<1x16xf32> to vector<16xf32>
        %swap3A_654 = arith.constant 0 : i32
        %swap3A_655 = arith.constant 0 : i32
        %swap3A_656 = tpu.memref_slice %arg8[%scan3A_345, %swap3A_654, %swap3A_655] : memref<6x100x128xf32, #tpu.memory_space<vmem>> -> memref<1x100x128xf32, #tpu.memory_space<vmem>>
        %swap3A_657 = tpu.memref_squeeze %swap3A_656 : memref<1x100x128xf32, #tpu.memory_space<vmem>> -> memref<100x128xf32, #tpu.memory_space<vmem>>
        %swap3A_658 = arith.index_cast %scan3A_637 : i32 to index
        %swap3A_659 = arith.constant 16 : index
        %swap3A_660 = tpu.vector_load %swap3A_657[%swap3A_658, %swap3A_659] {strides = array<i32>} : memref<100x128xf32, #tpu.memory_space<vmem>>, vector<1x16xf32>,
        %swap3A_661 = vector.shape_cast %swap3A_660 : vector<1x16xf32> to vector<16xf32>
        %swap3A_662 = vector.shape_cast %get3A_653 : vector<16xf32> to vector<1x16xf32>
        tpu.vector_store %swap3A_657[%swap3A_658, %swap3A_659], %swap3A_662 {add = true, strides = array<i32>} : memref<100x128xf32, #tpu.memory_space<vmem>>, vector<1x16xf32>,
        %get3A_663 = arith.index_cast %add3A_638 : i32 to index
        %get3A_664 = arith.constant 32 : index
        %get3A_665 = tpu.vector_load %arg7[%get3A_663, %get3A_664] {strides = array<i32>} : memref<200x128xf32, #tpu.memory_space<vmem>>, vector<1x16xf32>,
        %get3A_666 = vector.shape_cast %get3A_665 : vector<1x16xf32> to vector<16xf32>
        %swap3A_667 = arith.constant 0 : i32
        %swap3A_668 = arith.constant 0 : i32
        %swap3A_669 = tpu.memref_slice %arg8[%scan3A_345, %swap3A_667, %swap3A_668] : memref<6x100x128xf32, #tpu.memory_space<vmem>> -> memref<1x100x128xf32, #tpu.memory_space<vmem>>
        %swap3A_670 = tpu.memref_squeeze %swap3A_669 : memref<1x100x128xf32, #tpu.memory_space<vmem>> -> memref<100x128xf32, #tpu.memory_space<vmem>>
        %swap3A_671 = arith.index_cast %scan3A_637 : i32 to index
        %swap3A_672 = arith.constant 32 : index
        %swap3A_673 = tpu.vector_load %swap3A_670[%swap3A_671, %swap3A_672] {strides = array<i32>} : memref<100x128xf32, #tpu.memory_space<vmem>>, vector<1x16xf32>,
        %swap3A_674 = vector.shape_cast %swap3A_673 : vector<1x16xf32> to vector<16xf32>
        %swap3A_675 = vector.shape_cast %get3A_666 : vector<16xf32> to vector<1x16xf32>
        tpu.vector_store %swap3A_670[%swap3A_671, %swap3A_672], %swap3A_675 {add = true, strides = array<i32>} : memref<100x128xf32, #tpu.memory_space<vmem>>, vector<1x16xf32>,
        %get3A_676 = arith.index_cast %add3A_638 : i32 to index
        %get3A_677 = arith.constant 48 : index
        %get3A_678 = tpu.vector_load %arg7[%get3A_676, %get3A_677] {strides = array<i32>} : memref<200x128xf32, #tpu.memory_space<vmem>>, vector<1x16xf32>,
        %get3A_679 = vector.shape_cast %get3A_678 : vector<1x16xf32> to vector<16xf32>
        %swap3A_680 = arith.constant 0 : i32
        %swap3A_681 = arith.constant 0 : i32
        %swap3A_682 = tpu.memref_slice %arg8[%scan3A_345, %swap3A_680, %swap3A_681] : memref<6x100x128xf32, #tpu.memory_space<vmem>> -> memref<1x100x128xf32, #tpu.memory_space<vmem>>
        %swap3A_683 = tpu.memref_squeeze %swap3A_682 : memref<1x100x128xf32, #tpu.memory_space<vmem>> -> memref<100x128xf32, #tpu.memory_space<vmem>>
        %swap3A_684 = arith.index_cast %scan3A_637 : i32 to index
        %swap3A_685 = arith.constant 48 : index
        %swap3A_686 = tpu.vector_load %swap3A_683[%swap3A_684, %swap3A_685] {strides = array<i32>} : memref<100x128xf32, #tpu.memory_space<vmem>>, vector<1x16xf32>,
        %swap3A_687 = vector.shape_cast %swap3A_686 : vector<1x16xf32> to vector<16xf32>
        %swap3A_688 = vector.shape_cast %get3A_679 : vector<16xf32> to vector<1x16xf32>
        tpu.vector_store %swap3A_683[%swap3A_684, %swap3A_685], %swap3A_688 {add = true, strides = array<i32>} : memref<100x128xf32, #tpu.memory_space<vmem>>, vector<1x16xf32>,
        %get3A_689 = arith.index_cast %add3A_638 : i32 to index
        %get3A_690 = arith.constant 64 : index
        %get3A_691 = tpu.vector_load %arg7[%get3A_689, %get3A_690] {strides = array<i32>} : memref<200x128xf32, #tpu.memory_space<vmem>>, vector<1x16xf32>,
        %get3A_692 = vector.shape_cast %get3A_691 : vector<1x16xf32> to vector<16xf32>
        %swap3A_693 = arith.constant 0 : i32
        %swap3A_694 = arith.constant 0 : i32
        %swap3A_695 = tpu.memref_slice %arg8[%scan3A_345, %swap3A_693, %swap3A_694] : memref<6x100x128xf32, #tpu.memory_space<vmem>> -> memref<1x100x128xf32, #tpu.memory_space<vmem>>
        %swap3A_696 = tpu.memref_squeeze %swap3A_695 : memref<1x100x128xf32, #tpu.memory_space<vmem>> -> memref<100x128xf32, #tpu.memory_space<vmem>>
        %swap3A_697 = arith.index_cast %scan3A_637 : i32 to index
        %swap3A_698 = arith.constant 64 : index
        %swap3A_699 = tpu.vector_load %swap3A_696[%swap3A_697, %swap3A_698] {strides = array<i32>} : memref<100x128xf32, #tpu.memory_space<vmem>>, vector<1x16xf32>,
        %swap3A_700 = vector.shape_cast %swap3A_699 : vector<1x16xf32> to vector<16xf32>
        %swap3A_701 = vector.shape_cast %get3A_692 : vector<16xf32> to vector<1x16xf32>
        tpu.vector_store %swap3A_696[%swap3A_697, %swap3A_698], %swap3A_701 {add = true, strides = array<i32>} : memref<100x128xf32, #tpu.memory_space<vmem>>, vector<1x16xf32>,
        %get3A_702 = arith.index_cast %add3A_638 : i32 to index
        %get3A_703 = arith.constant 80 : index
        %get3A_704 = tpu.vector_load %arg7[%get3A_702, %get3A_703] {strides = array<i32>} : memref<200x128xf32, #tpu.memory_space<vmem>>, vector<1x16xf32>,
        %get3A_705 = vector.shape_cast %get3A_704 : vector<1x16xf32> to vector<16xf32>
        %swap3A_706 = arith.constant 0 : i32
        %swap3A_707 = arith.constant 0 : i32
        %swap3A_708 = tpu.memref_slice %arg8[%scan3A_345, %swap3A_706, %swap3A_707] : memref<6x100x128xf32, #tpu.memory_space<vmem>> -> memref<1x100x128xf32, #tpu.memory_space<vmem>>
        %swap3A_709 = tpu.memref_squeeze %swap3A_708 : memref<1x100x128xf32, #tpu.memory_space<vmem>> -> memref<100x128xf32, #tpu.memory_space<vmem>>
        %swap3A_710 = arith.index_cast %scan3A_637 : i32 to index
        %swap3A_711 = arith.constant 80 : index
        %swap3A_712 = tpu.vector_load %swap3A_709[%swap3A_710, %swap3A_711] {strides = array<i32>} : memref<100x128xf32, #tpu.memory_space<vmem>>, vector<1x16xf32>,
        %swap3A_713 = vector.shape_cast %swap3A_712 : vector<1x16xf32> to vector<16xf32>
        %swap3A_714 = vector.shape_cast %get3A_705 : vector<16xf32> to vector<1x16xf32>
        tpu.vector_store %swap3A_709[%swap3A_710, %swap3A_711], %swap3A_714 {add = true, strides = array<i32>} : memref<100x128xf32, #tpu.memory_space<vmem>>, vector<1x16xf32>,
        %get3A_715 = arith.index_cast %add3A_638 : i32 to index
        %get3A_716 = arith.constant 96 : index
        %get3A_717 = tpu.vector_load %arg7[%get3A_715, %get3A_716] {strides = array<i32>} : memref<200x128xf32, #tpu.memory_space<vmem>>, vector<1x16xf32>,
        %get3A_718 = vector.shape_cast %get3A_717 : vector<1x16xf32> to vector<16xf32>
        %swap3A_719 = arith.constant 0 : i32
        %swap3A_720 = arith.constant 0 : i32
        %swap3A_721 = tpu.memref_slice %arg8[%scan3A_345, %swap3A_719, %swap3A_720] : memref<6x100x128xf32, #tpu.memory_space<vmem>> -> memref<1x100x128xf32, #tpu.memory_space<vmem>>
        %swap3A_722 = tpu.memref_squeeze %swap3A_721 : memref<1x100x128xf32, #tpu.memory_space<vmem>> -> memref<100x128xf32, #tpu.memory_space<vmem>>
        %swap3A_723 = arith.index_cast %scan3A_637 : i32 to index
        %swap3A_724 = arith.constant 96 : index
        %swap3A_725 = tpu.vector_load %swap3A_722[%swap3A_723, %swap3A_724] {strides = array<i32>} : memref<100x128xf32, #tpu.memory_space<vmem>>, vector<1x16xf32>,
        %swap3A_726 = vector.shape_cast %swap3A_725 : vector<1x16xf32> to vector<16xf32>
        %swap3A_727 = vector.shape_cast %get3A_718 : vector<16xf32> to vector<1x16xf32>
        tpu.vector_store %swap3A_722[%swap3A_723, %swap3A_724], %swap3A_727 {add = true, strides = array<i32>} : memref<100x128xf32, #tpu.memory_space<vmem>>, vector<1x16xf32>,
        %get3A_728 = arith.index_cast %add3A_638 : i32 to index
        %get3A_729 = arith.constant 112 : index
        %get3A_730 = tpu.vector_load %arg7[%get3A_728, %get3A_729] {strides = array<i32>} : memref<200x128xf32, #tpu.memory_space<vmem>>, vector<1x16xf32>,
        %get3A_731 = vector.shape_cast %get3A_730 : vector<1x16xf32> to vector<16xf32>
        %swap3A_732 = arith.constant 0 : i32
        %swap3A_733 = arith.constant 0 : i32
        %swap3A_734 = tpu.memref_slice %arg8[%scan3A_345, %swap3A_732, %swap3A_733] : memref<6x100x128xf32, #tpu.memory_space<vmem>> -> memref<1x100x128xf32, #tpu.memory_space<vmem>>
        %swap3A_735 = tpu.memref_squeeze %swap3A_734 : memref<1x100x128xf32, #tpu.memory_space<vmem>> -> memref<100x128xf32, #tpu.memory_space<vmem>>
        %swap3A_736 = arith.index_cast %scan3A_637 : i32 to index
        %swap3A_737 = arith.constant 112 : index
        %swap3A_738 = tpu.vector_load %swap3A_735[%swap3A_736, %swap3A_737] {strides = array<i32>} : memref<100x128xf32, #tpu.memory_space<vmem>>, vector<1x16xf32>,
        %swap3A_739 = vector.shape_cast %swap3A_738 : vector<1x16xf32> to vector<16xf32>
        %swap3A_740 = vector.shape_cast %get3A_731 : vector<16xf32> to vector<1x16xf32>
        tpu.vector_store %swap3A_735[%swap3A_736, %swap3A_737], %swap3A_740 {add = true, strides = array<i32>} : memref<100x128xf32, #tpu.memory_space<vmem>>, vector<1x16xf32>,
      }
      %scan3A_350 = arith.constant 100 : i32
      %mul3A_351 = arith.constant 100 : i32
      %mul3A_352 = arith.muli %add3A_320, %mul3A_351 : i32
      %add3A_353 = arith.addi %mul3A_2, %mul3A_352 : i32
      %dma_start3A_354 = arith.constant 0 : i32
      %dma_start3A_355 = arith.constant 0 : i32
      %dma_start3A_356 = arith.constant 0 : i32
      %dma_start3A_357 = tpu.memref_slice %arg8[%dma_start3A_354, %dma_start3A_355, %dma_start3A_356] : memref<6x100x128xf32, #tpu.memory_space<vmem>> -> memref<1x100x128xf32, #tpu.memory_space<vmem>>
      %dma_start3A_358 = tpu.memref_squeeze %dma_start3A_357 : memref<1x100x128xf32, #tpu.memory_space<vmem>> -> memref<100x128xf32, #tpu.memory_space<vmem>>
      %dma_start3A_359 = arith.constant 0 : i32
      %dma_start3A_360 = tpu.memref_slice %arg5[%add3A_353, %dma_start3A_359] : memref<204800x128xf32, #tpu.memory_space<hbm>> -> memref<100x128xf32, #tpu.memory_space<hbm>>
      %dma_start3A_361 = arith.constant 0 : i32
      %dma_start3A_362 = tpu.memref_slice %arg5[%add3A_353, %dma_start3A_361] : memref<204800x128xf32, #tpu.memory_space<hbm>> -> memref<100x128xf32, #tpu.memory_space<hbm>>
      %dma_start3A_363 = arith.constant 0 : i32
      %dma_start3A_364 = arith.constant 0 : i32
      %dma_start3A_365 = tpu.memref_slice %arg8[%dma_start3A_354, %dma_start3A_363, %dma_start3A_364] : memref<6x100x128xf32, #tpu.memory_space<vmem>> -> memref<1x100x128xf32, #tpu.memory_space<vmem>>
      %dma_start3A_366 = tpu.memref_squeeze %dma_start3A_365 : memref<1x100x128xf32, #tpu.memory_space<vmem>> -> memref<100x128xf32, #tpu.memory_space<vmem>>
      tpu.enqueue_dma source(%dma_start3A_366 : memref<100x128xf32, #tpu.memory_space<vmem>>) target(%dma_start3A_362 : memref<100x128xf32, #tpu.memory_space<hbm>>) target_semaphore(%arg15 : memref<!tpu.dma_semaphore, #tpu.memory_space<semaphore_mem>>)
      %mul3A_367 = arith.constant 6 : i32
      %mul3A_368 = arith.muli %scan3A_316, %mul3A_367 : i32
      %add3A_369 = arith.constant 1 : i32
      %add3A_370 = arith.addi %mul3A_368, %add3A_369 : i32
      %dma_wait3A_371 = arith.constant 1 : i32
      %dma_wait3A_372 = arith.constant 0 : i32
      %dma_wait3A_373 = arith.constant 0 : i32
      %dma_wait3A_374 = tpu.memref_slice %arg8[%dma_wait3A_371, %dma_wait3A_372, %dma_wait3A_373] : memref<6x100x128xf32, #tpu.memory_space<vmem>> -> memref<1x100x128xf32, #tpu.memory_space<vmem>>
      %dma_wait3A_375 = tpu.memref_squeeze %dma_wait3A_374 : memref<1x100x128xf32, #tpu.memory_space<vmem>> -> memref<100x128xf32, #tpu.memory_space<vmem>>
      %dma_wait3A_376 = arith.constant 0 : i32
      %dma_wait3A_377 = tpu.memref_slice %arg6[%add3A_370, %dma_wait3A_376] : memref<64x100xi32, #tpu.memory_space<vmem>> -> memref<1x100xi32, #tpu.memory_space<vmem>>
      %dma_wait3A_378 = tpu.memref_squeeze %dma_wait3A_377 : memref<1x100xi32, #tpu.memory_space<vmem>> -> memref<100xi32, #tpu.memory_space<vmem>>
      %dma_wait3A_379 = arith.constant 0 : i32
      %dma_wait3A_380 = arith.constant 0 : i32
      %dma_wait3A_381 = tpu.memref_slice %arg2[%dma_wait3A_379, %dma_wait3A_380] : memref<100000x128xf32, #tpu.memory_space<hbm>> -> memref<100000x128xf32, #tpu.memory_space<hbm>>
      tpu.wait_indirect_dma semaphore(%arg10 : memref<!tpu.dma_semaphore, #tpu.memory_space<semaphore_mem>>) src(%dma_wait3A_381 : memref<100000x128xf32, #tpu.memory_space<hbm>>) dst(%dma_wait3A_375 : memref<100x128xf32, #tpu.memory_space<vmem>>)
      %ge3A_382 = arith.constant 3 : i32
      %ge3A_383 = arith.cmpi sge, %add3A_370, %ge3A_382 : i32
      %convert_element_type3A_384 = arith.extui %ge3A_383 : i1 to i32
      %cond3A_385 = arith.constant 0 : i32
      %cond3A_386 = arith.cmpi ne, %convert_element_type3A_384, %cond3A_385 : i32
      scf.if %cond3A_386 {
        %dma_wait3A_637 = arith.constant 4 : i32
        %dma_wait3A_638 = arith.constant 0 : i32
        %dma_wait3A_639 = arith.constant 0 : i32
        %dma_wait3A_640 = tpu.memref_slice %arg8[%dma_wait3A_637, %dma_wait3A_638, %dma_wait3A_639] : memref<6x100x128xf32, #tpu.memory_space<vmem>> -> memref<1x100x128xf32, #tpu.memory_space<vmem>>
        %dma_wait3A_641 = tpu.memref_squeeze %dma_wait3A_640 : memref<1x100x128xf32, #tpu.memory_space<vmem>> -> memref<100x128xf32, #tpu.memory_space<vmem>>
        %dma_wait3A_642 = arith.constant 0 : i32
        %dma_wait3A_643 = arith.constant 0 : i32
        %dma_wait3A_644 = tpu.memref_slice %arg5[%dma_wait3A_642, %dma_wait3A_643] : memref<204800x128xf32, #tpu.memory_space<hbm>> -> memref<100x128xf32, #tpu.memory_space<hbm>>
        %dma_wait3A_645 = arith.constant 0 : i32
        %dma_wait3A_646 = arith.constant 0 : i32
        %dma_wait3A_647 = tpu.memref_slice %arg5[%dma_wait3A_645, %dma_wait3A_646] : memref<204800x128xf32, #tpu.memory_space<hbm>> -> memref<100x128xf32, #tpu.memory_space<hbm>>
        %dma_wait3A_648 = arith.constant 0 : i32
        %dma_wait3A_649 = arith.constant 0 : i32
        %dma_wait3A_650 = tpu.memref_slice %arg8[%dma_wait3A_637, %dma_wait3A_648, %dma_wait3A_649] : memref<6x100x128xf32, #tpu.memory_space<vmem>> -> memref<1x100x128xf32, #tpu.memory_space<vmem>>
        %dma_wait3A_651 = tpu.memref_squeeze %dma_wait3A_650 : memref<1x100x128xf32, #tpu.memory_space<vmem>> -> memref<100x128xf32, #tpu.memory_space<vmem>>
        tpu.wait_dma2 semaphore(%arg19 : memref<!tpu.dma_semaphore, #tpu.memory_space<semaphore_mem>>) src(%dma_wait3A_651 : memref<100x128xf32, #tpu.memory_space<vmem>>) dst(%dma_wait3A_647 : memref<100x128xf32, #tpu.memory_space<hbm>>)
      } else {
      }
      %add3A_387 = arith.constant 3 : i32
      %add3A_388 = arith.addi %add3A_370, %add3A_387 : i32
      %lt3A_389 = arith.constant 64 : i32
      %lt3A_390 = arith.cmpi slt, %add3A_388, %lt3A_389 : i32
      %convert_element_type3A_391 = arith.extui %lt3A_390 : i1 to i32
      %cond3A_392 = arith.constant 0 : i32
      %cond3A_393 = arith.cmpi ne, %convert_element_type3A_391, %cond3A_392 : i32
      scf.if %cond3A_393 {
        %add3A_637 = arith.constant 3 : i32
        %add3A_638 = arith.addi %add3A_370, %add3A_637 : i32
        %dma_start3A_639 = arith.constant 4 : i32
        %dma_start3A_640 = arith.constant 0 : i32
        %dma_start3A_641 = arith.constant 0 : i32
        %dma_start3A_642 = tpu.memref_slice %arg8[%dma_start3A_639, %dma_start3A_640, %dma_start3A_641] : memref<6x100x128xf32, #tpu.memory_space<vmem>> -> memref<1x100x128xf32, #tpu.memory_space<vmem>>
        %dma_start3A_643 = tpu.memref_squeeze %dma_start3A_642 : memref<1x100x128xf32, #tpu.memory_space<vmem>> -> memref<100x128xf32, #tpu.memory_space<vmem>>
        %dma_start3A_644 = arith.constant 0 : i32
        %dma_start3A_645 = tpu.memref_slice %arg6[%add3A_638, %dma_start3A_644] : memref<64x100xi32, #tpu.memory_space<vmem>> -> memref<1x100xi32, #tpu.memory_space<vmem>>
        %dma_start3A_646 = tpu.memref_squeeze %dma_start3A_645 : memref<1x100xi32, #tpu.memory_space<vmem>> -> memref<100xi32, #tpu.memory_space<vmem>>
        %dma_start3A_647 = arith.constant 0 : i32
        %dma_start3A_648 = arith.constant 0 : i32
        %dma_start3A_649 = tpu.memref_slice %arg2[%dma_start3A_647, %dma_start3A_648] : memref<100000x128xf32, #tpu.memory_space<hbm>> -> memref<100000x128xf32, #tpu.memory_space<hbm>>
        tpu.enqueue_indirect_dma source(%dma_start3A_649 : memref<100000x128xf32, #tpu.memory_space<hbm>>) target(%dma_start3A_643 : memref<100x128xf32, #tpu.memory_space<vmem>>) offsets(%dma_start3A_646 : memref<100xi32, #tpu.memory_space<vmem>>) semaphore(%arg13 : memref<!tpu.dma_semaphore, #tpu.memory_space<semaphore_mem>>)
      } else {
      }
      %rem3A_394 = arith.constant 2 : i32
      %rem3A_395 = arith.remsi %add3A_370, %rem3A_394 : i32
      %mul3A_396 = arith.constant 100 : i32
      %mul3A_397 = arith.muli %rem3A_395, %mul3A_396 : i32
      %scan3A_398 = arith.constant 0 : i32
      %scan3A_399 = arith.constant 1 : i32
      %scan3A_400 = arith.constant 0 : i32
      %scan3A_401 = arith.constant 100 : i32
      %scan3A_402 = arith.addi %scan3A_400, %scan3A_401 : i32
      %scan3A_403 = arith.constant 1 : i32
      scf.for %scan3A_637 = %scan3A_400 to %scan3A_402 step %scan3A_403  : i32 {
        %add3A_638 = arith.addi %mul3A_397, %scan3A_637 : i32
        %get3A = arith.index_cast %add3A_638 : i32 to index
        %get3A_639 = arith.constant 0 : index
        %get3A_640 = tpu.vector_load %arg7[%get3A, %get3A_639] {strides = array<i32>} : memref<200x128xf32, #tpu.memory_space<vmem>>, vector<1x16xf32>,
        %get3A_641 = vector.shape_cast %get3A_640 : vector<1x16xf32> to vector<16xf32>
        %swap3A = arith.constant 0 : i32
        %swap3A_642 = arith.constant 0 : i32
        %swap3A_643 = tpu.memref_slice %arg8[%scan3A_399, %swap3A, %swap3A_642] : memref<6x100x128xf32, #tpu.memory_space<vmem>> -> memref<1x100x128xf32, #tpu.memory_space<vmem>>
        %swap3A_644 = tpu.memref_squeeze %swap3A_643 : memref<1x100x128xf32, #tpu.memory_space<vmem>> -> memref<100x128xf32, #tpu.memory_space<vmem>>
        %swap3A_645 = arith.index_cast %scan3A_637 : i32 to index
        %swap3A_646 = arith.constant 0 : index
        %swap3A_647 = tpu.vector_load %swap3A_644[%swap3A_645, %swap3A_646] {strides = array<i32>} : memref<100x128xf32, #tpu.memory_space<vmem>>, vector<1x16xf32>,
        %swap3A_648 = vector.shape_cast %swap3A_647 : vector<1x16xf32> to vector<16xf32>
        %swap3A_649 = vector.shape_cast %get3A_641 : vector<16xf32> to vector<1x16xf32>
        tpu.vector_store %swap3A_644[%swap3A_645, %swap3A_646], %swap3A_649 {add = true, strides = array<i32>} : memref<100x128xf32, #tpu.memory_space<vmem>>, vector<1x16xf32>,
        %get3A_650 = arith.index_cast %add3A_638 : i32 to index
        %get3A_651 = arith.constant 16 : index
        %get3A_652 = tpu.vector_load %arg7[%get3A_650, %get3A_651] {strides = array<i32>} : memref<200x128xf32, #tpu.memory_space<vmem>>, vector<1x16xf32>,
        %get3A_653 = vector.shape_cast %get3A_652 : vector<1x16xf32> to vector<16xf32>
        %swap3A_654 = arith.constant 0 : i32
        %swap3A_655 = arith.constant 0 : i32
        %swap3A_656 = tpu.memref_slice %arg8[%scan3A_399, %swap3A_654, %swap3A_655] : memref<6x100x128xf32, #tpu.memory_space<vmem>> -> memref<1x100x128xf32, #tpu.memory_space<vmem>>
        %swap3A_657 = tpu.memref_squeeze %swap3A_656 : memref<1x100x128xf32, #tpu.memory_space<vmem>> -> memref<100x128xf32, #tpu.memory_space<vmem>>
        %swap3A_658 = arith.index_cast %scan3A_637 : i32 to index
        %swap3A_659 = arith.constant 16 : index
        %swap3A_660 = tpu.vector_load %swap3A_657[%swap3A_658, %swap3A_659] {strides = array<i32>} : memref<100x128xf32, #tpu.memory_space<vmem>>, vector<1x16xf32>,
        %swap3A_661 = vector.shape_cast %swap3A_660 : vector<1x16xf32> to vector<16xf32>
        %swap3A_662 = vector.shape_cast %get3A_653 : vector<16xf32> to vector<1x16xf32>
        tpu.vector_store %swap3A_657[%swap3A_658, %swap3A_659], %swap3A_662 {add = true, strides = array<i32>} : memref<100x128xf32, #tpu.memory_space<vmem>>, vector<1x16xf32>,
        %get3A_663 = arith.index_cast %add3A_638 : i32 to index
        %get3A_664 = arith.constant 32 : index
        %get3A_665 = tpu.vector_load %arg7[%get3A_663, %get3A_664] {strides = array<i32>} : memref<200x128xf32, #tpu.memory_space<vmem>>, vector<1x16xf32>,
        %get3A_666 = vector.shape_cast %get3A_665 : vector<1x16xf32> to vector<16xf32>
        %swap3A_667 = arith.constant 0 : i32
        %swap3A_668 = arith.constant 0 : i32
        %swap3A_669 = tpu.memref_slice %arg8[%scan3A_399, %swap3A_667, %swap3A_668] : memref<6x100x128xf32, #tpu.memory_space<vmem>> -> memref<1x100x128xf32, #tpu.memory_space<vmem>>
        %swap3A_670 = tpu.memref_squeeze %swap3A_669 : memref<1x100x128xf32, #tpu.memory_space<vmem>> -> memref<100x128xf32, #tpu.memory_space<vmem>>
        %swap3A_671 = arith.index_cast %scan3A_637 : i32 to index
        %swap3A_672 = arith.constant 32 : index
        %swap3A_673 = tpu.vector_load %swap3A_670[%swap3A_671, %swap3A_672] {strides = array<i32>} : memref<100x128xf32, #tpu.memory_space<vmem>>, vector<1x16xf32>,
        %swap3A_674 = vector.shape_cast %swap3A_673 : vector<1x16xf32> to vector<16xf32>
        %swap3A_675 = vector.shape_cast %get3A_666 : vector<16xf32> to vector<1x16xf32>
        tpu.vector_store %swap3A_670[%swap3A_671, %swap3A_672], %swap3A_675 {add = true, strides = array<i32>} : memref<100x128xf32, #tpu.memory_space<vmem>>, vector<1x16xf32>,
        %get3A_676 = arith.index_cast %add3A_638 : i32 to index
        %get3A_677 = arith.constant 48 : index
        %get3A_678 = tpu.vector_load %arg7[%get3A_676, %get3A_677] {strides = array<i32>} : memref<200x128xf32, #tpu.memory_space<vmem>>, vector<1x16xf32>,
        %get3A_679 = vector.shape_cast %get3A_678 : vector<1x16xf32> to vector<16xf32>
        %swap3A_680 = arith.constant 0 : i32
        %swap3A_681 = arith.constant 0 : i32
        %swap3A_682 = tpu.memref_slice %arg8[%scan3A_399, %swap3A_680, %swap3A_681] : memref<6x100x128xf32, #tpu.memory_space<vmem>> -> memref<1x100x128xf32, #tpu.memory_space<vmem>>
        %swap3A_683 = tpu.memref_squeeze %swap3A_682 : memref<1x100x128xf32, #tpu.memory_space<vmem>> -> memref<100x128xf32, #tpu.memory_space<vmem>>
        %swap3A_684 = arith.index_cast %scan3A_637 : i32 to index
        %swap3A_685 = arith.constant 48 : index
        %swap3A_686 = tpu.vector_load %swap3A_683[%swap3A_684, %swap3A_685] {strides = array<i32>} : memref<100x128xf32, #tpu.memory_space<vmem>>, vector<1x16xf32>,
        %swap3A_687 = vector.shape_cast %swap3A_686 : vector<1x16xf32> to vector<16xf32>
        %swap3A_688 = vector.shape_cast %get3A_679 : vector<16xf32> to vector<1x16xf32>
        tpu.vector_store %swap3A_683[%swap3A_684, %swap3A_685], %swap3A_688 {add = true, strides = array<i32>} : memref<100x128xf32, #tpu.memory_space<vmem>>, vector<1x16xf32>,
        %get3A_689 = arith.index_cast %add3A_638 : i32 to index
        %get3A_690 = arith.constant 64 : index
        %get3A_691 = tpu.vector_load %arg7[%get3A_689, %get3A_690] {strides = array<i32>} : memref<200x128xf32, #tpu.memory_space<vmem>>, vector<1x16xf32>,
        %get3A_692 = vector.shape_cast %get3A_691 : vector<1x16xf32> to vector<16xf32>
        %swap3A_693 = arith.constant 0 : i32
        %swap3A_694 = arith.constant 0 : i32
        %swap3A_695 = tpu.memref_slice %arg8[%scan3A_399, %swap3A_693, %swap3A_694] : memref<6x100x128xf32, #tpu.memory_space<vmem>> -> memref<1x100x128xf32, #tpu.memory_space<vmem>>
        %swap3A_696 = tpu.memref_squeeze %swap3A_695 : memref<1x100x128xf32, #tpu.memory_space<vmem>> -> memref<100x128xf32, #tpu.memory_space<vmem>>
        %swap3A_697 = arith.index_cast %scan3A_637 : i32 to index
        %swap3A_698 = arith.constant 64 : index
        %swap3A_699 = tpu.vector_load %swap3A_696[%swap3A_697, %swap3A_698] {strides = array<i32>} : memref<100x128xf32, #tpu.memory_space<vmem>>, vector<1x16xf32>,
        %swap3A_700 = vector.shape_cast %swap3A_699 : vector<1x16xf32> to vector<16xf32>
        %swap3A_701 = vector.shape_cast %get3A_692 : vector<16xf32> to vector<1x16xf32>
        tpu.vector_store %swap3A_696[%swap3A_697, %swap3A_698], %swap3A_701 {add = true, strides = array<i32>} : memref<100x128xf32, #tpu.memory_space<vmem>>, vector<1x16xf32>,
        %get3A_702 = arith.index_cast %add3A_638 : i32 to index
        %get3A_703 = arith.constant 80 : index
        %get3A_704 = tpu.vector_load %arg7[%get3A_702, %get3A_703] {strides = array<i32>} : memref<200x128xf32, #tpu.memory_space<vmem>>, vector<1x16xf32>,
        %get3A_705 = vector.shape_cast %get3A_704 : vector<1x16xf32> to vector<16xf32>
        %swap3A_706 = arith.constant 0 : i32
        %swap3A_707 = arith.constant 0 : i32
        %swap3A_708 = tpu.memref_slice %arg8[%scan3A_399, %swap3A_706, %swap3A_707] : memref<6x100x128xf32, #tpu.memory_space<vmem>> -> memref<1x100x128xf32, #tpu.memory_space<vmem>>
        %swap3A_709 = tpu.memref_squeeze %swap3A_708 : memref<1x100x128xf32, #tpu.memory_space<vmem>> -> memref<100x128xf32, #tpu.memory_space<vmem>>
        %swap3A_710 = arith.index_cast %scan3A_637 : i32 to index
        %swap3A_711 = arith.constant 80 : index
        %swap3A_712 = tpu.vector_load %swap3A_709[%swap3A_710, %swap3A_711] {strides = array<i32>} : memref<100x128xf32, #tpu.memory_space<vmem>>, vector<1x16xf32>,
        %swap3A_713 = vector.shape_cast %swap3A_712 : vector<1x16xf32> to vector<16xf32>
        %swap3A_714 = vector.shape_cast %get3A_705 : vector<16xf32> to vector<1x16xf32>
        tpu.vector_store %swap3A_709[%swap3A_710, %swap3A_711], %swap3A_714 {add = true, strides = array<i32>} : memref<100x128xf32, #tpu.memory_space<vmem>>, vector<1x16xf32>,
        %get3A_715 = arith.index_cast %add3A_638 : i32 to index
        %get3A_716 = arith.constant 96 : index
        %get3A_717 = tpu.vector_load %arg7[%get3A_715, %get3A_716] {strides = array<i32>} : memref<200x128xf32, #tpu.memory_space<vmem>>, vector<1x16xf32>,
        %get3A_718 = vector.shape_cast %get3A_717 : vector<1x16xf32> to vector<16xf32>
        %swap3A_719 = arith.constant 0 : i32
        %swap3A_720 = arith.constant 0 : i32
        %swap3A_721 = tpu.memref_slice %arg8[%scan3A_399, %swap3A_719, %swap3A_720] : memref<6x100x128xf32, #tpu.memory_space<vmem>> -> memref<1x100x128xf32, #tpu.memory_space<vmem>>
        %swap3A_722 = tpu.memref_squeeze %swap3A_721 : memref<1x100x128xf32, #tpu.memory_space<vmem>> -> memref<100x128xf32, #tpu.memory_space<vmem>>
        %swap3A_723 = arith.index_cast %scan3A_637 : i32 to index
        %swap3A_724 = arith.constant 96 : index
        %swap3A_725 = tpu.vector_load %swap3A_722[%swap3A_723, %swap3A_724] {strides = array<i32>} : memref<100x128xf32, #tpu.memory_space<vmem>>, vector<1x16xf32>,
        %swap3A_726 = vector.shape_cast %swap3A_725 : vector<1x16xf32> to vector<16xf32>
        %swap3A_727 = vector.shape_cast %get3A_718 : vector<16xf32> to vector<1x16xf32>
        tpu.vector_store %swap3A_722[%swap3A_723, %swap3A_724], %swap3A_727 {add = true, strides = array<i32>} : memref<100x128xf32, #tpu.memory_space<vmem>>, vector<1x16xf32>,
        %get3A_728 = arith.index_cast %add3A_638 : i32 to index
        %get3A_729 = arith.constant 112 : index
        %get3A_730 = tpu.vector_load %arg7[%get3A_728, %get3A_729] {strides = array<i32>} : memref<200x128xf32, #tpu.memory_space<vmem>>, vector<1x16xf32>,
        %get3A_731 = vector.shape_cast %get3A_730 : vector<1x16xf32> to vector<16xf32>
        %swap3A_732 = arith.constant 0 : i32
        %swap3A_733 = arith.constant 0 : i32
        %swap3A_734 = tpu.memref_slice %arg8[%scan3A_399, %swap3A_732, %swap3A_733] : memref<6x100x128xf32, #tpu.memory_space<vmem>> -> memref<1x100x128xf32, #tpu.memory_space<vmem>>
        %swap3A_735 = tpu.memref_squeeze %swap3A_734 : memref<1x100x128xf32, #tpu.memory_space<vmem>> -> memref<100x128xf32, #tpu.memory_space<vmem>>
        %swap3A_736 = arith.index_cast %scan3A_637 : i32 to index
        %swap3A_737 = arith.constant 112 : index
        %swap3A_738 = tpu.vector_load %swap3A_735[%swap3A_736, %swap3A_737] {strides = array<i32>} : memref<100x128xf32, #tpu.memory_space<vmem>>, vector<1x16xf32>,
        %swap3A_739 = vector.shape_cast %swap3A_738 : vector<1x16xf32> to vector<16xf32>
        %swap3A_740 = vector.shape_cast %get3A_731 : vector<16xf32> to vector<1x16xf32>
        tpu.vector_store %swap3A_735[%swap3A_736, %swap3A_737], %swap3A_740 {add = true, strides = array<i32>} : memref<100x128xf32, #tpu.memory_space<vmem>>, vector<1x16xf32>,
      }
      %scan3A_404 = arith.constant 100 : i32
      %mul3A_405 = arith.constant 100 : i32
      %mul3A_406 = arith.muli %add3A_370, %mul3A_405 : i32
      %add3A_407 = arith.addi %mul3A_2, %mul3A_406 : i32
      %dma_start3A_408 = arith.constant 1 : i32
      %dma_start3A_409 = arith.constant 0 : i32
      %dma_start3A_410 = arith.constant 0 : i32
      %dma_start3A_411 = tpu.memref_slice %arg8[%dma_start3A_408, %dma_start3A_409, %dma_start3A_410] : memref<6x100x128xf32, #tpu.memory_space<vmem>> -> memref<1x100x128xf32, #tpu.memory_space<vmem>>
      %dma_start3A_412 = tpu.memref_squeeze %dma_start3A_411 : memref<1x100x128xf32, #tpu.memory_space<vmem>> -> memref<100x128xf32, #tpu.memory_space<vmem>>
      %dma_start3A_413 = arith.constant 0 : i32
      %dma_start3A_414 = tpu.memref_slice %arg5[%add3A_407, %dma_start3A_413] : memref<204800x128xf32, #tpu.memory_space<hbm>> -> memref<100x128xf32, #tpu.memory_space<hbm>>
      %dma_start3A_415 = arith.constant 0 : i32
      %dma_start3A_416 = tpu.memref_slice %arg5[%add3A_407, %dma_start3A_415] : memref<204800x128xf32, #tpu.memory_space<hbm>> -> memref<100x128xf32, #tpu.memory_space<hbm>>
      %dma_start3A_417 = arith.constant 0 : i32
      %dma_start3A_418 = arith.constant 0 : i32
      %dma_start3A_419 = tpu.memref_slice %arg8[%dma_start3A_408, %dma_start3A_417, %dma_start3A_418] : memref<6x100x128xf32, #tpu.memory_space<vmem>> -> memref<1x100x128xf32, #tpu.memory_space<vmem>>
      %dma_start3A_420 = tpu.memref_squeeze %dma_start3A_419 : memref<1x100x128xf32, #tpu.memory_space<vmem>> -> memref<100x128xf32, #tpu.memory_space<vmem>>
      tpu.enqueue_dma source(%dma_start3A_420 : memref<100x128xf32, #tpu.memory_space<vmem>>) target(%dma_start3A_416 : memref<100x128xf32, #tpu.memory_space<hbm>>) target_semaphore(%arg16 : memref<!tpu.dma_semaphore, #tpu.memory_space<semaphore_mem>>)
      %mul3A_421 = arith.constant 6 : i32
      %mul3A_422 = arith.muli %scan3A_316, %mul3A_421 : i32
      %add3A_423 = arith.constant 2 : i32
      %add3A_424 = arith.addi %mul3A_422, %add3A_423 : i32
      %dma_wait3A_425 = arith.constant 2 : i32
      %dma_wait3A_426 = arith.constant 0 : i32
      %dma_wait3A_427 = arith.constant 0 : i32
      %dma_wait3A_428 = tpu.memref_slice %arg8[%dma_wait3A_425, %dma_wait3A_426, %dma_wait3A_427] : memref<6x100x128xf32, #tpu.memory_space<vmem>> -> memref<1x100x128xf32, #tpu.memory_space<vmem>>
      %dma_wait3A_429 = tpu.memref_squeeze %dma_wait3A_428 : memref<1x100x128xf32, #tpu.memory_space<vmem>> -> memref<100x128xf32, #tpu.memory_space<vmem>>
      %dma_wait3A_430 = arith.constant 0 : i32
      %dma_wait3A_431 = tpu.memref_slice %arg6[%add3A_424, %dma_wait3A_430] : memref<64x100xi32, #tpu.memory_space<vmem>> -> memref<1x100xi32, #tpu.memory_space<vmem>>
      %dma_wait3A_432 = tpu.memref_squeeze %dma_wait3A_431 : memref<1x100xi32, #tpu.memory_space<vmem>> -> memref<100xi32, #tpu.memory_space<vmem>>
      %dma_wait3A_433 = arith.constant 0 : i32
      %dma_wait3A_434 = arith.constant 0 : i32
      %dma_wait3A_435 = tpu.memref_slice %arg2[%dma_wait3A_433, %dma_wait3A_434] : memref<100000x128xf32, #tpu.memory_space<hbm>> -> memref<100000x128xf32, #tpu.memory_space<hbm>>
      tpu.wait_indirect_dma semaphore(%arg11 : memref<!tpu.dma_semaphore, #tpu.memory_space<semaphore_mem>>) src(%dma_wait3A_435 : memref<100000x128xf32, #tpu.memory_space<hbm>>) dst(%dma_wait3A_429 : memref<100x128xf32, #tpu.memory_space<vmem>>)
      %ge3A_436 = arith.constant 3 : i32
      %ge3A_437 = arith.cmpi sge, %add3A_424, %ge3A_436 : i32
      %convert_element_type3A_438 = arith.extui %ge3A_437 : i1 to i32
      %cond3A_439 = arith.constant 0 : i32
      %cond3A_440 = arith.cmpi ne, %convert_element_type3A_438, %cond3A_439 : i32
      scf.if %cond3A_440 {
        %dma_wait3A_637 = arith.constant 5 : i32
        %dma_wait3A_638 = arith.constant 0 : i32
        %dma_wait3A_639 = arith.constant 0 : i32
        %dma_wait3A_640 = tpu.memref_slice %arg8[%dma_wait3A_637, %dma_wait3A_638, %dma_wait3A_639] : memref<6x100x128xf32, #tpu.memory_space<vmem>> -> memref<1x100x128xf32, #tpu.memory_space<vmem>>
        %dma_wait3A_641 = tpu.memref_squeeze %dma_wait3A_640 : memref<1x100x128xf32, #tpu.memory_space<vmem>> -> memref<100x128xf32, #tpu.memory_space<vmem>>
        %dma_wait3A_642 = arith.constant 0 : i32
        %dma_wait3A_643 = arith.constant 0 : i32
        %dma_wait3A_644 = tpu.memref_slice %arg5[%dma_wait3A_642, %dma_wait3A_643] : memref<204800x128xf32, #tpu.memory_space<hbm>> -> memref<100x128xf32, #tpu.memory_space<hbm>>
        %dma_wait3A_645 = arith.constant 0 : i32
        %dma_wait3A_646 = arith.constant 0 : i32
        %dma_wait3A_647 = tpu.memref_slice %arg5[%dma_wait3A_645, %dma_wait3A_646] : memref<204800x128xf32, #tpu.memory_space<hbm>> -> memref<100x128xf32, #tpu.memory_space<hbm>>
        %dma_wait3A_648 = arith.constant 0 : i32
        %dma_wait3A_649 = arith.constant 0 : i32
        %dma_wait3A_650 = tpu.memref_slice %arg8[%dma_wait3A_637, %dma_wait3A_648, %dma_wait3A_649] : memref<6x100x128xf32, #tpu.memory_space<vmem>> -> memref<1x100x128xf32, #tpu.memory_space<vmem>>
        %dma_wait3A_651 = tpu.memref_squeeze %dma_wait3A_650 : memref<1x100x128xf32, #tpu.memory_space<vmem>> -> memref<100x128xf32, #tpu.memory_space<vmem>>
        tpu.wait_dma2 semaphore(%arg20 : memref<!tpu.dma_semaphore, #tpu.memory_space<semaphore_mem>>) src(%dma_wait3A_651 : memref<100x128xf32, #tpu.memory_space<vmem>>) dst(%dma_wait3A_647 : memref<100x128xf32, #tpu.memory_space<hbm>>)
      } else {
      }
      %add3A_441 = arith.constant 3 : i32
      %add3A_442 = arith.addi %add3A_424, %add3A_441 : i32
      %lt3A_443 = arith.constant 64 : i32
      %lt3A_444 = arith.cmpi slt, %add3A_442, %lt3A_443 : i32
      %convert_element_type3A_445 = arith.extui %lt3A_444 : i1 to i32
      %cond3A_446 = arith.constant 0 : i32
      %cond3A_447 = arith.cmpi ne, %convert_element_type3A_445, %cond3A_446 : i32
      scf.if %cond3A_447 {
        %add3A_637 = arith.constant 3 : i32
        %add3A_638 = arith.addi %add3A_424, %add3A_637 : i32
        %dma_start3A_639 = arith.constant 5 : i32
        %dma_start3A_640 = arith.constant 0 : i32
        %dma_start3A_641 = arith.constant 0 : i32
        %dma_start3A_642 = tpu.memref_slice %arg8[%dma_start3A_639, %dma_start3A_640, %dma_start3A_641] : memref<6x100x128xf32, #tpu.memory_space<vmem>> -> memref<1x100x128xf32, #tpu.memory_space<vmem>>
        %dma_start3A_643 = tpu.memref_squeeze %dma_start3A_642 : memref<1x100x128xf32, #tpu.memory_space<vmem>> -> memref<100x128xf32, #tpu.memory_space<vmem>>
        %dma_start3A_644 = arith.constant 0 : i32
        %dma_start3A_645 = tpu.memref_slice %arg6[%add3A_638, %dma_start3A_644] : memref<64x100xi32, #tpu.memory_space<vmem>> -> memref<1x100xi32, #tpu.memory_space<vmem>>
        %dma_start3A_646 = tpu.memref_squeeze %dma_start3A_645 : memref<1x100xi32, #tpu.memory_space<vmem>> -> memref<100xi32, #tpu.memory_space<vmem>>
        %dma_start3A_647 = arith.constant 0 : i32
        %dma_start3A_648 = arith.constant 0 : i32
        %dma_start3A_649 = tpu.memref_slice %arg2[%dma_start3A_647, %dma_start3A_648] : memref<100000x128xf32, #tpu.memory_space<hbm>> -> memref<100000x128xf32, #tpu.memory_space<hbm>>
        tpu.enqueue_indirect_dma source(%dma_start3A_649 : memref<100000x128xf32, #tpu.memory_space<hbm>>) target(%dma_start3A_643 : memref<100x128xf32, #tpu.memory_space<vmem>>) offsets(%dma_start3A_646 : memref<100xi32, #tpu.memory_space<vmem>>) semaphore(%arg14 : memref<!tpu.dma_semaphore, #tpu.memory_space<semaphore_mem>>)
      } else {
      }
      %rem3A_448 = arith.constant 2 : i32
      %rem3A_449 = arith.remsi %add3A_424, %rem3A_448 : i32
      %mul3A_450 = arith.constant 100 : i32
      %mul3A_451 = arith.muli %rem3A_449, %mul3A_450 : i32
      %scan3A_452 = arith.constant 0 : i32
      %scan3A_453 = arith.constant 2 : i32
      %scan3A_454 = arith.constant 0 : i32
      %scan3A_455 = arith.constant 100 : i32
      %scan3A_456 = arith.addi %scan3A_454, %scan3A_455 : i32
      %scan3A_457 = arith.constant 1 : i32
      scf.for %scan3A_637 = %scan3A_454 to %scan3A_456 step %scan3A_457  : i32 {
        %add3A_638 = arith.addi %mul3A_451, %scan3A_637 : i32
        %get3A = arith.index_cast %add3A_638 : i32 to index
        %get3A_639 = arith.constant 0 : index
        %get3A_640 = tpu.vector_load %arg7[%get3A, %get3A_639] {strides = array<i32>} : memref<200x128xf32, #tpu.memory_space<vmem>>, vector<1x16xf32>,
        %get3A_641 = vector.shape_cast %get3A_640 : vector<1x16xf32> to vector<16xf32>
        %swap3A = arith.constant 0 : i32
        %swap3A_642 = arith.constant 0 : i32
        %swap3A_643 = tpu.memref_slice %arg8[%scan3A_453, %swap3A, %swap3A_642] : memref<6x100x128xf32, #tpu.memory_space<vmem>> -> memref<1x100x128xf32, #tpu.memory_space<vmem>>
        %swap3A_644 = tpu.memref_squeeze %swap3A_643 : memref<1x100x128xf32, #tpu.memory_space<vmem>> -> memref<100x128xf32, #tpu.memory_space<vmem>>
        %swap3A_645 = arith.index_cast %scan3A_637 : i32 to index
        %swap3A_646 = arith.constant 0 : index
        %swap3A_647 = tpu.vector_load %swap3A_644[%swap3A_645, %swap3A_646] {strides = array<i32>} : memref<100x128xf32, #tpu.memory_space<vmem>>, vector<1x16xf32>,
        %swap3A_648 = vector.shape_cast %swap3A_647 : vector<1x16xf32> to vector<16xf32>
        %swap3A_649 = vector.shape_cast %get3A_641 : vector<16xf32> to vector<1x16xf32>
        tpu.vector_store %swap3A_644[%swap3A_645, %swap3A_646], %swap3A_649 {add = true, strides = array<i32>} : memref<100x128xf32, #tpu.memory_space<vmem>>, vector<1x16xf32>,
        %get3A_650 = arith.index_cast %add3A_638 : i32 to index
        %get3A_651 = arith.constant 16 : index
        %get3A_652 = tpu.vector_load %arg7[%get3A_650, %get3A_651] {strides = array<i32>} : memref<200x128xf32, #tpu.memory_space<vmem>>, vector<1x16xf32>,
        %get3A_653 = vector.shape_cast %get3A_652 : vector<1x16xf32> to vector<16xf32>
        %swap3A_654 = arith.constant 0 : i32
        %swap3A_655 = arith.constant 0 : i32
        %swap3A_656 = tpu.memref_slice %arg8[%scan3A_453, %swap3A_654, %swap3A_655] : memref<6x100x128xf32, #tpu.memory_space<vmem>> -> memref<1x100x128xf32, #tpu.memory_space<vmem>>
        %swap3A_657 = tpu.memref_squeeze %swap3A_656 : memref<1x100x128xf32, #tpu.memory_space<vmem>> -> memref<100x128xf32, #tpu.memory_space<vmem>>
        %swap3A_658 = arith.index_cast %scan3A_637 : i32 to index
        %swap3A_659 = arith.constant 16 : index
        %swap3A_660 = tpu.vector_load %swap3A_657[%swap3A_658, %swap3A_659] {strides = array<i32>} : memref<100x128xf32, #tpu.memory_space<vmem>>, vector<1x16xf32>,
        %swap3A_661 = vector.shape_cast %swap3A_660 : vector<1x16xf32> to vector<16xf32>
        %swap3A_662 = vector.shape_cast %get3A_653 : vector<16xf32> to vector<1x16xf32>
        tpu.vector_store %swap3A_657[%swap3A_658, %swap3A_659], %swap3A_662 {add = true, strides = array<i32>} : memref<100x128xf32, #tpu.memory_space<vmem>>, vector<1x16xf32>,
        %get3A_663 = arith.index_cast %add3A_638 : i32 to index
        %get3A_664 = arith.constant 32 : index
        %get3A_665 = tpu.vector_load %arg7[%get3A_663, %get3A_664] {strides = array<i32>} : memref<200x128xf32, #tpu.memory_space<vmem>>, vector<1x16xf32>,
        %get3A_666 = vector.shape_cast %get3A_665 : vector<1x16xf32> to vector<16xf32>
        %swap3A_667 = arith.constant 0 : i32
        %swap3A_668 = arith.constant 0 : i32
        %swap3A_669 = tpu.memref_slice %arg8[%scan3A_453, %swap3A_667, %swap3A_668] : memref<6x100x128xf32, #tpu.memory_space<vmem>> -> memref<1x100x128xf32, #tpu.memory_space<vmem>>
        %swap3A_670 = tpu.memref_squeeze %swap3A_669 : memref<1x100x128xf32, #tpu.memory_space<vmem>> -> memref<100x128xf32, #tpu.memory_space<vmem>>
        %swap3A_671 = arith.index_cast %scan3A_637 : i32 to index
        %swap3A_672 = arith.constant 32 : index
        %swap3A_673 = tpu.vector_load %swap3A_670[%swap3A_671, %swap3A_672] {strides = array<i32>} : memref<100x128xf32, #tpu.memory_space<vmem>>, vector<1x16xf32>,
        %swap3A_674 = vector.shape_cast %swap3A_673 : vector<1x16xf32> to vector<16xf32>
        %swap3A_675 = vector.shape_cast %get3A_666 : vector<16xf32> to vector<1x16xf32>
        tpu.vector_store %swap3A_670[%swap3A_671, %swap3A_672], %swap3A_675 {add = true, strides = array<i32>} : memref<100x128xf32, #tpu.memory_space<vmem>>, vector<1x16xf32>,
        %get3A_676 = arith.index_cast %add3A_638 : i32 to index
        %get3A_677 = arith.constant 48 : index
        %get3A_678 = tpu.vector_load %arg7[%get3A_676, %get3A_677] {strides = array<i32>} : memref<200x128xf32, #tpu.memory_space<vmem>>, vector<1x16xf32>,
        %get3A_679 = vector.shape_cast %get3A_678 : vector<1x16xf32> to vector<16xf32>
        %swap3A_680 = arith.constant 0 : i32
        %swap3A_681 = arith.constant 0 : i32
        %swap3A_682 = tpu.memref_slice %arg8[%scan3A_453, %swap3A_680, %swap3A_681] : memref<6x100x128xf32, #tpu.memory_space<vmem>> -> memref<1x100x128xf32, #tpu.memory_space<vmem>>
        %swap3A_683 = tpu.memref_squeeze %swap3A_682 : memref<1x100x128xf32, #tpu.memory_space<vmem>> -> memref<100x128xf32, #tpu.memory_space<vmem>>
        %swap3A_684 = arith.index_cast %scan3A_637 : i32 to index
        %swap3A_685 = arith.constant 48 : index
        %swap3A_686 = tpu.vector_load %swap3A_683[%swap3A_684, %swap3A_685] {strides = array<i32>} : memref<100x128xf32, #tpu.memory_space<vmem>>, vector<1x16xf32>,
        %swap3A_687 = vector.shape_cast %swap3A_686 : vector<1x16xf32> to vector<16xf32>
        %swap3A_688 = vector.shape_cast %get3A_679 : vector<16xf32> to vector<1x16xf32>
        tpu.vector_store %swap3A_683[%swap3A_684, %swap3A_685], %swap3A_688 {add = true, strides = array<i32>} : memref<100x128xf32, #tpu.memory_space<vmem>>, vector<1x16xf32>,
        %get3A_689 = arith.index_cast %add3A_638 : i32 to index
        %get3A_690 = arith.constant 64 : index
        %get3A_691 = tpu.vector_load %arg7[%get3A_689, %get3A_690] {strides = array<i32>} : memref<200x128xf32, #tpu.memory_space<vmem>>, vector<1x16xf32>,
        %get3A_692 = vector.shape_cast %get3A_691 : vector<1x16xf32> to vector<16xf32>
        %swap3A_693 = arith.constant 0 : i32
        %swap3A_694 = arith.constant 0 : i32
        %swap3A_695 = tpu.memref_slice %arg8[%scan3A_453, %swap3A_693, %swap3A_694] : memref<6x100x128xf32, #tpu.memory_space<vmem>> -> memref<1x100x128xf32, #tpu.memory_space<vmem>>
        %swap3A_696 = tpu.memref_squeeze %swap3A_695 : memref<1x100x128xf32, #tpu.memory_space<vmem>> -> memref<100x128xf32, #tpu.memory_space<vmem>>
        %swap3A_697 = arith.index_cast %scan3A_637 : i32 to index
        %swap3A_698 = arith.constant 64 : index
        %swap3A_699 = tpu.vector_load %swap3A_696[%swap3A_697, %swap3A_698] {strides = array<i32>} : memref<100x128xf32, #tpu.memory_space<vmem>>, vector<1x16xf32>,
        %swap3A_700 = vector.shape_cast %swap3A_699 : vector<1x16xf32> to vector<16xf32>
        %swap3A_701 = vector.shape_cast %get3A_692 : vector<16xf32> to vector<1x16xf32>
        tpu.vector_store %swap3A_696[%swap3A_697, %swap3A_698], %swap3A_701 {add = true, strides = array<i32>} : memref<100x128xf32, #tpu.memory_space<vmem>>, vector<1x16xf32>,
        %get3A_702 = arith.index_cast %add3A_638 : i32 to index
        %get3A_703 = arith.constant 80 : index
        %get3A_704 = tpu.vector_load %arg7[%get3A_702, %get3A_703] {strides = array<i32>} : memref<200x128xf32, #tpu.memory_space<vmem>>, vector<1x16xf32>,
        %get3A_705 = vector.shape_cast %get3A_704 : vector<1x16xf32> to vector<16xf32>
        %swap3A_706 = arith.constant 0 : i32
        %swap3A_707 = arith.constant 0 : i32
        %swap3A_708 = tpu.memref_slice %arg8[%scan3A_453, %swap3A_706, %swap3A_707] : memref<6x100x128xf32, #tpu.memory_space<vmem>> -> memref<1x100x128xf32, #tpu.memory_space<vmem>>
        %swap3A_709 = tpu.memref_squeeze %swap3A_708 : memref<1x100x128xf32, #tpu.memory_space<vmem>> -> memref<100x128xf32, #tpu.memory_space<vmem>>
        %swap3A_710 = arith.index_cast %scan3A_637 : i32 to index
        %swap3A_711 = arith.constant 80 : index
        %swap3A_712 = tpu.vector_load %swap3A_709[%swap3A_710, %swap3A_711] {strides = array<i32>} : memref<100x128xf32, #tpu.memory_space<vmem>>, vector<1x16xf32>,
        %swap3A_713 = vector.shape_cast %swap3A_712 : vector<1x16xf32> to vector<16xf32>
        %swap3A_714 = vector.shape_cast %get3A_705 : vector<16xf32> to vector<1x16xf32>
        tpu.vector_store %swap3A_709[%swap3A_710, %swap3A_711], %swap3A_714 {add = true, strides = array<i32>} : memref<100x128xf32, #tpu.memory_space<vmem>>, vector<1x16xf32>,
        %get3A_715 = arith.index_cast %add3A_638 : i32 to index
        %get3A_716 = arith.constant 96 : index
        %get3A_717 = tpu.vector_load %arg7[%get3A_715, %get3A_716] {strides = array<i32>} : memref<200x128xf32, #tpu.memory_space<vmem>>, vector<1x16xf32>,
        %get3A_718 = vector.shape_cast %get3A_717 : vector<1x16xf32> to vector<16xf32>
        %swap3A_719 = arith.constant 0 : i32
        %swap3A_720 = arith.constant 0 : i32
        %swap3A_721 = tpu.memref_slice %arg8[%scan3A_453, %swap3A_719, %swap3A_720] : memref<6x100x128xf32, #tpu.memory_space<vmem>> -> memref<1x100x128xf32, #tpu.memory_space<vmem>>
        %swap3A_722 = tpu.memref_squeeze %swap3A_721 : memref<1x100x128xf32, #tpu.memory_space<vmem>> -> memref<100x128xf32, #tpu.memory_space<vmem>>
        %swap3A_723 = arith.index_cast %scan3A_637 : i32 to index
        %swap3A_724 = arith.constant 96 : index
        %swap3A_725 = tpu.vector_load %swap3A_722[%swap3A_723, %swap3A_724] {strides = array<i32>} : memref<100x128xf32, #tpu.memory_space<vmem>>, vector<1x16xf32>,
        %swap3A_726 = vector.shape_cast %swap3A_725 : vector<1x16xf32> to vector<16xf32>
        %swap3A_727 = vector.shape_cast %get3A_718 : vector<16xf32> to vector<1x16xf32>
        tpu.vector_store %swap3A_722[%swap3A_723, %swap3A_724], %swap3A_727 {add = true, strides = array<i32>} : memref<100x128xf32, #tpu.memory_space<vmem>>, vector<1x16xf32>,
        %get3A_728 = arith.index_cast %add3A_638 : i32 to index
        %get3A_729 = arith.constant 112 : index
        %get3A_730 = tpu.vector_load %arg7[%get3A_728, %get3A_729] {strides = array<i32>} : memref<200x128xf32, #tpu.memory_space<vmem>>, vector<1x16xf32>,
        %get3A_731 = vector.shape_cast %get3A_730 : vector<1x16xf32> to vector<16xf32>
        %swap3A_732 = arith.constant 0 : i32
        %swap3A_733 = arith.constant 0 : i32
        %swap3A_734 = tpu.memref_slice %arg8[%scan3A_453, %swap3A_732, %swap3A_733] : memref<6x100x128xf32, #tpu.memory_space<vmem>> -> memref<1x100x128xf32, #tpu.memory_space<vmem>>
        %swap3A_735 = tpu.memref_squeeze %swap3A_734 : memref<1x100x128xf32, #tpu.memory_space<vmem>> -> memref<100x128xf32, #tpu.memory_space<vmem>>
        %swap3A_736 = arith.index_cast %scan3A_637 : i32 to index
        %swap3A_737 = arith.constant 112 : index
        %swap3A_738 = tpu.vector_load %swap3A_735[%swap3A_736, %swap3A_737] {strides = array<i32>} : memref<100x128xf32, #tpu.memory_space<vmem>>, vector<1x16xf32>,
        %swap3A_739 = vector.shape_cast %swap3A_738 : vector<1x16xf32> to vector<16xf32>
        %swap3A_740 = vector.shape_cast %get3A_731 : vector<16xf32> to vector<1x16xf32>
        tpu.vector_store %swap3A_735[%swap3A_736, %swap3A_737], %swap3A_740 {add = true, strides = array<i32>} : memref<100x128xf32, #tpu.memory_space<vmem>>, vector<1x16xf32>,
      }
      %scan3A_458 = arith.constant 100 : i32
      %mul3A_459 = arith.constant 100 : i32
      %mul3A_460 = arith.muli %add3A_424, %mul3A_459 : i32
      %add3A_461 = arith.addi %mul3A_2, %mul3A_460 : i32
      %dma_start3A_462 = arith.constant 2 : i32
      %dma_start3A_463 = arith.constant 0 : i32
      %dma_start3A_464 = arith.constant 0 : i32
      %dma_start3A_465 = tpu.memref_slice %arg8[%dma_start3A_462, %dma_start3A_463, %dma_start3A_464] : memref<6x100x128xf32, #tpu.memory_space<vmem>> -> memref<1x100x128xf32, #tpu.memory_space<vmem>>
      %dma_start3A_466 = tpu.memref_squeeze %dma_start3A_465 : memref<1x100x128xf32, #tpu.memory_space<vmem>> -> memref<100x128xf32, #tpu.memory_space<vmem>>
      %dma_start3A_467 = arith.constant 0 : i32
      %dma_start3A_468 = tpu.memref_slice %arg5[%add3A_461, %dma_start3A_467] : memref<204800x128xf32, #tpu.memory_space<hbm>> -> memref<100x128xf32, #tpu.memory_space<hbm>>
      %dma_start3A_469 = arith.constant 0 : i32
      %dma_start3A_470 = tpu.memref_slice %arg5[%add3A_461, %dma_start3A_469] : memref<204800x128xf32, #tpu.memory_space<hbm>> -> memref<100x128xf32, #tpu.memory_space<hbm>>
      %dma_start3A_471 = arith.constant 0 : i32
      %dma_start3A_472 = arith.constant 0 : i32
      %dma_start3A_473 = tpu.memref_slice %arg8[%dma_start3A_462, %dma_start3A_471, %dma_start3A_472] : memref<6x100x128xf32, #tpu.memory_space<vmem>> -> memref<1x100x128xf32, #tpu.memory_space<vmem>>
      %dma_start3A_474 = tpu.memref_squeeze %dma_start3A_473 : memref<1x100x128xf32, #tpu.memory_space<vmem>> -> memref<100x128xf32, #tpu.memory_space<vmem>>
      tpu.enqueue_dma source(%dma_start3A_474 : memref<100x128xf32, #tpu.memory_space<vmem>>) target(%dma_start3A_470 : memref<100x128xf32, #tpu.memory_space<hbm>>) target_semaphore(%arg17 : memref<!tpu.dma_semaphore, #tpu.memory_space<semaphore_mem>>)
      %mul3A_475 = arith.constant 6 : i32
      %mul3A_476 = arith.muli %scan3A_316, %mul3A_475 : i32
      %add3A_477 = arith.constant 3 : i32
      %add3A_478 = arith.addi %mul3A_476, %add3A_477 : i32
      %dma_wait3A_479 = arith.constant 3 : i32
      %dma_wait3A_480 = arith.constant 0 : i32
      %dma_wait3A_481 = arith.constant 0 : i32
      %dma_wait3A_482 = tpu.memref_slice %arg8[%dma_wait3A_479, %dma_wait3A_480, %dma_wait3A_481] : memref<6x100x128xf32, #tpu.memory_space<vmem>> -> memref<1x100x128xf32, #tpu.memory_space<vmem>>
      %dma_wait3A_483 = tpu.memref_squeeze %dma_wait3A_482 : memref<1x100x128xf32, #tpu.memory_space<vmem>> -> memref<100x128xf32, #tpu.memory_space<vmem>>
      %dma_wait3A_484 = arith.constant 0 : i32
      %dma_wait3A_485 = tpu.memref_slice %arg6[%add3A_478, %dma_wait3A_484] : memref<64x100xi32, #tpu.memory_space<vmem>> -> memref<1x100xi32, #tpu.memory_space<vmem>>
      %dma_wait3A_486 = tpu.memref_squeeze %dma_wait3A_485 : memref<1x100xi32, #tpu.memory_space<vmem>> -> memref<100xi32, #tpu.memory_space<vmem>>
      %dma_wait3A_487 = arith.constant 0 : i32
      %dma_wait3A_488 = arith.constant 0 : i32
      %dma_wait3A_489 = tpu.memref_slice %arg2[%dma_wait3A_487, %dma_wait3A_488] : memref<100000x128xf32, #tpu.memory_space<hbm>> -> memref<100000x128xf32, #tpu.memory_space<hbm>>
      tpu.wait_indirect_dma semaphore(%arg12 : memref<!tpu.dma_semaphore, #tpu.memory_space<semaphore_mem>>) src(%dma_wait3A_489 : memref<100000x128xf32, #tpu.memory_space<hbm>>) dst(%dma_wait3A_483 : memref<100x128xf32, #tpu.memory_space<vmem>>)
      %ge3A_490 = arith.constant 3 : i32
      %ge3A_491 = arith.cmpi sge, %add3A_478, %ge3A_490 : i32
      %convert_element_type3A_492 = arith.extui %ge3A_491 : i1 to i32
      %cond3A_493 = arith.constant 0 : i32
      %cond3A_494 = arith.cmpi ne, %convert_element_type3A_492, %cond3A_493 : i32
      scf.if %cond3A_494 {
        %dma_wait3A_637 = arith.constant 0 : i32
        %dma_wait3A_638 = arith.constant 0 : i32
        %dma_wait3A_639 = arith.constant 0 : i32
        %dma_wait3A_640 = tpu.memref_slice %arg8[%dma_wait3A_637, %dma_wait3A_638, %dma_wait3A_639] : memref<6x100x128xf32, #tpu.memory_space<vmem>> -> memref<1x100x128xf32, #tpu.memory_space<vmem>>
        %dma_wait3A_641 = tpu.memref_squeeze %dma_wait3A_640 : memref<1x100x128xf32, #tpu.memory_space<vmem>> -> memref<100x128xf32, #tpu.memory_space<vmem>>
        %dma_wait3A_642 = arith.constant 0 : i32
        %dma_wait3A_643 = arith.constant 0 : i32
        %dma_wait3A_644 = tpu.memref_slice %arg5[%dma_wait3A_642, %dma_wait3A_643] : memref<204800x128xf32, #tpu.memory_space<hbm>> -> memref<100x128xf32, #tpu.memory_space<hbm>>
        %dma_wait3A_645 = arith.constant 0 : i32
        %dma_wait3A_646 = arith.constant 0 : i32
        %dma_wait3A_647 = tpu.memref_slice %arg5[%dma_wait3A_645, %dma_wait3A_646] : memref<204800x128xf32, #tpu.memory_space<hbm>> -> memref<100x128xf32, #tpu.memory_space<hbm>>
        %dma_wait3A_648 = arith.constant 0 : i32
        %dma_wait3A_649 = arith.constant 0 : i32
        %dma_wait3A_650 = tpu.memref_slice %arg8[%dma_wait3A_637, %dma_wait3A_648, %dma_wait3A_649] : memref<6x100x128xf32, #tpu.memory_space<vmem>> -> memref<1x100x128xf32, #tpu.memory_space<vmem>>
        %dma_wait3A_651 = tpu.memref_squeeze %dma_wait3A_650 : memref<1x100x128xf32, #tpu.memory_space<vmem>> -> memref<100x128xf32, #tpu.memory_space<vmem>>
        tpu.wait_dma2 semaphore(%arg15 : memref<!tpu.dma_semaphore, #tpu.memory_space<semaphore_mem>>) src(%dma_wait3A_651 : memref<100x128xf32, #tpu.memory_space<vmem>>) dst(%dma_wait3A_647 : memref<100x128xf32, #tpu.memory_space<hbm>>)
      } else {
      }
      %add3A_495 = arith.constant 3 : i32
      %add3A_496 = arith.addi %add3A_478, %add3A_495 : i32
      %lt3A_497 = arith.constant 64 : i32
      %lt3A_498 = arith.cmpi slt, %add3A_496, %lt3A_497 : i32
      %convert_element_type3A_499 = arith.extui %lt3A_498 : i1 to i32
      %cond3A_500 = arith.constant 0 : i32
      %cond3A_501 = arith.cmpi ne, %convert_element_type3A_499, %cond3A_500 : i32
      scf.if %cond3A_501 {
        %add3A_637 = arith.constant 3 : i32
        %add3A_638 = arith.addi %add3A_478, %add3A_637 : i32
        %dma_start3A_639 = arith.constant 0 : i32
        %dma_start3A_640 = arith.constant 0 : i32
        %dma_start3A_641 = arith.constant 0 : i32
        %dma_start3A_642 = tpu.memref_slice %arg8[%dma_start3A_639, %dma_start3A_640, %dma_start3A_641] : memref<6x100x128xf32, #tpu.memory_space<vmem>> -> memref<1x100x128xf32, #tpu.memory_space<vmem>>
        %dma_start3A_643 = tpu.memref_squeeze %dma_start3A_642 : memref<1x100x128xf32, #tpu.memory_space<vmem>> -> memref<100x128xf32, #tpu.memory_space<vmem>>
        %dma_start3A_644 = arith.constant 0 : i32
        %dma_start3A_645 = tpu.memref_slice %arg6[%add3A_638, %dma_start3A_644] : memref<64x100xi32, #tpu.memory_space<vmem>> -> memref<1x100xi32, #tpu.memory_space<vmem>>
        %dma_start3A_646 = tpu.memref_squeeze %dma_start3A_645 : memref<1x100xi32, #tpu.memory_space<vmem>> -> memref<100xi32, #tpu.memory_space<vmem>>
        %dma_start3A_647 = arith.constant 0 : i32
        %dma_start3A_648 = arith.constant 0 : i32
        %dma_start3A_649 = tpu.memref_slice %arg2[%dma_start3A_647, %dma_start3A_648] : memref<100000x128xf32, #tpu.memory_space<hbm>> -> memref<100000x128xf32, #tpu.memory_space<hbm>>
        tpu.enqueue_indirect_dma source(%dma_start3A_649 : memref<100000x128xf32, #tpu.memory_space<hbm>>) target(%dma_start3A_643 : memref<100x128xf32, #tpu.memory_space<vmem>>) offsets(%dma_start3A_646 : memref<100xi32, #tpu.memory_space<vmem>>) semaphore(%arg9 : memref<!tpu.dma_semaphore, #tpu.memory_space<semaphore_mem>>)
      } else {
      }
      %rem3A_502 = arith.constant 2 : i32
      %rem3A_503 = arith.remsi %add3A_478, %rem3A_502 : i32
      %mul3A_504 = arith.constant 100 : i32
      %mul3A_505 = arith.muli %rem3A_503, %mul3A_504 : i32
      %scan3A_506 = arith.constant 0 : i32
      %scan3A_507 = arith.constant 3 : i32
      %scan3A_508 = arith.constant 0 : i32
      %scan3A_509 = arith.constant 100 : i32
      %scan3A_510 = arith.addi %scan3A_508, %scan3A_509 : i32
      %scan3A_511 = arith.constant 1 : i32
      scf.for %scan3A_637 = %scan3A_508 to %scan3A_510 step %scan3A_511  : i32 {
        %add3A_638 = arith.addi %mul3A_505, %scan3A_637 : i32
        %get3A = arith.index_cast %add3A_638 : i32 to index
        %get3A_639 = arith.constant 0 : index
        %get3A_640 = tpu.vector_load %arg7[%get3A, %get3A_639] {strides = array<i32>} : memref<200x128xf32, #tpu.memory_space<vmem>>, vector<1x16xf32>,
        %get3A_641 = vector.shape_cast %get3A_640 : vector<1x16xf32> to vector<16xf32>
        %swap3A = arith.constant 0 : i32
        %swap3A_642 = arith.constant 0 : i32
        %swap3A_643 = tpu.memref_slice %arg8[%scan3A_507, %swap3A, %swap3A_642] : memref<6x100x128xf32, #tpu.memory_space<vmem>> -> memref<1x100x128xf32, #tpu.memory_space<vmem>>
        %swap3A_644 = tpu.memref_squeeze %swap3A_643 : memref<1x100x128xf32, #tpu.memory_space<vmem>> -> memref<100x128xf32, #tpu.memory_space<vmem>>
        %swap3A_645 = arith.index_cast %scan3A_637 : i32 to index
        %swap3A_646 = arith.constant 0 : index
        %swap3A_647 = tpu.vector_load %swap3A_644[%swap3A_645, %swap3A_646] {strides = array<i32>} : memref<100x128xf32, #tpu.memory_space<vmem>>, vector<1x16xf32>,
        %swap3A_648 = vector.shape_cast %swap3A_647 : vector<1x16xf32> to vector<16xf32>
        %swap3A_649 = vector.shape_cast %get3A_641 : vector<16xf32> to vector<1x16xf32>
        tpu.vector_store %swap3A_644[%swap3A_645, %swap3A_646], %swap3A_649 {add = true, strides = array<i32>} : memref<100x128xf32, #tpu.memory_space<vmem>>, vector<1x16xf32>,
        %get3A_650 = arith.index_cast %add3A_638 : i32 to index
        %get3A_651 = arith.constant 16 : index
        %get3A_652 = tpu.vector_load %arg7[%get3A_650, %get3A_651] {strides = array<i32>} : memref<200x128xf32, #tpu.memory_space<vmem>>, vector<1x16xf32>,
        %get3A_653 = vector.shape_cast %get3A_652 : vector<1x16xf32> to vector<16xf32>
        %swap3A_654 = arith.constant 0 : i32
        %swap3A_655 = arith.constant 0 : i32
        %swap3A_656 = tpu.memref_slice %arg8[%scan3A_507, %swap3A_654, %swap3A_655] : memref<6x100x128xf32, #tpu.memory_space<vmem>> -> memref<1x100x128xf32, #tpu.memory_space<vmem>>
        %swap3A_657 = tpu.memref_squeeze %swap3A_656 : memref<1x100x128xf32, #tpu.memory_space<vmem>> -> memref<100x128xf32, #tpu.memory_space<vmem>>
        %swap3A_658 = arith.index_cast %scan3A_637 : i32 to index
        %swap3A_659 = arith.constant 16 : index
        %swap3A_660 = tpu.vector_load %swap3A_657[%swap3A_658, %swap3A_659] {strides = array<i32>} : memref<100x128xf32, #tpu.memory_space<vmem>>, vector<1x16xf32>,
        %swap3A_661 = vector.shape_cast %swap3A_660 : vector<1x16xf32> to vector<16xf32>
        %swap3A_662 = vector.shape_cast %get3A_653 : vector<16xf32> to vector<1x16xf32>
        tpu.vector_store %swap3A_657[%swap3A_658, %swap3A_659], %swap3A_662 {add = true, strides = array<i32>} : memref<100x128xf32, #tpu.memory_space<vmem>>, vector<1x16xf32>,
        %get3A_663 = arith.index_cast %add3A_638 : i32 to index
        %get3A_664 = arith.constant 32 : index
        %get3A_665 = tpu.vector_load %arg7[%get3A_663, %get3A_664] {strides = array<i32>} : memref<200x128xf32, #tpu.memory_space<vmem>>, vector<1x16xf32>,
        %get3A_666 = vector.shape_cast %get3A_665 : vector<1x16xf32> to vector<16xf32>
        %swap3A_667 = arith.constant 0 : i32
        %swap3A_668 = arith.constant 0 : i32
        %swap3A_669 = tpu.memref_slice %arg8[%scan3A_507, %swap3A_667, %swap3A_668] : memref<6x100x128xf32, #tpu.memory_space<vmem>> -> memref<1x100x128xf32, #tpu.memory_space<vmem>>
        %swap3A_670 = tpu.memref_squeeze %swap3A_669 : memref<1x100x128xf32, #tpu.memory_space<vmem>> -> memref<100x128xf32, #tpu.memory_space<vmem>>
        %swap3A_671 = arith.index_cast %scan3A_637 : i32 to index
        %swap3A_672 = arith.constant 32 : index
        %swap3A_673 = tpu.vector_load %swap3A_670[%swap3A_671, %swap3A_672] {strides = array<i32>} : memref<100x128xf32, #tpu.memory_space<vmem>>, vector<1x16xf32>,
        %swap3A_674 = vector.shape_cast %swap3A_673 : vector<1x16xf32> to vector<16xf32>
        %swap3A_675 = vector.shape_cast %get3A_666 : vector<16xf32> to vector<1x16xf32>
        tpu.vector_store %swap3A_670[%swap3A_671, %swap3A_672], %swap3A_675 {add = true, strides = array<i32>} : memref<100x128xf32, #tpu.memory_space<vmem>>, vector<1x16xf32>,
        %get3A_676 = arith.index_cast %add3A_638 : i32 to index
        %get3A_677 = arith.constant 48 : index
        %get3A_678 = tpu.vector_load %arg7[%get3A_676, %get3A_677] {strides = array<i32>} : memref<200x128xf32, #tpu.memory_space<vmem>>, vector<1x16xf32>,
        %get3A_679 = vector.shape_cast %get3A_678 : vector<1x16xf32> to vector<16xf32>
        %swap3A_680 = arith.constant 0 : i32
        %swap3A_681 = arith.constant 0 : i32
        %swap3A_682 = tpu.memref_slice %arg8[%scan3A_507, %swap3A_680, %swap3A_681] : memref<6x100x128xf32, #tpu.memory_space<vmem>> -> memref<1x100x128xf32, #tpu.memory_space<vmem>>
        %swap3A_683 = tpu.memref_squeeze %swap3A_682 : memref<1x100x128xf32, #tpu.memory_space<vmem>> -> memref<100x128xf32, #tpu.memory_space<vmem>>
        %swap3A_684 = arith.index_cast %scan3A_637 : i32 to index
        %swap3A_685 = arith.constant 48 : index
        %swap3A_686 = tpu.vector_load %swap3A_683[%swap3A_684, %swap3A_685] {strides = array<i32>} : memref<100x128xf32, #tpu.memory_space<vmem>>, vector<1x16xf32>,
        %swap3A_687 = vector.shape_cast %swap3A_686 : vector<1x16xf32> to vector<16xf32>
        %swap3A_688 = vector.shape_cast %get3A_679 : vector<16xf32> to vector<1x16xf32>
        tpu.vector_store %swap3A_683[%swap3A_684, %swap3A_685], %swap3A_688 {add = true, strides = array<i32>} : memref<100x128xf32, #tpu.memory_space<vmem>>, vector<1x16xf32>,
        %get3A_689 = arith.index_cast %add3A_638 : i32 to index
        %get3A_690 = arith.constant 64 : index
        %get3A_691 = tpu.vector_load %arg7[%get3A_689, %get3A_690] {strides = array<i32>} : memref<200x128xf32, #tpu.memory_space<vmem>>, vector<1x16xf32>,
        %get3A_692 = vector.shape_cast %get3A_691 : vector<1x16xf32> to vector<16xf32>
        %swap3A_693 = arith.constant 0 : i32
        %swap3A_694 = arith.constant 0 : i32
        %swap3A_695 = tpu.memref_slice %arg8[%scan3A_507, %swap3A_693, %swap3A_694] : memref<6x100x128xf32, #tpu.memory_space<vmem>> -> memref<1x100x128xf32, #tpu.memory_space<vmem>>
        %swap3A_696 = tpu.memref_squeeze %swap3A_695 : memref<1x100x128xf32, #tpu.memory_space<vmem>> -> memref<100x128xf32, #tpu.memory_space<vmem>>
        %swap3A_697 = arith.index_cast %scan3A_637 : i32 to index
        %swap3A_698 = arith.constant 64 : index
        %swap3A_699 = tpu.vector_load %swap3A_696[%swap3A_697, %swap3A_698] {strides = array<i32>} : memref<100x128xf32, #tpu.memory_space<vmem>>, vector<1x16xf32>,
        %swap3A_700 = vector.shape_cast %swap3A_699 : vector<1x16xf32> to vector<16xf32>
        %swap3A_701 = vector.shape_cast %get3A_692 : vector<16xf32> to vector<1x16xf32>
        tpu.vector_store %swap3A_696[%swap3A_697, %swap3A_698], %swap3A_701 {add = true, strides = array<i32>} : memref<100x128xf32, #tpu.memory_space<vmem>>, vector<1x16xf32>,
        %get3A_702 = arith.index_cast %add3A_638 : i32 to index
        %get3A_703 = arith.constant 80 : index
        %get3A_704 = tpu.vector_load %arg7[%get3A_702, %get3A_703] {strides = array<i32>} : memref<200x128xf32, #tpu.memory_space<vmem>>, vector<1x16xf32>,
        %get3A_705 = vector.shape_cast %get3A_704 : vector<1x16xf32> to vector<16xf32>
        %swap3A_706 = arith.constant 0 : i32
        %swap3A_707 = arith.constant 0 : i32
        %swap3A_708 = tpu.memref_slice %arg8[%scan3A_507, %swap3A_706, %swap3A_707] : memref<6x100x128xf32, #tpu.memory_space<vmem>> -> memref<1x100x128xf32, #tpu.memory_space<vmem>>
        %swap3A_709 = tpu.memref_squeeze %swap3A_708 : memref<1x100x128xf32, #tpu.memory_space<vmem>> -> memref<100x128xf32, #tpu.memory_space<vmem>>
        %swap3A_710 = arith.index_cast %scan3A_637 : i32 to index
        %swap3A_711 = arith.constant 80 : index
        %swap3A_712 = tpu.vector_load %swap3A_709[%swap3A_710, %swap3A_711] {strides = array<i32>} : memref<100x128xf32, #tpu.memory_space<vmem>>, vector<1x16xf32>,
        %swap3A_713 = vector.shape_cast %swap3A_712 : vector<1x16xf32> to vector<16xf32>
        %swap3A_714 = vector.shape_cast %get3A_705 : vector<16xf32> to vector<1x16xf32>
        tpu.vector_store %swap3A_709[%swap3A_710, %swap3A_711], %swap3A_714 {add = true, strides = array<i32>} : memref<100x128xf32, #tpu.memory_space<vmem>>, vector<1x16xf32>,
        %get3A_715 = arith.index_cast %add3A_638 : i32 to index
        %get3A_716 = arith.constant 96 : index
        %get3A_717 = tpu.vector_load %arg7[%get3A_715, %get3A_716] {strides = array<i32>} : memref<200x128xf32, #tpu.memory_space<vmem>>, vector<1x16xf32>,
        %get3A_718 = vector.shape_cast %get3A_717 : vector<1x16xf32> to vector<16xf32>
        %swap3A_719 = arith.constant 0 : i32
        %swap3A_720 = arith.constant 0 : i32
        %swap3A_721 = tpu.memref_slice %arg8[%scan3A_507, %swap3A_719, %swap3A_720] : memref<6x100x128xf32, #tpu.memory_space<vmem>> -> memref<1x100x128xf32, #tpu.memory_space<vmem>>
        %swap3A_722 = tpu.memref_squeeze %swap3A_721 : memref<1x100x128xf32, #tpu.memory_space<vmem>> -> memref<100x128xf32, #tpu.memory_space<vmem>>
        %swap3A_723 = arith.index_cast %scan3A_637 : i32 to index
        %swap3A_724 = arith.constant 96 : index
        %swap3A_725 = tpu.vector_load %swap3A_722[%swap3A_723, %swap3A_724] {strides = array<i32>} : memref<100x128xf32, #tpu.memory_space<vmem>>, vector<1x16xf32>,
        %swap3A_726 = vector.shape_cast %swap3A_725 : vector<1x16xf32> to vector<16xf32>
        %swap3A_727 = vector.shape_cast %get3A_718 : vector<16xf32> to vector<1x16xf32>
        tpu.vector_store %swap3A_722[%swap3A_723, %swap3A_724], %swap3A_727 {add = true, strides = array<i32>} : memref<100x128xf32, #tpu.memory_space<vmem>>, vector<1x16xf32>,
        %get3A_728 = arith.index_cast %add3A_638 : i32 to index
        %get3A_729 = arith.constant 112 : index
        %get3A_730 = tpu.vector_load %arg7[%get3A_728, %get3A_729] {strides = array<i32>} : memref<200x128xf32, #tpu.memory_space<vmem>>, vector<1x16xf32>,
        %get3A_731 = vector.shape_cast %get3A_730 : vector<1x16xf32> to vector<16xf32>
        %swap3A_732 = arith.constant 0 : i32
        %swap3A_733 = arith.constant 0 : i32
        %swap3A_734 = tpu.memref_slice %arg8[%scan3A_507, %swap3A_732, %swap3A_733] : memref<6x100x128xf32, #tpu.memory_space<vmem>> -> memref<1x100x128xf32, #tpu.memory_space<vmem>>
        %swap3A_735 = tpu.memref_squeeze %swap3A_734 : memref<1x100x128xf32, #tpu.memory_space<vmem>> -> memref<100x128xf32, #tpu.memory_space<vmem>>
        %swap3A_736 = arith.index_cast %scan3A_637 : i32 to index
        %swap3A_737 = arith.constant 112 : index
        %swap3A_738 = tpu.vector_load %swap3A_735[%swap3A_736, %swap3A_737] {strides = array<i32>} : memref<100x128xf32, #tpu.memory_space<vmem>>, vector<1x16xf32>,
        %swap3A_739 = vector.shape_cast %swap3A_738 : vector<1x16xf32> to vector<16xf32>
        %swap3A_740 = vector.shape_cast %get3A_731 : vector<16xf32> to vector<1x16xf32>
        tpu.vector_store %swap3A_735[%swap3A_736, %swap3A_737], %swap3A_740 {add = true, strides = array<i32>} : memref<100x128xf32, #tpu.memory_space<vmem>>, vector<1x16xf32>,
      }
      %scan3A_512 = arith.constant 100 : i32
      %mul3A_513 = arith.constant 100 : i32
      %mul3A_514 = arith.muli %add3A_478, %mul3A_513 : i32
      %add3A_515 = arith.addi %mul3A_2, %mul3A_514 : i32
      %dma_start3A_516 = arith.constant 3 : i32
      %dma_start3A_517 = arith.constant 0 : i32
      %dma_start3A_518 = arith.constant 0 : i32
      %dma_start3A_519 = tpu.memref_slice %arg8[%dma_start3A_516, %dma_start3A_517, %dma_start3A_518] : memref<6x100x128xf32, #tpu.memory_space<vmem>> -> memref<1x100x128xf32, #tpu.memory_space<vmem>>
      %dma_start3A_520 = tpu.memref_squeeze %dma_start3A_519 : memref<1x100x128xf32, #tpu.memory_space<vmem>> -> memref<100x128xf32, #tpu.memory_space<vmem>>
      %dma_start3A_521 = arith.constant 0 : i32
      %dma_start3A_522 = tpu.memref_slice %arg5[%add3A_515, %dma_start3A_521] : memref<204800x128xf32, #tpu.memory_space<hbm>> -> memref<100x128xf32, #tpu.memory_space<hbm>>
      %dma_start3A_523 = arith.constant 0 : i32
      %dma_start3A_524 = tpu.memref_slice %arg5[%add3A_515, %dma_start3A_523] : memref<204800x128xf32, #tpu.memory_space<hbm>> -> memref<100x128xf32, #tpu.memory_space<hbm>>
      %dma_start3A_525 = arith.constant 0 : i32
      %dma_start3A_526 = arith.constant 0 : i32
      %dma_start3A_527 = tpu.memref_slice %arg8[%dma_start3A_516, %dma_start3A_525, %dma_start3A_526] : memref<6x100x128xf32, #tpu.memory_space<vmem>> -> memref<1x100x128xf32, #tpu.memory_space<vmem>>
      %dma_start3A_528 = tpu.memref_squeeze %dma_start3A_527 : memref<1x100x128xf32, #tpu.memory_space<vmem>> -> memref<100x128xf32, #tpu.memory_space<vmem>>
      tpu.enqueue_dma source(%dma_start3A_528 : memref<100x128xf32, #tpu.memory_space<vmem>>) target(%dma_start3A_524 : memref<100x128xf32, #tpu.memory_space<hbm>>) target_semaphore(%arg18 : memref<!tpu.dma_semaphore, #tpu.memory_space<semaphore_mem>>)
      %mul3A_529 = arith.constant 6 : i32
      %mul3A_530 = arith.muli %scan3A_316, %mul3A_529 : i32
      %add3A_531 = arith.constant 4 : i32
      %add3A_532 = arith.addi %mul3A_530, %add3A_531 : i32
      %dma_wait3A_533 = arith.constant 4 : i32
      %dma_wait3A_534 = arith.constant 0 : i32
      %dma_wait3A_535 = arith.constant 0 : i32
      %dma_wait3A_536 = tpu.memref_slice %arg8[%dma_wait3A_533, %dma_wait3A_534, %dma_wait3A_535] : memref<6x100x128xf32, #tpu.memory_space<vmem>> -> memref<1x100x128xf32, #tpu.memory_space<vmem>>
      %dma_wait3A_537 = tpu.memref_squeeze %dma_wait3A_536 : memref<1x100x128xf32, #tpu.memory_space<vmem>> -> memref<100x128xf32, #tpu.memory_space<vmem>>
      %dma_wait3A_538 = arith.constant 0 : i32
      %dma_wait3A_539 = tpu.memref_slice %arg6[%add3A_532, %dma_wait3A_538] : memref<64x100xi32, #tpu.memory_space<vmem>> -> memref<1x100xi32, #tpu.memory_space<vmem>>
      %dma_wait3A_540 = tpu.memref_squeeze %dma_wait3A_539 : memref<1x100xi32, #tpu.memory_space<vmem>> -> memref<100xi32, #tpu.memory_space<vmem>>
      %dma_wait3A_541 = arith.constant 0 : i32
      %dma_wait3A_542 = arith.constant 0 : i32
      %dma_wait3A_543 = tpu.memref_slice %arg2[%dma_wait3A_541, %dma_wait3A_542] : memref<100000x128xf32, #tpu.memory_space<hbm>> -> memref<100000x128xf32, #tpu.memory_space<hbm>>
      tpu.wait_indirect_dma semaphore(%arg13 : memref<!tpu.dma_semaphore, #tpu.memory_space<semaphore_mem>>) src(%dma_wait3A_543 : memref<100000x128xf32, #tpu.memory_space<hbm>>) dst(%dma_wait3A_537 : memref<100x128xf32, #tpu.memory_space<vmem>>)
      %ge3A_544 = arith.constant 3 : i32
      %ge3A_545 = arith.cmpi sge, %add3A_532, %ge3A_544 : i32
      %convert_element_type3A_546 = arith.extui %ge3A_545 : i1 to i32
      %cond3A_547 = arith.constant 0 : i32
      %cond3A_548 = arith.cmpi ne, %convert_element_type3A_546, %cond3A_547 : i32
      scf.if %cond3A_548 {
        %dma_wait3A_637 = arith.constant 1 : i32
        %dma_wait3A_638 = arith.constant 0 : i32
        %dma_wait3A_639 = arith.constant 0 : i32
        %dma_wait3A_640 = tpu.memref_slice %arg8[%dma_wait3A_637, %dma_wait3A_638, %dma_wait3A_639] : memref<6x100x128xf32, #tpu.memory_space<vmem>> -> memref<1x100x128xf32, #tpu.memory_space<vmem>>
        %dma_wait3A_641 = tpu.memref_squeeze %dma_wait3A_640 : memref<1x100x128xf32, #tpu.memory_space<vmem>> -> memref<100x128xf32, #tpu.memory_space<vmem>>
        %dma_wait3A_642 = arith.constant 0 : i32
        %dma_wait3A_643 = arith.constant 0 : i32
        %dma_wait3A_644 = tpu.memref_slice %arg5[%dma_wait3A_642, %dma_wait3A_643] : memref<204800x128xf32, #tpu.memory_space<hbm>> -> memref<100x128xf32, #tpu.memory_space<hbm>>
        %dma_wait3A_645 = arith.constant 0 : i32
        %dma_wait3A_646 = arith.constant 0 : i32
        %dma_wait3A_647 = tpu.memref_slice %arg5[%dma_wait3A_645, %dma_wait3A_646] : memref<204800x128xf32, #tpu.memory_space<hbm>> -> memref<100x128xf32, #tpu.memory_space<hbm>>
        %dma_wait3A_648 = arith.constant 0 : i32
        %dma_wait3A_649 = arith.constant 0 : i32
        %dma_wait3A_650 = tpu.memref_slice %arg8[%dma_wait3A_637, %dma_wait3A_648, %dma_wait3A_649] : memref<6x100x128xf32, #tpu.memory_space<vmem>> -> memref<1x100x128xf32, #tpu.memory_space<vmem>>
        %dma_wait3A_651 = tpu.memref_squeeze %dma_wait3A_650 : memref<1x100x128xf32, #tpu.memory_space<vmem>> -> memref<100x128xf32, #tpu.memory_space<vmem>>
        tpu.wait_dma2 semaphore(%arg16 : memref<!tpu.dma_semaphore, #tpu.memory_space<semaphore_mem>>) src(%dma_wait3A_651 : memref<100x128xf32, #tpu.memory_space<vmem>>) dst(%dma_wait3A_647 : memref<100x128xf32, #tpu.memory_space<hbm>>)
      } else {
      }
      %add3A_549 = arith.constant 3 : i32
      %add3A_550 = arith.addi %add3A_532, %add3A_549 : i32
      %lt3A_551 = arith.constant 64 : i32
      %lt3A_552 = arith.cmpi slt, %add3A_550, %lt3A_551 : i32
      %convert_element_type3A_553 = arith.extui %lt3A_552 : i1 to i32
      %cond3A_554 = arith.constant 0 : i32
      %cond3A_555 = arith.cmpi ne, %convert_element_type3A_553, %cond3A_554 : i32
      scf.if %cond3A_555 {
        %add3A_637 = arith.constant 3 : i32
        %add3A_638 = arith.addi %add3A_532, %add3A_637 : i32
        %dma_start3A_639 = arith.constant 1 : i32
        %dma_start3A_640 = arith.constant 0 : i32
        %dma_start3A_641 = arith.constant 0 : i32
        %dma_start3A_642 = tpu.memref_slice %arg8[%dma_start3A_639, %dma_start3A_640, %dma_start3A_641] : memref<6x100x128xf32, #tpu.memory_space<vmem>> -> memref<1x100x128xf32, #tpu.memory_space<vmem>>
        %dma_start3A_643 = tpu.memref_squeeze %dma_start3A_642 : memref<1x100x128xf32, #tpu.memory_space<vmem>> -> memref<100x128xf32, #tpu.memory_space<vmem>>
        %dma_start3A_644 = arith.constant 0 : i32
        %dma_start3A_645 = tpu.memref_slice %arg6[%add3A_638, %dma_start3A_644] : memref<64x100xi32, #tpu.memory_space<vmem>> -> memref<1x100xi32, #tpu.memory_space<vmem>>
        %dma_start3A_646 = tpu.memref_squeeze %dma_start3A_645 : memref<1x100xi32, #tpu.memory_space<vmem>> -> memref<100xi32, #tpu.memory_space<vmem>>
        %dma_start3A_647 = arith.constant 0 : i32
        %dma_start3A_648 = arith.constant 0 : i32
        %dma_start3A_649 = tpu.memref_slice %arg2[%dma_start3A_647, %dma_start3A_648] : memref<100000x128xf32, #tpu.memory_space<hbm>> -> memref<100000x128xf32, #tpu.memory_space<hbm>>
        tpu.enqueue_indirect_dma source(%dma_start3A_649 : memref<100000x128xf32, #tpu.memory_space<hbm>>) target(%dma_start3A_643 : memref<100x128xf32, #tpu.memory_space<vmem>>) offsets(%dma_start3A_646 : memref<100xi32, #tpu.memory_space<vmem>>) semaphore(%arg10 : memref<!tpu.dma_semaphore, #tpu.memory_space<semaphore_mem>>)
      } else {
      }
      %rem3A_556 = arith.constant 2 : i32
      %rem3A_557 = arith.remsi %add3A_532, %rem3A_556 : i32
      %mul3A_558 = arith.constant 100 : i32
      %mul3A_559 = arith.muli %rem3A_557, %mul3A_558 : i32
      %scan3A_560 = arith.constant 0 : i32
      %scan3A_561 = arith.constant 4 : i32
      %scan3A_562 = arith.constant 0 : i32
      %scan3A_563 = arith.constant 100 : i32
      %scan3A_564 = arith.addi %scan3A_562, %scan3A_563 : i32
      %scan3A_565 = arith.constant 1 : i32
      scf.for %scan3A_637 = %scan3A_562 to %scan3A_564 step %scan3A_565  : i32 {
        %add3A_638 = arith.addi %mul3A_559, %scan3A_637 : i32
        %get3A = arith.index_cast %add3A_638 : i32 to index
        %get3A_639 = arith.constant 0 : index
        %get3A_640 = tpu.vector_load %arg7[%get3A, %get3A_639] {strides = array<i32>} : memref<200x128xf32, #tpu.memory_space<vmem>>, vector<1x16xf32>,
        %get3A_641 = vector.shape_cast %get3A_640 : vector<1x16xf32> to vector<16xf32>
        %swap3A = arith.constant 0 : i32
        %swap3A_642 = arith.constant 0 : i32
        %swap3A_643 = tpu.memref_slice %arg8[%scan3A_561, %swap3A, %swap3A_642] : memref<6x100x128xf32, #tpu.memory_space<vmem>> -> memref<1x100x128xf32, #tpu.memory_space<vmem>>
        %swap3A_644 = tpu.memref_squeeze %swap3A_643 : memref<1x100x128xf32, #tpu.memory_space<vmem>> -> memref<100x128xf32, #tpu.memory_space<vmem>>
        %swap3A_645 = arith.index_cast %scan3A_637 : i32 to index
        %swap3A_646 = arith.constant 0 : index
        %swap3A_647 = tpu.vector_load %swap3A_644[%swap3A_645, %swap3A_646] {strides = array<i32>} : memref<100x128xf32, #tpu.memory_space<vmem>>, vector<1x16xf32>,
        %swap3A_648 = vector.shape_cast %swap3A_647 : vector<1x16xf32> to vector<16xf32>
        %swap3A_649 = vector.shape_cast %get3A_641 : vector<16xf32> to vector<1x16xf32>
        tpu.vector_store %swap3A_644[%swap3A_645, %swap3A_646], %swap3A_649 {add = true, strides = array<i32>} : memref<100x128xf32, #tpu.memory_space<vmem>>, vector<1x16xf32>,
        %get3A_650 = arith.index_cast %add3A_638 : i32 to index
        %get3A_651 = arith.constant 16 : index
        %get3A_652 = tpu.vector_load %arg7[%get3A_650, %get3A_651] {strides = array<i32>} : memref<200x128xf32, #tpu.memory_space<vmem>>, vector<1x16xf32>,
        %get3A_653 = vector.shape_cast %get3A_652 : vector<1x16xf32> to vector<16xf32>
        %swap3A_654 = arith.constant 0 : i32
        %swap3A_655 = arith.constant 0 : i32
        %swap3A_656 = tpu.memref_slice %arg8[%scan3A_561, %swap3A_654, %swap3A_655] : memref<6x100x128xf32, #tpu.memory_space<vmem>> -> memref<1x100x128xf32, #tpu.memory_space<vmem>>
        %swap3A_657 = tpu.memref_squeeze %swap3A_656 : memref<1x100x128xf32, #tpu.memory_space<vmem>> -> memref<100x128xf32, #tpu.memory_space<vmem>>
        %swap3A_658 = arith.index_cast %scan3A_637 : i32 to index
        %swap3A_659 = arith.constant 16 : index
        %swap3A_660 = tpu.vector_load %swap3A_657[%swap3A_658, %swap3A_659] {strides = array<i32>} : memref<100x128xf32, #tpu.memory_space<vmem>>, vector<1x16xf32>,
        %swap3A_661 = vector.shape_cast %swap3A_660 : vector<1x16xf32> to vector<16xf32>
        %swap3A_662 = vector.shape_cast %get3A_653 : vector<16xf32> to vector<1x16xf32>
        tpu.vector_store %swap3A_657[%swap3A_658, %swap3A_659], %swap3A_662 {add = true, strides = array<i32>} : memref<100x128xf32, #tpu.memory_space<vmem>>, vector<1x16xf32>,
        %get3A_663 = arith.index_cast %add3A_638 : i32 to index
        %get3A_664 = arith.constant 32 : index
        %get3A_665 = tpu.vector_load %arg7[%get3A_663, %get3A_664] {strides = array<i32>} : memref<200x128xf32, #tpu.memory_space<vmem>>, vector<1x16xf32>,
        %get3A_666 = vector.shape_cast %get3A_665 : vector<1x16xf32> to vector<16xf32>
        %swap3A_667 = arith.constant 0 : i32
        %swap3A_668 = arith.constant 0 : i32
        %swap3A_669 = tpu.memref_slice %arg8[%scan3A_561, %swap3A_667, %swap3A_668] : memref<6x100x128xf32, #tpu.memory_space<vmem>> -> memref<1x100x128xf32, #tpu.memory_space<vmem>>
        %swap3A_670 = tpu.memref_squeeze %swap3A_669 : memref<1x100x128xf32, #tpu.memory_space<vmem>> -> memref<100x128xf32, #tpu.memory_space<vmem>>
        %swap3A_671 = arith.index_cast %scan3A_637 : i32 to index
        %swap3A_672 = arith.constant 32 : index
        %swap3A_673 = tpu.vector_load %swap3A_670[%swap3A_671, %swap3A_672] {strides = array<i32>} : memref<100x128xf32, #tpu.memory_space<vmem>>, vector<1x16xf32>,
        %swap3A_674 = vector.shape_cast %swap3A_673 : vector<1x16xf32> to vector<16xf32>
        %swap3A_675 = vector.shape_cast %get3A_666 : vector<16xf32> to vector<1x16xf32>
        tpu.vector_store %swap3A_670[%swap3A_671, %swap3A_672], %swap3A_675 {add = true, strides = array<i32>} : memref<100x128xf32, #tpu.memory_space<vmem>>, vector<1x16xf32>,
        %get3A_676 = arith.index_cast %add3A_638 : i32 to index
        %get3A_677 = arith.constant 48 : index
        %get3A_678 = tpu.vector_load %arg7[%get3A_676, %get3A_677] {strides = array<i32>} : memref<200x128xf32, #tpu.memory_space<vmem>>, vector<1x16xf32>,
        %get3A_679 = vector.shape_cast %get3A_678 : vector<1x16xf32> to vector<16xf32>
        %swap3A_680 = arith.constant 0 : i32
        %swap3A_681 = arith.constant 0 : i32
        %swap3A_682 = tpu.memref_slice %arg8[%scan3A_561, %swap3A_680, %swap3A_681] : memref<6x100x128xf32, #tpu.memory_space<vmem>> -> memref<1x100x128xf32, #tpu.memory_space<vmem>>
        %swap3A_683 = tpu.memref_squeeze %swap3A_682 : memref<1x100x128xf32, #tpu.memory_space<vmem>> -> memref<100x128xf32, #tpu.memory_space<vmem>>
        %swap3A_684 = arith.index_cast %scan3A_637 : i32 to index
        %swap3A_685 = arith.constant 48 : index
        %swap3A_686 = tpu.vector_load %swap3A_683[%swap3A_684, %swap3A_685] {strides = array<i32>} : memref<100x128xf32, #tpu.memory_space<vmem>>, vector<1x16xf32>,
        %swap3A_687 = vector.shape_cast %swap3A_686 : vector<1x16xf32> to vector<16xf32>
        %swap3A_688 = vector.shape_cast %get3A_679 : vector<16xf32> to vector<1x16xf32>
        tpu.vector_store %swap3A_683[%swap3A_684, %swap3A_685], %swap3A_688 {add = true, strides = array<i32>} : memref<100x128xf32, #tpu.memory_space<vmem>>, vector<1x16xf32>,
        %get3A_689 = arith.index_cast %add3A_638 : i32 to index
        %get3A_690 = arith.constant 64 : index
        %get3A_691 = tpu.vector_load %arg7[%get3A_689, %get3A_690] {strides = array<i32>} : memref<200x128xf32, #tpu.memory_space<vmem>>, vector<1x16xf32>,
        %get3A_692 = vector.shape_cast %get3A_691 : vector<1x16xf32> to vector<16xf32>
        %swap3A_693 = arith.constant 0 : i32
        %swap3A_694 = arith.constant 0 : i32
        %swap3A_695 = tpu.memref_slice %arg8[%scan3A_561, %swap3A_693, %swap3A_694] : memref<6x100x128xf32, #tpu.memory_space<vmem>> -> memref<1x100x128xf32, #tpu.memory_space<vmem>>
        %swap3A_696 = tpu.memref_squeeze %swap3A_695 : memref<1x100x128xf32, #tpu.memory_space<vmem>> -> memref<100x128xf32, #tpu.memory_space<vmem>>
        %swap3A_697 = arith.index_cast %scan3A_637 : i32 to index
        %swap3A_698 = arith.constant 64 : index
        %swap3A_699 = tpu.vector_load %swap3A_696[%swap3A_697, %swap3A_698] {strides = array<i32>} : memref<100x128xf32, #tpu.memory_space<vmem>>, vector<1x16xf32>,
        %swap3A_700 = vector.shape_cast %swap3A_699 : vector<1x16xf32> to vector<16xf32>
        %swap3A_701 = vector.shape_cast %get3A_692 : vector<16xf32> to vector<1x16xf32>
        tpu.vector_store %swap3A_696[%swap3A_697, %swap3A_698], %swap3A_701 {add = true, strides = array<i32>} : memref<100x128xf32, #tpu.memory_space<vmem>>, vector<1x16xf32>,
        %get3A_702 = arith.index_cast %add3A_638 : i32 to index
        %get3A_703 = arith.constant 80 : index
        %get3A_704 = tpu.vector_load %arg7[%get3A_702, %get3A_703] {strides = array<i32>} : memref<200x128xf32, #tpu.memory_space<vmem>>, vector<1x16xf32>,
        %get3A_705 = vector.shape_cast %get3A_704 : vector<1x16xf32> to vector<16xf32>
        %swap3A_706 = arith.constant 0 : i32
        %swap3A_707 = arith.constant 0 : i32
        %swap3A_708 = tpu.memref_slice %arg8[%scan3A_561, %swap3A_706, %swap3A_707] : memref<6x100x128xf32, #tpu.memory_space<vmem>> -> memref<1x100x128xf32, #tpu.memory_space<vmem>>
        %swap3A_709 = tpu.memref_squeeze %swap3A_708 : memref<1x100x128xf32, #tpu.memory_space<vmem>> -> memref<100x128xf32, #tpu.memory_space<vmem>>
        %swap3A_710 = arith.index_cast %scan3A_637 : i32 to index
        %swap3A_711 = arith.constant 80 : index
        %swap3A_712 = tpu.vector_load %swap3A_709[%swap3A_710, %swap3A_711] {strides = array<i32>} : memref<100x128xf32, #tpu.memory_space<vmem>>, vector<1x16xf32>,
        %swap3A_713 = vector.shape_cast %swap3A_712 : vector<1x16xf32> to vector<16xf32>
        %swap3A_714 = vector.shape_cast %get3A_705 : vector<16xf32> to vector<1x16xf32>
        tpu.vector_store %swap3A_709[%swap3A_710, %swap3A_711], %swap3A_714 {add = true, strides = array<i32>} : memref<100x128xf32, #tpu.memory_space<vmem>>, vector<1x16xf32>,
        %get3A_715 = arith.index_cast %add3A_638 : i32 to index
        %get3A_716 = arith.constant 96 : index
        %get3A_717 = tpu.vector_load %arg7[%get3A_715, %get3A_716] {strides = array<i32>} : memref<200x128xf32, #tpu.memory_space<vmem>>, vector<1x16xf32>,
        %get3A_718 = vector.shape_cast %get3A_717 : vector<1x16xf32> to vector<16xf32>
        %swap3A_719 = arith.constant 0 : i32
        %swap3A_720 = arith.constant 0 : i32
        %swap3A_721 = tpu.memref_slice %arg8[%scan3A_561, %swap3A_719, %swap3A_720] : memref<6x100x128xf32, #tpu.memory_space<vmem>> -> memref<1x100x128xf32, #tpu.memory_space<vmem>>
        %swap3A_722 = tpu.memref_squeeze %swap3A_721 : memref<1x100x128xf32, #tpu.memory_space<vmem>> -> memref<100x128xf32, #tpu.memory_space<vmem>>
        %swap3A_723 = arith.index_cast %scan3A_637 : i32 to index
        %swap3A_724 = arith.constant 96 : index
        %swap3A_725 = tpu.vector_load %swap3A_722[%swap3A_723, %swap3A_724] {strides = array<i32>} : memref<100x128xf32, #tpu.memory_space<vmem>>, vector<1x16xf32>,
        %swap3A_726 = vector.shape_cast %swap3A_725 : vector<1x16xf32> to vector<16xf32>
        %swap3A_727 = vector.shape_cast %get3A_718 : vector<16xf32> to vector<1x16xf32>
        tpu.vector_store %swap3A_722[%swap3A_723, %swap3A_724], %swap3A_727 {add = true, strides = array<i32>} : memref<100x128xf32, #tpu.memory_space<vmem>>, vector<1x16xf32>,
        %get3A_728 = arith.index_cast %add3A_638 : i32 to index
        %get3A_729 = arith.constant 112 : index
        %get3A_730 = tpu.vector_load %arg7[%get3A_728, %get3A_729] {strides = array<i32>} : memref<200x128xf32, #tpu.memory_space<vmem>>, vector<1x16xf32>,
        %get3A_731 = vector.shape_cast %get3A_730 : vector<1x16xf32> to vector<16xf32>
        %swap3A_732 = arith.constant 0 : i32
        %swap3A_733 = arith.constant 0 : i32
        %swap3A_734 = tpu.memref_slice %arg8[%scan3A_561, %swap3A_732, %swap3A_733] : memref<6x100x128xf32, #tpu.memory_space<vmem>> -> memref<1x100x128xf32, #tpu.memory_space<vmem>>
        %swap3A_735 = tpu.memref_squeeze %swap3A_734 : memref<1x100x128xf32, #tpu.memory_space<vmem>> -> memref<100x128xf32, #tpu.memory_space<vmem>>
        %swap3A_736 = arith.index_cast %scan3A_637 : i32 to index
        %swap3A_737 = arith.constant 112 : index
        %swap3A_738 = tpu.vector_load %swap3A_735[%swap3A_736, %swap3A_737] {strides = array<i32>} : memref<100x128xf32, #tpu.memory_space<vmem>>, vector<1x16xf32>,
        %swap3A_739 = vector.shape_cast %swap3A_738 : vector<1x16xf32> to vector<16xf32>
        %swap3A_740 = vector.shape_cast %get3A_731 : vector<16xf32> to vector<1x16xf32>
        tpu.vector_store %swap3A_735[%swap3A_736, %swap3A_737], %swap3A_740 {add = true, strides = array<i32>} : memref<100x128xf32, #tpu.memory_space<vmem>>, vector<1x16xf32>,
      }
      %scan3A_566 = arith.constant 100 : i32
      %mul3A_567 = arith.constant 100 : i32
      %mul3A_568 = arith.muli %add3A_532, %mul3A_567 : i32
      %add3A_569 = arith.addi %mul3A_2, %mul3A_568 : i32
      %dma_start3A_570 = arith.constant 4 : i32
      %dma_start3A_571 = arith.constant 0 : i32
      %dma_start3A_572 = arith.constant 0 : i32
      %dma_start3A_573 = tpu.memref_slice %arg8[%dma_start3A_570, %dma_start3A_571, %dma_start3A_572] : memref<6x100x128xf32, #tpu.memory_space<vmem>> -> memref<1x100x128xf32, #tpu.memory_space<vmem>>
      %dma_start3A_574 = tpu.memref_squeeze %dma_start3A_573 : memref<1x100x128xf32, #tpu.memory_space<vmem>> -> memref<100x128xf32, #tpu.memory_space<vmem>>
      %dma_start3A_575 = arith.constant 0 : i32
      %dma_start3A_576 = tpu.memref_slice %arg5[%add3A_569, %dma_start3A_575] : memref<204800x128xf32, #tpu.memory_space<hbm>> -> memref<100x128xf32, #tpu.memory_space<hbm>>
      %dma_start3A_577 = arith.constant 0 : i32
      %dma_start3A_578 = tpu.memref_slice %arg5[%add3A_569, %dma_start3A_577] : memref<204800x128xf32, #tpu.memory_space<hbm>> -> memref<100x128xf32, #tpu.memory_space<hbm>>
      %dma_start3A_579 = arith.constant 0 : i32
      %dma_start3A_580 = arith.constant 0 : i32
      %dma_start3A_581 = tpu.memref_slice %arg8[%dma_start3A_570, %dma_start3A_579, %dma_start3A_580] : memref<6x100x128xf32, #tpu.memory_space<vmem>> -> memref<1x100x128xf32, #tpu.memory_space<vmem>>
      %dma_start3A_582 = tpu.memref_squeeze %dma_start3A_581 : memref<1x100x128xf32, #tpu.memory_space<vmem>> -> memref<100x128xf32, #tpu.memory_space<vmem>>
      tpu.enqueue_dma source(%dma_start3A_582 : memref<100x128xf32, #tpu.memory_space<vmem>>) target(%dma_start3A_578 : memref<100x128xf32, #tpu.memory_space<hbm>>) target_semaphore(%arg19 : memref<!tpu.dma_semaphore, #tpu.memory_space<semaphore_mem>>)
      %mul3A_583 = arith.constant 6 : i32
      %mul3A_584 = arith.muli %scan3A_316, %mul3A_583 : i32
      %add3A_585 = arith.constant 5 : i32
      %add3A_586 = arith.addi %mul3A_584, %add3A_585 : i32
      %dma_wait3A_587 = arith.constant 5 : i32
      %dma_wait3A_588 = arith.constant 0 : i32
      %dma_wait3A_589 = arith.constant 0 : i32
      %dma_wait3A_590 = tpu.memref_slice %arg8[%dma_wait3A_587, %dma_wait3A_588, %dma_wait3A_589] : memref<6x100x128xf32, #tpu.memory_space<vmem>> -> memref<1x100x128xf32, #tpu.memory_space<vmem>>
      %dma_wait3A_591 = tpu.memref_squeeze %dma_wait3A_590 : memref<1x100x128xf32, #tpu.memory_space<vmem>> -> memref<100x128xf32, #tpu.memory_space<vmem>>
      %dma_wait3A_592 = arith.constant 0 : i32
      %dma_wait3A_593 = tpu.memref_slice %arg6[%add3A_586, %dma_wait3A_592] : memref<64x100xi32, #tpu.memory_space<vmem>> -> memref<1x100xi32, #tpu.memory_space<vmem>>
      %dma_wait3A_594 = tpu.memref_squeeze %dma_wait3A_593 : memref<1x100xi32, #tpu.memory_space<vmem>> -> memref<100xi32, #tpu.memory_space<vmem>>
      %dma_wait3A_595 = arith.constant 0 : i32
      %dma_wait3A_596 = arith.constant 0 : i32
      %dma_wait3A_597 = tpu.memref_slice %arg2[%dma_wait3A_595, %dma_wait3A_596] : memref<100000x128xf32, #tpu.memory_space<hbm>> -> memref<100000x128xf32, #tpu.memory_space<hbm>>
      tpu.wait_indirect_dma semaphore(%arg14 : memref<!tpu.dma_semaphore, #tpu.memory_space<semaphore_mem>>) src(%dma_wait3A_597 : memref<100000x128xf32, #tpu.memory_space<hbm>>) dst(%dma_wait3A_591 : memref<100x128xf32, #tpu.memory_space<vmem>>)
      %ge3A_598 = arith.constant 3 : i32
      %ge3A_599 = arith.cmpi sge, %add3A_586, %ge3A_598 : i32
      %convert_element_type3A_600 = arith.extui %ge3A_599 : i1 to i32
      %cond3A_601 = arith.constant 0 : i32
      %cond3A_602 = arith.cmpi ne, %convert_element_type3A_600, %cond3A_601 : i32
      scf.if %cond3A_602 {
        %dma_wait3A_637 = arith.constant 2 : i32
        %dma_wait3A_638 = arith.constant 0 : i32
        %dma_wait3A_639 = arith.constant 0 : i32
        %dma_wait3A_640 = tpu.memref_slice %arg8[%dma_wait3A_637, %dma_wait3A_638, %dma_wait3A_639] : memref<6x100x128xf32, #tpu.memory_space<vmem>> -> memref<1x100x128xf32, #tpu.memory_space<vmem>>
        %dma_wait3A_641 = tpu.memref_squeeze %dma_wait3A_640 : memref<1x100x128xf32, #tpu.memory_space<vmem>> -> memref<100x128xf32, #tpu.memory_space<vmem>>
        %dma_wait3A_642 = arith.constant 0 : i32
        %dma_wait3A_643 = arith.constant 0 : i32
        %dma_wait3A_644 = tpu.memref_slice %arg5[%dma_wait3A_642, %dma_wait3A_643] : memref<204800x128xf32, #tpu.memory_space<hbm>> -> memref<100x128xf32, #tpu.memory_space<hbm>>
        %dma_wait3A_645 = arith.constant 0 : i32
        %dma_wait3A_646 = arith.constant 0 : i32
        %dma_wait3A_647 = tpu.memref_slice %arg5[%dma_wait3A_645, %dma_wait3A_646] : memref<204800x128xf32, #tpu.memory_space<hbm>> -> memref<100x128xf32, #tpu.memory_space<hbm>>
        %dma_wait3A_648 = arith.constant 0 : i32
        %dma_wait3A_649 = arith.constant 0 : i32
        %dma_wait3A_650 = tpu.memref_slice %arg8[%dma_wait3A_637, %dma_wait3A_648, %dma_wait3A_649] : memref<6x100x128xf32, #tpu.memory_space<vmem>> -> memref<1x100x128xf32, #tpu.memory_space<vmem>>
        %dma_wait3A_651 = tpu.memref_squeeze %dma_wait3A_650 : memref<1x100x128xf32, #tpu.memory_space<vmem>> -> memref<100x128xf32, #tpu.memory_space<vmem>>
        tpu.wait_dma2 semaphore(%arg17 : memref<!tpu.dma_semaphore, #tpu.memory_space<semaphore_mem>>) src(%dma_wait3A_651 : memref<100x128xf32, #tpu.memory_space<vmem>>) dst(%dma_wait3A_647 : memref<100x128xf32, #tpu.memory_space<hbm>>)
      } else {
      }
      %add3A_603 = arith.constant 3 : i32
      %add3A_604 = arith.addi %add3A_586, %add3A_603 : i32
      %lt3A_605 = arith.constant 64 : i32
      %lt3A_606 = arith.cmpi slt, %add3A_604, %lt3A_605 : i32
      %convert_element_type3A_607 = arith.extui %lt3A_606 : i1 to i32
      %cond3A_608 = arith.constant 0 : i32
      %cond3A_609 = arith.cmpi ne, %convert_element_type3A_607, %cond3A_608 : i32
      scf.if %cond3A_609 {
        %add3A_637 = arith.constant 3 : i32
        %add3A_638 = arith.addi %add3A_586, %add3A_637 : i32
        %dma_start3A_639 = arith.constant 2 : i32
        %dma_start3A_640 = arith.constant 0 : i32
        %dma_start3A_641 = arith.constant 0 : i32
        %dma_start3A_642 = tpu.memref_slice %arg8[%dma_start3A_639, %dma_start3A_640, %dma_start3A_641] : memref<6x100x128xf32, #tpu.memory_space<vmem>> -> memref<1x100x128xf32, #tpu.memory_space<vmem>>
        %dma_start3A_643 = tpu.memref_squeeze %dma_start3A_642 : memref<1x100x128xf32, #tpu.memory_space<vmem>> -> memref<100x128xf32, #tpu.memory_space<vmem>>
        %dma_start3A_644 = arith.constant 0 : i32
        %dma_start3A_645 = tpu.memref_slice %arg6[%add3A_638, %dma_start3A_644] : memref<64x100xi32, #tpu.memory_space<vmem>> -> memref<1x100xi32, #tpu.memory_space<vmem>>
        %dma_start3A_646 = tpu.memref_squeeze %dma_start3A_645 : memref<1x100xi32, #tpu.memory_space<vmem>> -> memref<100xi32, #tpu.memory_space<vmem>>
        %dma_start3A_647 = arith.constant 0 : i32
        %dma_start3A_648 = arith.constant 0 : i32
        %dma_start3A_649 = tpu.memref_slice %arg2[%dma_start3A_647, %dma_start3A_648] : memref<100000x128xf32, #tpu.memory_space<hbm>> -> memref<100000x128xf32, #tpu.memory_space<hbm>>
        tpu.enqueue_indirect_dma source(%dma_start3A_649 : memref<100000x128xf32, #tpu.memory_space<hbm>>) target(%dma_start3A_643 : memref<100x128xf32, #tpu.memory_space<vmem>>) offsets(%dma_start3A_646 : memref<100xi32, #tpu.memory_space<vmem>>) semaphore(%arg11 : memref<!tpu.dma_semaphore, #tpu.memory_space<semaphore_mem>>)
      } else {
      }
      %rem3A_610 = arith.constant 2 : i32
      %rem3A_611 = arith.remsi %add3A_586, %rem3A_610 : i32
      %mul3A_612 = arith.constant 100 : i32
      %mul3A_613 = arith.muli %rem3A_611, %mul3A_612 : i32
      %scan3A_614 = arith.constant 0 : i32
      %scan3A_615 = arith.constant 5 : i32
      %scan3A_616 = arith.constant 0 : i32
      %scan3A_617 = arith.constant 100 : i32
      %scan3A_618 = arith.addi %scan3A_616, %scan3A_617 : i32
      %scan3A_619 = arith.constant 1 : i32
      scf.for %scan3A_637 = %scan3A_616 to %scan3A_618 step %scan3A_619  : i32 {
        %add3A_638 = arith.addi %mul3A_613, %scan3A_637 : i32
        %get3A = arith.index_cast %add3A_638 : i32 to index
        %get3A_639 = arith.constant 0 : index
        %get3A_640 = tpu.vector_load %arg7[%get3A, %get3A_639] {strides = array<i32>} : memref<200x128xf32, #tpu.memory_space<vmem>>, vector<1x16xf32>,
        %get3A_641 = vector.shape_cast %get3A_640 : vector<1x16xf32> to vector<16xf32>
        %swap3A = arith.constant 0 : i32
        %swap3A_642 = arith.constant 0 : i32
        %swap3A_643 = tpu.memref_slice %arg8[%scan3A_615, %swap3A, %swap3A_642] : memref<6x100x128xf32, #tpu.memory_space<vmem>> -> memref<1x100x128xf32, #tpu.memory_space<vmem>>
        %swap3A_644 = tpu.memref_squeeze %swap3A_643 : memref<1x100x128xf32, #tpu.memory_space<vmem>> -> memref<100x128xf32, #tpu.memory_space<vmem>>
        %swap3A_645 = arith.index_cast %scan3A_637 : i32 to index
        %swap3A_646 = arith.constant 0 : index
        %swap3A_647 = tpu.vector_load %swap3A_644[%swap3A_645, %swap3A_646] {strides = array<i32>} : memref<100x128xf32, #tpu.memory_space<vmem>>, vector<1x16xf32>,
        %swap3A_648 = vector.shape_cast %swap3A_647 : vector<1x16xf32> to vector<16xf32>
        %swap3A_649 = vector.shape_cast %get3A_641 : vector<16xf32> to vector<1x16xf32>
        tpu.vector_store %swap3A_644[%swap3A_645, %swap3A_646], %swap3A_649 {add = true, strides = array<i32>} : memref<100x128xf32, #tpu.memory_space<vmem>>, vector<1x16xf32>,
        %get3A_650 = arith.index_cast %add3A_638 : i32 to index
        %get3A_651 = arith.constant 16 : index
        %get3A_652 = tpu.vector_load %arg7[%get3A_650, %get3A_651] {strides = array<i32>} : memref<200x128xf32, #tpu.memory_space<vmem>>, vector<1x16xf32>,
        %get3A_653 = vector.shape_cast %get3A_652 : vector<1x16xf32> to vector<16xf32>
        %swap3A_654 = arith.constant 0 : i32
        %swap3A_655 = arith.constant 0 : i32
        %swap3A_656 = tpu.memref_slice %arg8[%scan3A_615, %swap3A_654, %swap3A_655] : memref<6x100x128xf32, #tpu.memory_space<vmem>> -> memref<1x100x128xf32, #tpu.memory_space<vmem>>
        %swap3A_657 = tpu.memref_squeeze %swap3A_656 : memref<1x100x128xf32, #tpu.memory_space<vmem>> -> memref<100x128xf32, #tpu.memory_space<vmem>>
        %swap3A_658 = arith.index_cast %scan3A_637 : i32 to index
        %swap3A_659 = arith.constant 16 : index
        %swap3A_660 = tpu.vector_load %swap3A_657[%swap3A_658, %swap3A_659] {strides = array<i32>} : memref<100x128xf32, #tpu.memory_space<vmem>>, vector<1x16xf32>,
        %swap3A_661 = vector.shape_cast %swap3A_660 : vector<1x16xf32> to vector<16xf32>
        %swap3A_662 = vector.shape_cast %get3A_653 : vector<16xf32> to vector<1x16xf32>
        tpu.vector_store %swap3A_657[%swap3A_658, %swap3A_659], %swap3A_662 {add = true, strides = array<i32>} : memref<100x128xf32, #tpu.memory_space<vmem>>, vector<1x16xf32>,
        %get3A_663 = arith.index_cast %add3A_638 : i32 to index
        %get3A_664 = arith.constant 32 : index
        %get3A_665 = tpu.vector_load %arg7[%get3A_663, %get3A_664] {strides = array<i32>} : memref<200x128xf32, #tpu.memory_space<vmem>>, vector<1x16xf32>,
        %get3A_666 = vector.shape_cast %get3A_665 : vector<1x16xf32> to vector<16xf32>
        %swap3A_667 = arith.constant 0 : i32
        %swap3A_668 = arith.constant 0 : i32
        %swap3A_669 = tpu.memref_slice %arg8[%scan3A_615, %swap3A_667, %swap3A_668] : memref<6x100x128xf32, #tpu.memory_space<vmem>> -> memref<1x100x128xf32, #tpu.memory_space<vmem>>
        %swap3A_670 = tpu.memref_squeeze %swap3A_669 : memref<1x100x128xf32, #tpu.memory_space<vmem>> -> memref<100x128xf32, #tpu.memory_space<vmem>>
        %swap3A_671 = arith.index_cast %scan3A_637 : i32 to index
        %swap3A_672 = arith.constant 32 : index
        %swap3A_673 = tpu.vector_load %swap3A_670[%swap3A_671, %swap3A_672] {strides = array<i32>} : memref<100x128xf32, #tpu.memory_space<vmem>>, vector<1x16xf32>,
        %swap3A_674 = vector.shape_cast %swap3A_673 : vector<1x16xf32> to vector<16xf32>
        %swap3A_675 = vector.shape_cast %get3A_666 : vector<16xf32> to vector<1x16xf32>
        tpu.vector_store %swap3A_670[%swap3A_671, %swap3A_672], %swap3A_675 {add = true, strides = array<i32>} : memref<100x128xf32, #tpu.memory_space<vmem>>, vector<1x16xf32>,
        %get3A_676 = arith.index_cast %add3A_638 : i32 to index
        %get3A_677 = arith.constant 48 : index
        %get3A_678 = tpu.vector_load %arg7[%get3A_676, %get3A_677] {strides = array<i32>} : memref<200x128xf32, #tpu.memory_space<vmem>>, vector<1x16xf32>,
        %get3A_679 = vector.shape_cast %get3A_678 : vector<1x16xf32> to vector<16xf32>
        %swap3A_680 = arith.constant 0 : i32
        %swap3A_681 = arith.constant 0 : i32
        %swap3A_682 = tpu.memref_slice %arg8[%scan3A_615, %swap3A_680, %swap3A_681] : memref<6x100x128xf32, #tpu.memory_space<vmem>> -> memref<1x100x128xf32, #tpu.memory_space<vmem>>
        %swap3A_683 = tpu.memref_squeeze %swap3A_682 : memref<1x100x128xf32, #tpu.memory_space<vmem>> -> memref<100x128xf32, #tpu.memory_space<vmem>>
        %swap3A_684 = arith.index_cast %scan3A_637 : i32 to index
        %swap3A_685 = arith.constant 48 : index
        %swap3A_686 = tpu.vector_load %swap3A_683[%swap3A_684, %swap3A_685] {strides = array<i32>} : memref<100x128xf32, #tpu.memory_space<vmem>>, vector<1x16xf32>,
        %swap3A_687 = vector.shape_cast %swap3A_686 : vector<1x16xf32> to vector<16xf32>
        %swap3A_688 = vector.shape_cast %get3A_679 : vector<16xf32> to vector<1x16xf32>
        tpu.vector_store %swap3A_683[%swap3A_684, %swap3A_685], %swap3A_688 {add = true, strides = array<i32>} : memref<100x128xf32, #tpu.memory_space<vmem>>, vector<1x16xf32>,
        %get3A_689 = arith.index_cast %add3A_638 : i32 to index
        %get3A_690 = arith.constant 64 : index
        %get3A_691 = tpu.vector_load %arg7[%get3A_689, %get3A_690] {strides = array<i32>} : memref<200x128xf32, #tpu.memory_space<vmem>>, vector<1x16xf32>,
        %get3A_692 = vector.shape_cast %get3A_691 : vector<1x16xf32> to vector<16xf32>
        %swap3A_693 = arith.constant 0 : i32
        %swap3A_694 = arith.constant 0 : i32
        %swap3A_695 = tpu.memref_slice %arg8[%scan3A_615, %swap3A_693, %swap3A_694] : memref<6x100x128xf32, #tpu.memory_space<vmem>> -> memref<1x100x128xf32, #tpu.memory_space<vmem>>
        %swap3A_696 = tpu.memref_squeeze %swap3A_695 : memref<1x100x128xf32, #tpu.memory_space<vmem>> -> memref<100x128xf32, #tpu.memory_space<vmem>>
        %swap3A_697 = arith.index_cast %scan3A_637 : i32 to index
        %swap3A_698 = arith.constant 64 : index
        %swap3A_699 = tpu.vector_load %swap3A_696[%swap3A_697, %swap3A_698] {strides = array<i32>} : memref<100x128xf32, #tpu.memory_space<vmem>>, vector<1x16xf32>,
        %swap3A_700 = vector.shape_cast %swap3A_699 : vector<1x16xf32> to vector<16xf32>
        %swap3A_701 = vector.shape_cast %get3A_692 : vector<16xf32> to vector<1x16xf32>
        tpu.vector_store %swap3A_696[%swap3A_697, %swap3A_698], %swap3A_701 {add = true, strides = array<i32>} : memref<100x128xf32, #tpu.memory_space<vmem>>, vector<1x16xf32>,
        %get3A_702 = arith.index_cast %add3A_638 : i32 to index
        %get3A_703 = arith.constant 80 : index
        %get3A_704 = tpu.vector_load %arg7[%get3A_702, %get3A_703] {strides = array<i32>} : memref<200x128xf32, #tpu.memory_space<vmem>>, vector<1x16xf32>,
        %get3A_705 = vector.shape_cast %get3A_704 : vector<1x16xf32> to vector<16xf32>
        %swap3A_706 = arith.constant 0 : i32
        %swap3A_707 = arith.constant 0 : i32
        %swap3A_708 = tpu.memref_slice %arg8[%scan3A_615, %swap3A_706, %swap3A_707] : memref<6x100x128xf32, #tpu.memory_space<vmem>> -> memref<1x100x128xf32, #tpu.memory_space<vmem>>
        %swap3A_709 = tpu.memref_squeeze %swap3A_708 : memref<1x100x128xf32, #tpu.memory_space<vmem>> -> memref<100x128xf32, #tpu.memory_space<vmem>>
        %swap3A_710 = arith.index_cast %scan3A_637 : i32 to index
        %swap3A_711 = arith.constant 80 : index
        %swap3A_712 = tpu.vector_load %swap3A_709[%swap3A_710, %swap3A_711] {strides = array<i32>} : memref<100x128xf32, #tpu.memory_space<vmem>>, vector<1x16xf32>,
        %swap3A_713 = vector.shape_cast %swap3A_712 : vector<1x16xf32> to vector<16xf32>
        %swap3A_714 = vector.shape_cast %get3A_705 : vector<16xf32> to vector<1x16xf32>
        tpu.vector_store %swap3A_709[%swap3A_710, %swap3A_711], %swap3A_714 {add = true, strides = array<i32>} : memref<100x128xf32, #tpu.memory_space<vmem>>, vector<1x16xf32>,
        %get3A_715 = arith.index_cast %add3A_638 : i32 to index
        %get3A_716 = arith.constant 96 : index
        %get3A_717 = tpu.vector_load %arg7[%get3A_715, %get3A_716] {strides = array<i32>} : memref<200x128xf32, #tpu.memory_space<vmem>>, vector<1x16xf32>,
        %get3A_718 = vector.shape_cast %get3A_717 : vector<1x16xf32> to vector<16xf32>
        %swap3A_719 = arith.constant 0 : i32
        %swap3A_720 = arith.constant 0 : i32
        %swap3A_721 = tpu.memref_slice %arg8[%scan3A_615, %swap3A_719, %swap3A_720] : memref<6x100x128xf32, #tpu.memory_space<vmem>> -> memref<1x100x128xf32, #tpu.memory_space<vmem>>
        %swap3A_722 = tpu.memref_squeeze %swap3A_721 : memref<1x100x128xf32, #tpu.memory_space<vmem>> -> memref<100x128xf32, #tpu.memory_space<vmem>>
        %swap3A_723 = arith.index_cast %scan3A_637 : i32 to index
        %swap3A_724 = arith.constant 96 : index
        %swap3A_725 = tpu.vector_load %swap3A_722[%swap3A_723, %swap3A_724] {strides = array<i32>} : memref<100x128xf32, #tpu.memory_space<vmem>>, vector<1x16xf32>,
        %swap3A_726 = vector.shape_cast %swap3A_725 : vector<1x16xf32> to vector<16xf32>
        %swap3A_727 = vector.shape_cast %get3A_718 : vector<16xf32> to vector<1x16xf32>
        tpu.vector_store %swap3A_722[%swap3A_723, %swap3A_724], %swap3A_727 {add = true, strides = array<i32>} : memref<100x128xf32, #tpu.memory_space<vmem>>, vector<1x16xf32>,
        %get3A_728 = arith.index_cast %add3A_638 : i32 to index
        %get3A_729 = arith.constant 112 : index
        %get3A_730 = tpu.vector_load %arg7[%get3A_728, %get3A_729] {strides = array<i32>} : memref<200x128xf32, #tpu.memory_space<vmem>>, vector<1x16xf32>,
        %get3A_731 = vector.shape_cast %get3A_730 : vector<1x16xf32> to vector<16xf32>
        %swap3A_732 = arith.constant 0 : i32
        %swap3A_733 = arith.constant 0 : i32
        %swap3A_734 = tpu.memref_slice %arg8[%scan3A_615, %swap3A_732, %swap3A_733] : memref<6x100x128xf32, #tpu.memory_space<vmem>> -> memref<1x100x128xf32, #tpu.memory_space<vmem>>
        %swap3A_735 = tpu.memref_squeeze %swap3A_734 : memref<1x100x128xf32, #tpu.memory_space<vmem>> -> memref<100x128xf32, #tpu.memory_space<vmem>>
        %swap3A_736 = arith.index_cast %scan3A_637 : i32 to index
        %swap3A_737 = arith.constant 112 : index
        %swap3A_738 = tpu.vector_load %swap3A_735[%swap3A_736, %swap3A_737] {strides = array<i32>} : memref<100x128xf32, #tpu.memory_space<vmem>>, vector<1x16xf32>,
        %swap3A_739 = vector.shape_cast %swap3A_738 : vector<1x16xf32> to vector<16xf32>
        %swap3A_740 = vector.shape_cast %get3A_731 : vector<16xf32> to vector<1x16xf32>
        tpu.vector_store %swap3A_735[%swap3A_736, %swap3A_737], %swap3A_740 {add = true, strides = array<i32>} : memref<100x128xf32, #tpu.memory_space<vmem>>, vector<1x16xf32>,
      }
      %scan3A_620 = arith.constant 100 : i32
      %mul3A_621 = arith.constant 100 : i32
      %mul3A_622 = arith.muli %add3A_586, %mul3A_621 : i32
      %add3A_623 = arith.addi %mul3A_2, %mul3A_622 : i32
      %dma_start3A_624 = arith.constant 5 : i32
      %dma_start3A_625 = arith.constant 0 : i32
      %dma_start3A_626 = arith.constant 0 : i32
      %dma_start3A_627 = tpu.memref_slice %arg8[%dma_start3A_624, %dma_start3A_625, %dma_start3A_626] : memref<6x100x128xf32, #tpu.memory_space<vmem>> -> memref<1x100x128xf32, #tpu.memory_space<vmem>>
      %dma_start3A_628 = tpu.memref_squeeze %dma_start3A_627 : memref<1x100x128xf32, #tpu.memory_space<vmem>> -> memref<100x128xf32, #tpu.memory_space<vmem>>
      %dma_start3A_629 = arith.constant 0 : i32
      %dma_start3A_630 = tpu.memref_slice %arg5[%add3A_623, %dma_start3A_629] : memref<204800x128xf32, #tpu.memory_space<hbm>> -> memref<100x128xf32, #tpu.memory_space<hbm>>
      %dma_start3A_631 = arith.constant 0 : i32
      %dma_start3A_632 = tpu.memref_slice %arg5[%add3A_623, %dma_start3A_631] : memref<204800x128xf32, #tpu.memory_space<hbm>> -> memref<100x128xf32, #tpu.memory_space<hbm>>
      %dma_start3A_633 = arith.constant 0 : i32
      %dma_start3A_634 = arith.constant 0 : i32
      %dma_start3A_635 = tpu.memref_slice %arg8[%dma_start3A_624, %dma_start3A_633, %dma_start3A_634] : memref<6x100x128xf32, #tpu.memory_space<vmem>> -> memref<1x100x128xf32, #tpu.memory_space<vmem>>
      %dma_start3A_636 = tpu.memref_squeeze %dma_start3A_635 : memref<1x100x128xf32, #tpu.memory_space<vmem>> -> memref<100x128xf32, #tpu.memory_space<vmem>>
      tpu.enqueue_dma source(%dma_start3A_636 : memref<100x128xf32, #tpu.memory_space<vmem>>) target(%dma_start3A_632 : memref<100x128xf32, #tpu.memory_space<hbm>>) target_semaphore(%arg20 : memref<!tpu.dma_semaphore, #tpu.memory_space<semaphore_mem>>)
    }
    %scan3A_44 = arith.constant 10 : i32
    %dma_wait3A = arith.constant 60 : i32
    %dma_wait3A_45 = arith.constant 0 : i32
    %dma_wait3A_46 = arith.constant 0 : i32
    %dma_wait3A_47 = arith.constant 0 : i32
    %dma_wait3A_48 = tpu.memref_slice %arg8[%dma_wait3A_45, %dma_wait3A_46, %dma_wait3A_47] : memref<6x100x128xf32, #tpu.memory_space<vmem>> -> memref<1x100x128xf32, #tpu.memory_space<vmem>>
    %dma_wait3A_49 = tpu.memref_squeeze %dma_wait3A_48 : memref<1x100x128xf32, #tpu.memory_space<vmem>> -> memref<100x128xf32, #tpu.memory_space<vmem>>
    %dma_wait3A_50 = arith.constant 0 : i32
    %dma_wait3A_51 = tpu.memref_slice %arg6[%dma_wait3A, %dma_wait3A_50] : memref<64x100xi32, #tpu.memory_space<vmem>> -> memref<1x100xi32, #tpu.memory_space<vmem>>
    %dma_wait3A_52 = tpu.memref_squeeze %dma_wait3A_51 : memref<1x100xi32, #tpu.memory_space<vmem>> -> memref<100xi32, #tpu.memory_space<vmem>>
    %dma_wait3A_53 = arith.constant 0 : i32
    %dma_wait3A_54 = arith.constant 0 : i32
    %dma_wait3A_55 = tpu.memref_slice %arg2[%dma_wait3A_53, %dma_wait3A_54] : memref<100000x128xf32, #tpu.memory_space<hbm>> -> memref<100000x128xf32, #tpu.memory_space<hbm>>
    tpu.wait_indirect_dma semaphore(%arg9 : memref<!tpu.dma_semaphore, #tpu.memory_space<semaphore_mem>>) src(%dma_wait3A_55 : memref<100000x128xf32, #tpu.memory_space<hbm>>) dst(%dma_wait3A_49 : memref<100x128xf32, #tpu.memory_space<vmem>>)
    %dma_wait3A_56 = arith.constant 3 : i32
    %dma_wait3A_57 = arith.constant 0 : i32
    %dma_wait3A_58 = arith.constant 0 : i32
    %dma_wait3A_59 = tpu.memref_slice %arg8[%dma_wait3A_56, %dma_wait3A_57, %dma_wait3A_58] : memref<6x100x128xf32, #tpu.memory_space<vmem>> -> memref<1x100x128xf32, #tpu.memory_space<vmem>>
    %dma_wait3A_60 = tpu.memref_squeeze %dma_wait3A_59 : memref<1x100x128xf32, #tpu.memory_space<vmem>> -> memref<100x128xf32, #tpu.memory_space<vmem>>
    %dma_wait3A_61 = arith.constant 0 : i32
    %dma_wait3A_62 = arith.constant 0 : i32
    %dma_wait3A_63 = tpu.memref_slice %arg5[%dma_wait3A_61, %dma_wait3A_62] : memref<204800x128xf32, #tpu.memory_space<hbm>> -> memref<100x128xf32, #tpu.memory_space<hbm>>
    %dma_wait3A_64 = arith.constant 0 : i32
    %dma_wait3A_65 = arith.constant 0 : i32
    %dma_wait3A_66 = tpu.memref_slice %arg5[%dma_wait3A_64, %dma_wait3A_65] : memref<204800x128xf32, #tpu.memory_space<hbm>> -> memref<100x128xf32, #tpu.memory_space<hbm>>
    %dma_wait3A_67 = arith.constant 0 : i32
    %dma_wait3A_68 = arith.constant 0 : i32
    %dma_wait3A_69 = tpu.memref_slice %arg8[%dma_wait3A_56, %dma_wait3A_67, %dma_wait3A_68] : memref<6x100x128xf32, #tpu.memory_space<vmem>> -> memref<1x100x128xf32, #tpu.memory_space<vmem>>
    %dma_wait3A_70 = tpu.memref_squeeze %dma_wait3A_69 : memref<1x100x128xf32, #tpu.memory_space<vmem>> -> memref<100x128xf32, #tpu.memory_space<vmem>>
    tpu.wait_dma2 semaphore(%arg18 : memref<!tpu.dma_semaphore, #tpu.memory_space<semaphore_mem>>) src(%dma_wait3A_70 : memref<100x128xf32, #tpu.memory_space<vmem>>) dst(%dma_wait3A_66 : memref<100x128xf32, #tpu.memory_space<hbm>>)
    %dma_start3A_71 = arith.constant 63 : i32
    %dma_start3A_72 = arith.constant 3 : i32
    %dma_start3A_73 = arith.constant 0 : i32
    %dma_start3A_74 = arith.constant 0 : i32
    %dma_start3A_75 = tpu.memref_slice %arg8[%dma_start3A_72, %dma_start3A_73, %dma_start3A_74] : memref<6x100x128xf32, #tpu.memory_space<vmem>> -> memref<1x100x128xf32, #tpu.memory_space<vmem>>
    %dma_start3A_76 = tpu.memref_squeeze %dma_start3A_75 : memref<1x100x128xf32, #tpu.memory_space<vmem>> -> memref<100x128xf32, #tpu.memory_space<vmem>>
    %dma_start3A_77 = arith.constant 0 : i32
    %dma_start3A_78 = tpu.memref_slice %arg6[%dma_start3A_71, %dma_start3A_77] : memref<64x100xi32, #tpu.memory_space<vmem>> -> memref<1x100xi32, #tpu.memory_space<vmem>>
    %dma_start3A_79 = tpu.memref_squeeze %dma_start3A_78 : memref<1x100xi32, #tpu.memory_space<vmem>> -> memref<100xi32, #tpu.memory_space<vmem>>
    %dma_start3A_80 = arith.constant 0 : i32
    %dma_start3A_81 = arith.constant 0 : i32
    %dma_start3A_82 = tpu.memref_slice %arg2[%dma_start3A_80, %dma_start3A_81] : memref<100000x128xf32, #tpu.memory_space<hbm>> -> memref<100000x128xf32, #tpu.memory_space<hbm>>
    tpu.enqueue_indirect_dma source(%dma_start3A_82 : memref<100000x128xf32, #tpu.memory_space<hbm>>) target(%dma_start3A_76 : memref<100x128xf32, #tpu.memory_space<vmem>>) offsets(%dma_start3A_79 : memref<100xi32, #tpu.memory_space<vmem>>) semaphore(%arg12 : memref<!tpu.dma_semaphore, #tpu.memory_space<semaphore_mem>>)
    %rem3A = arith.constant 60 : i32
    %rem3A_83 = arith.constant 2 : i32
    %rem3A_84 = arith.remsi %rem3A, %rem3A_83 : i32
    %mul3A_85 = arith.constant 100 : i32
    %mul3A_86 = arith.muli %rem3A_84, %mul3A_85 : i32
    %scan3A_87 = arith.constant 0 : i32
    %scan3A_88 = arith.constant 0 : i32
    %scan3A_89 = arith.constant 0 : i32
    %scan3A_90 = arith.constant 100 : i32
    %scan3A_91 = arith.addi %scan3A_89, %scan3A_90 : i32
    %scan3A_92 = arith.constant 1 : i32
    scf.for %scan3A_316 = %scan3A_89 to %scan3A_91 step %scan3A_92  : i32 {
      %add3A_317 = arith.addi %mul3A_86, %scan3A_316 : i32
      %get3A = arith.index_cast %add3A_317 : i32 to index
      %get3A_318 = arith.constant 0 : index
      %get3A_319 = tpu.vector_load %arg7[%get3A, %get3A_318] {strides = array<i32>} : memref<200x128xf32, #tpu.memory_space<vmem>>, vector<1x16xf32>,
      %get3A_320 = vector.shape_cast %get3A_319 : vector<1x16xf32> to vector<16xf32>
      %swap3A = arith.constant 0 : i32
      %swap3A_321 = arith.constant 0 : i32
      %swap3A_322 = tpu.memref_slice %arg8[%scan3A_88, %swap3A, %swap3A_321] : memref<6x100x128xf32, #tpu.memory_space<vmem>> -> memref<1x100x128xf32, #tpu.memory_space<vmem>>
      %swap3A_323 = tpu.memref_squeeze %swap3A_322 : memref<1x100x128xf32, #tpu.memory_space<vmem>> -> memref<100x128xf32, #tpu.memory_space<vmem>>
      %swap3A_324 = arith.index_cast %scan3A_316 : i32 to index
      %swap3A_325 = arith.constant 0 : index
      %swap3A_326 = tpu.vector_load %swap3A_323[%swap3A_324, %swap3A_325] {strides = array<i32>} : memref<100x128xf32, #tpu.memory_space<vmem>>, vector<1x16xf32>,
      %swap3A_327 = vector.shape_cast %swap3A_326 : vector<1x16xf32> to vector<16xf32>
      %swap3A_328 = vector.shape_cast %get3A_320 : vector<16xf32> to vector<1x16xf32>
      tpu.vector_store %swap3A_323[%swap3A_324, %swap3A_325], %swap3A_328 {add = true, strides = array<i32>} : memref<100x128xf32, #tpu.memory_space<vmem>>, vector<1x16xf32>,
      %get3A_329 = arith.index_cast %add3A_317 : i32 to index
      %get3A_330 = arith.constant 16 : index
      %get3A_331 = tpu.vector_load %arg7[%get3A_329, %get3A_330] {strides = array<i32>} : memref<200x128xf32, #tpu.memory_space<vmem>>, vector<1x16xf32>,
      %get3A_332 = vector.shape_cast %get3A_331 : vector<1x16xf32> to vector<16xf32>
      %swap3A_333 = arith.constant 0 : i32
      %swap3A_334 = arith.constant 0 : i32
      %swap3A_335 = tpu.memref_slice %arg8[%scan3A_88, %swap3A_333, %swap3A_334] : memref<6x100x128xf32, #tpu.memory_space<vmem>> -> memref<1x100x128xf32, #tpu.memory_space<vmem>>
      %swap3A_336 = tpu.memref_squeeze %swap3A_335 : memref<1x100x128xf32, #tpu.memory_space<vmem>> -> memref<100x128xf32, #tpu.memory_space<vmem>>
      %swap3A_337 = arith.index_cast %scan3A_316 : i32 to index
      %swap3A_338 = arith.constant 16 : index
      %swap3A_339 = tpu.vector_load %swap3A_336[%swap3A_337, %swap3A_338] {strides = array<i32>} : memref<100x128xf32, #tpu.memory_space<vmem>>, vector<1x16xf32>,
      %swap3A_340 = vector.shape_cast %swap3A_339 : vector<1x16xf32> to vector<16xf32>
      %swap3A_341 = vector.shape_cast %get3A_332 : vector<16xf32> to vector<1x16xf32>
      tpu.vector_store %swap3A_336[%swap3A_337, %swap3A_338], %swap3A_341 {add = true, strides = array<i32>} : memref<100x128xf32, #tpu.memory_space<vmem>>, vector<1x16xf32>,
      %get3A_342 = arith.index_cast %add3A_317 : i32 to index
      %get3A_343 = arith.constant 32 : index
      %get3A_344 = tpu.vector_load %arg7[%get3A_342, %get3A_343] {strides = array<i32>} : memref<200x128xf32, #tpu.memory_space<vmem>>, vector<1x16xf32>,
      %get3A_345 = vector.shape_cast %get3A_344 : vector<1x16xf32> to vector<16xf32>
      %swap3A_346 = arith.constant 0 : i32
      %swap3A_347 = arith.constant 0 : i32
      %swap3A_348 = tpu.memref_slice %arg8[%scan3A_88, %swap3A_346, %swap3A_347] : memref<6x100x128xf32, #tpu.memory_space<vmem>> -> memref<1x100x128xf32, #tpu.memory_space<vmem>>
      %swap3A_349 = tpu.memref_squeeze %swap3A_348 : memref<1x100x128xf32, #tpu.memory_space<vmem>> -> memref<100x128xf32, #tpu.memory_space<vmem>>
      %swap3A_350 = arith.index_cast %scan3A_316 : i32 to index
      %swap3A_351 = arith.constant 32 : index
      %swap3A_352 = tpu.vector_load %swap3A_349[%swap3A_350, %swap3A_351] {strides = array<i32>} : memref<100x128xf32, #tpu.memory_space<vmem>>, vector<1x16xf32>,
      %swap3A_353 = vector.shape_cast %swap3A_352 : vector<1x16xf32> to vector<16xf32>
      %swap3A_354 = vector.shape_cast %get3A_345 : vector<16xf32> to vector<1x16xf32>
      tpu.vector_store %swap3A_349[%swap3A_350, %swap3A_351], %swap3A_354 {add = true, strides = array<i32>} : memref<100x128xf32, #tpu.memory_space<vmem>>, vector<1x16xf32>,
      %get3A_355 = arith.index_cast %add3A_317 : i32 to index
      %get3A_356 = arith.constant 48 : index
      %get3A_357 = tpu.vector_load %arg7[%get3A_355, %get3A_356] {strides = array<i32>} : memref<200x128xf32, #tpu.memory_space<vmem>>, vector<1x16xf32>,
      %get3A_358 = vector.shape_cast %get3A_357 : vector<1x16xf32> to vector<16xf32>
      %swap3A_359 = arith.constant 0 : i32
      %swap3A_360 = arith.constant 0 : i32
      %swap3A_361 = tpu.memref_slice %arg8[%scan3A_88, %swap3A_359, %swap3A_360] : memref<6x100x128xf32, #tpu.memory_space<vmem>> -> memref<1x100x128xf32, #tpu.memory_space<vmem>>
      %swap3A_362 = tpu.memref_squeeze %swap3A_361 : memref<1x100x128xf32, #tpu.memory_space<vmem>> -> memref<100x128xf32, #tpu.memory_space<vmem>>
      %swap3A_363 = arith.index_cast %scan3A_316 : i32 to index
      %swap3A_364 = arith.constant 48 : index
      %swap3A_365 = tpu.vector_load %swap3A_362[%swap3A_363, %swap3A_364] {strides = array<i32>} : memref<100x128xf32, #tpu.memory_space<vmem>>, vector<1x16xf32>,
      %swap3A_366 = vector.shape_cast %swap3A_365 : vector<1x16xf32> to vector<16xf32>
      %swap3A_367 = vector.shape_cast %get3A_358 : vector<16xf32> to vector<1x16xf32>
      tpu.vector_store %swap3A_362[%swap3A_363, %swap3A_364], %swap3A_367 {add = true, strides = array<i32>} : memref<100x128xf32, #tpu.memory_space<vmem>>, vector<1x16xf32>,
      %get3A_368 = arith.index_cast %add3A_317 : i32 to index
      %get3A_369 = arith.constant 64 : index
      %get3A_370 = tpu.vector_load %arg7[%get3A_368, %get3A_369] {strides = array<i32>} : memref<200x128xf32, #tpu.memory_space<vmem>>, vector<1x16xf32>,
      %get3A_371 = vector.shape_cast %get3A_370 : vector<1x16xf32> to vector<16xf32>
      %swap3A_372 = arith.constant 0 : i32
      %swap3A_373 = arith.constant 0 : i32
      %swap3A_374 = tpu.memref_slice %arg8[%scan3A_88, %swap3A_372, %swap3A_373] : memref<6x100x128xf32, #tpu.memory_space<vmem>> -> memref<1x100x128xf32, #tpu.memory_space<vmem>>
      %swap3A_375 = tpu.memref_squeeze %swap3A_374 : memref<1x100x128xf32, #tpu.memory_space<vmem>> -> memref<100x128xf32, #tpu.memory_space<vmem>>
      %swap3A_376 = arith.index_cast %scan3A_316 : i32 to index
      %swap3A_377 = arith.constant 64 : index
      %swap3A_378 = tpu.vector_load %swap3A_375[%swap3A_376, %swap3A_377] {strides = array<i32>} : memref<100x128xf32, #tpu.memory_space<vmem>>, vector<1x16xf32>,
      %swap3A_379 = vector.shape_cast %swap3A_378 : vector<1x16xf32> to vector<16xf32>
      %swap3A_380 = vector.shape_cast %get3A_371 : vector<16xf32> to vector<1x16xf32>
      tpu.vector_store %swap3A_375[%swap3A_376, %swap3A_377], %swap3A_380 {add = true, strides = array<i32>} : memref<100x128xf32, #tpu.memory_space<vmem>>, vector<1x16xf32>,
      %get3A_381 = arith.index_cast %add3A_317 : i32 to index
      %get3A_382 = arith.constant 80 : index
      %get3A_383 = tpu.vector_load %arg7[%get3A_381, %get3A_382] {strides = array<i32>} : memref<200x128xf32, #tpu.memory_space<vmem>>, vector<1x16xf32>,
      %get3A_384 = vector.shape_cast %get3A_383 : vector<1x16xf32> to vector<16xf32>
      %swap3A_385 = arith.constant 0 : i32
      %swap3A_386 = arith.constant 0 : i32
      %swap3A_387 = tpu.memref_slice %arg8[%scan3A_88, %swap3A_385, %swap3A_386] : memref<6x100x128xf32, #tpu.memory_space<vmem>> -> memref<1x100x128xf32, #tpu.memory_space<vmem>>
      %swap3A_388 = tpu.memref_squeeze %swap3A_387 : memref<1x100x128xf32, #tpu.memory_space<vmem>> -> memref<100x128xf32, #tpu.memory_space<vmem>>
      %swap3A_389 = arith.index_cast %scan3A_316 : i32 to index
      %swap3A_390 = arith.constant 80 : index
      %swap3A_391 = tpu.vector_load %swap3A_388[%swap3A_389, %swap3A_390] {strides = array<i32>} : memref<100x128xf32, #tpu.memory_space<vmem>>, vector<1x16xf32>,
      %swap3A_392 = vector.shape_cast %swap3A_391 : vector<1x16xf32> to vector<16xf32>
      %swap3A_393 = vector.shape_cast %get3A_384 : vector<16xf32> to vector<1x16xf32>
      tpu.vector_store %swap3A_388[%swap3A_389, %swap3A_390], %swap3A_393 {add = true, strides = array<i32>} : memref<100x128xf32, #tpu.memory_space<vmem>>, vector<1x16xf32>,
      %get3A_394 = arith.index_cast %add3A_317 : i32 to index
      %get3A_395 = arith.constant 96 : index
      %get3A_396 = tpu.vector_load %arg7[%get3A_394, %get3A_395] {strides = array<i32>} : memref<200x128xf32, #tpu.memory_space<vmem>>, vector<1x16xf32>,
      %get3A_397 = vector.shape_cast %get3A_396 : vector<1x16xf32> to vector<16xf32>
      %swap3A_398 = arith.constant 0 : i32
      %swap3A_399 = arith.constant 0 : i32
      %swap3A_400 = tpu.memref_slice %arg8[%scan3A_88, %swap3A_398, %swap3A_399] : memref<6x100x128xf32, #tpu.memory_space<vmem>> -> memref<1x100x128xf32, #tpu.memory_space<vmem>>
      %swap3A_401 = tpu.memref_squeeze %swap3A_400 : memref<1x100x128xf32, #tpu.memory_space<vmem>> -> memref<100x128xf32, #tpu.memory_space<vmem>>
      %swap3A_402 = arith.index_cast %scan3A_316 : i32 to index
      %swap3A_403 = arith.constant 96 : index
      %swap3A_404 = tpu.vector_load %swap3A_401[%swap3A_402, %swap3A_403] {strides = array<i32>} : memref<100x128xf32, #tpu.memory_space<vmem>>, vector<1x16xf32>,
      %swap3A_405 = vector.shape_cast %swap3A_404 : vector<1x16xf32> to vector<16xf32>
      %swap3A_406 = vector.shape_cast %get3A_397 : vector<16xf32> to vector<1x16xf32>
      tpu.vector_store %swap3A_401[%swap3A_402, %swap3A_403], %swap3A_406 {add = true, strides = array<i32>} : memref<100x128xf32, #tpu.memory_space<vmem>>, vector<1x16xf32>,
      %get3A_407 = arith.index_cast %add3A_317 : i32 to index
      %get3A_408 = arith.constant 112 : index
      %get3A_409 = tpu.vector_load %arg7[%get3A_407, %get3A_408] {strides = array<i32>} : memref<200x128xf32, #tpu.memory_space<vmem>>, vector<1x16xf32>,
      %get3A_410 = vector.shape_cast %get3A_409 : vector<1x16xf32> to vector<16xf32>
      %swap3A_411 = arith.constant 0 : i32
      %swap3A_412 = arith.constant 0 : i32
      %swap3A_413 = tpu.memref_slice %arg8[%scan3A_88, %swap3A_411, %swap3A_412] : memref<6x100x128xf32, #tpu.memory_space<vmem>> -> memref<1x100x128xf32, #tpu.memory_space<vmem>>
      %swap3A_414 = tpu.memref_squeeze %swap3A_413 : memref<1x100x128xf32, #tpu.memory_space<vmem>> -> memref<100x128xf32, #tpu.memory_space<vmem>>
      %swap3A_415 = arith.index_cast %scan3A_316 : i32 to index
      %swap3A_416 = arith.constant 112 : index
      %swap3A_417 = tpu.vector_load %swap3A_414[%swap3A_415, %swap3A_416] {strides = array<i32>} : memref<100x128xf32, #tpu.memory_space<vmem>>, vector<1x16xf32>,
      %swap3A_418 = vector.shape_cast %swap3A_417 : vector<1x16xf32> to vector<16xf32>
      %swap3A_419 = vector.shape_cast %get3A_410 : vector<16xf32> to vector<1x16xf32>
      tpu.vector_store %swap3A_414[%swap3A_415, %swap3A_416], %swap3A_419 {add = true, strides = array<i32>} : memref<100x128xf32, #tpu.memory_space<vmem>>, vector<1x16xf32>,
    }
    %scan3A_93 = arith.constant 100 : i32
    %add3A_94 = arith.constant 6000 : i32
    %add3A_95 = arith.addi %mul3A_2, %add3A_94 : i32
    %dma_start3A_96 = arith.constant 0 : i32
    %dma_start3A_97 = arith.constant 0 : i32
    %dma_start3A_98 = arith.constant 0 : i32
    %dma_start3A_99 = tpu.memref_slice %arg8[%dma_start3A_96, %dma_start3A_97, %dma_start3A_98] : memref<6x100x128xf32, #tpu.memory_space<vmem>> -> memref<1x100x128xf32, #tpu.memory_space<vmem>>
    %dma_start3A_100 = tpu.memref_squeeze %dma_start3A_99 : memref<1x100x128xf32, #tpu.memory_space<vmem>> -> memref<100x128xf32, #tpu.memory_space<vmem>>
    %dma_start3A_101 = arith.constant 0 : i32
    %dma_start3A_102 = tpu.memref_slice %arg5[%add3A_95, %dma_start3A_101] : memref<204800x128xf32, #tpu.memory_space<hbm>> -> memref<100x128xf32, #tpu.memory_space<hbm>>
    %dma_start3A_103 = arith.constant 0 : i32
    %dma_start3A_104 = tpu.memref_slice %arg5[%add3A_95, %dma_start3A_103] : memref<204800x128xf32, #tpu.memory_space<hbm>> -> memref<100x128xf32, #tpu.memory_space<hbm>>
    %dma_start3A_105 = arith.constant 0 : i32
    %dma_start3A_106 = arith.constant 0 : i32
    %dma_start3A_107 = tpu.memref_slice %arg8[%dma_start3A_96, %dma_start3A_105, %dma_start3A_106] : memref<6x100x128xf32, #tpu.memory_space<vmem>> -> memref<1x100x128xf32, #tpu.memory_space<vmem>>
    %dma_start3A_108 = tpu.memref_squeeze %dma_start3A_107 : memref<1x100x128xf32, #tpu.memory_space<vmem>> -> memref<100x128xf32, #tpu.memory_space<vmem>>
    tpu.enqueue_dma source(%dma_start3A_108 : memref<100x128xf32, #tpu.memory_space<vmem>>) target(%dma_start3A_104 : memref<100x128xf32, #tpu.memory_space<hbm>>) target_semaphore(%arg15 : memref<!tpu.dma_semaphore, #tpu.memory_space<semaphore_mem>>)
    %dma_wait3A_109 = arith.constant 61 : i32
    %dma_wait3A_110 = arith.constant 1 : i32
    %dma_wait3A_111 = arith.constant 0 : i32
    %dma_wait3A_112 = arith.constant 0 : i32
    %dma_wait3A_113 = tpu.memref_slice %arg8[%dma_wait3A_110, %dma_wait3A_111, %dma_wait3A_112] : memref<6x100x128xf32, #tpu.memory_space<vmem>> -> memref<1x100x128xf32, #tpu.memory_space<vmem>>
    %dma_wait3A_114 = tpu.memref_squeeze %dma_wait3A_113 : memref<1x100x128xf32, #tpu.memory_space<vmem>> -> memref<100x128xf32, #tpu.memory_space<vmem>>
    %dma_wait3A_115 = arith.constant 0 : i32
    %dma_wait3A_116 = tpu.memref_slice %arg6[%dma_wait3A_109, %dma_wait3A_115] : memref<64x100xi32, #tpu.memory_space<vmem>> -> memref<1x100xi32, #tpu.memory_space<vmem>>
    %dma_wait3A_117 = tpu.memref_squeeze %dma_wait3A_116 : memref<1x100xi32, #tpu.memory_space<vmem>> -> memref<100xi32, #tpu.memory_space<vmem>>
    %dma_wait3A_118 = arith.constant 0 : i32
    %dma_wait3A_119 = arith.constant 0 : i32
    %dma_wait3A_120 = tpu.memref_slice %arg2[%dma_wait3A_118, %dma_wait3A_119] : memref<100000x128xf32, #tpu.memory_space<hbm>> -> memref<100000x128xf32, #tpu.memory_space<hbm>>
    tpu.wait_indirect_dma semaphore(%arg10 : memref<!tpu.dma_semaphore, #tpu.memory_space<semaphore_mem>>) src(%dma_wait3A_120 : memref<100000x128xf32, #tpu.memory_space<hbm>>) dst(%dma_wait3A_114 : memref<100x128xf32, #tpu.memory_space<vmem>>)
    %dma_wait3A_121 = arith.constant 4 : i32
    %dma_wait3A_122 = arith.constant 0 : i32
    %dma_wait3A_123 = arith.constant 0 : i32
    %dma_wait3A_124 = tpu.memref_slice %arg8[%dma_wait3A_121, %dma_wait3A_122, %dma_wait3A_123] : memref<6x100x128xf32, #tpu.memory_space<vmem>> -> memref<1x100x128xf32, #tpu.memory_space<vmem>>
    %dma_wait3A_125 = tpu.memref_squeeze %dma_wait3A_124 : memref<1x100x128xf32, #tpu.memory_space<vmem>> -> memref<100x128xf32, #tpu.memory_space<vmem>>
    %dma_wait3A_126 = arith.constant 0 : i32
    %dma_wait3A_127 = arith.constant 0 : i32
    %dma_wait3A_128 = tpu.memref_slice %arg5[%dma_wait3A_126, %dma_wait3A_127] : memref<204800x128xf32, #tpu.memory_space<hbm>> -> memref<100x128xf32, #tpu.memory_space<hbm>>
    %dma_wait3A_129 = arith.constant 0 : i32
    %dma_wait3A_130 = arith.constant 0 : i32
    %dma_wait3A_131 = tpu.memref_slice %arg5[%dma_wait3A_129, %dma_wait3A_130] : memref<204800x128xf32, #tpu.memory_space<hbm>> -> memref<100x128xf32, #tpu.memory_space<hbm>>
    %dma_wait3A_132 = arith.constant 0 : i32
    %dma_wait3A_133 = arith.constant 0 : i32
    %dma_wait3A_134 = tpu.memref_slice %arg8[%dma_wait3A_121, %dma_wait3A_132, %dma_wait3A_133] : memref<6x100x128xf32, #tpu.memory_space<vmem>> -> memref<1x100x128xf32, #tpu.memory_space<vmem>>
    %dma_wait3A_135 = tpu.memref_squeeze %dma_wait3A_134 : memref<1x100x128xf32, #tpu.memory_space<vmem>> -> memref<100x128xf32, #tpu.memory_space<vmem>>
    tpu.wait_dma2 semaphore(%arg19 : memref<!tpu.dma_semaphore, #tpu.memory_space<semaphore_mem>>) src(%dma_wait3A_135 : memref<100x128xf32, #tpu.memory_space<vmem>>) dst(%dma_wait3A_131 : memref<100x128xf32, #tpu.memory_space<hbm>>)
    %rem3A_136 = arith.constant 61 : i32
    %rem3A_137 = arith.constant 2 : i32
    %rem3A_138 = arith.remsi %rem3A_136, %rem3A_137 : i32
    %mul3A_139 = arith.constant 100 : i32
    %mul3A_140 = arith.muli %rem3A_138, %mul3A_139 : i32
    %scan3A_141 = arith.constant 0 : i32
    %scan3A_142 = arith.constant 1 : i32
    %scan3A_143 = arith.constant 0 : i32
    %scan3A_144 = arith.constant 100 : i32
    %scan3A_145 = arith.addi %scan3A_143, %scan3A_144 : i32
    %scan3A_146 = arith.constant 1 : i32
    scf.for %scan3A_316 = %scan3A_143 to %scan3A_145 step %scan3A_146  : i32 {
      %add3A_317 = arith.addi %mul3A_140, %scan3A_316 : i32
      %get3A = arith.index_cast %add3A_317 : i32 to index
      %get3A_318 = arith.constant 0 : index
      %get3A_319 = tpu.vector_load %arg7[%get3A, %get3A_318] {strides = array<i32>} : memref<200x128xf32, #tpu.memory_space<vmem>>, vector<1x16xf32>,
      %get3A_320 = vector.shape_cast %get3A_319 : vector<1x16xf32> to vector<16xf32>
      %swap3A = arith.constant 0 : i32
      %swap3A_321 = arith.constant 0 : i32
      %swap3A_322 = tpu.memref_slice %arg8[%scan3A_142, %swap3A, %swap3A_321] : memref<6x100x128xf32, #tpu.memory_space<vmem>> -> memref<1x100x128xf32, #tpu.memory_space<vmem>>
      %swap3A_323 = tpu.memref_squeeze %swap3A_322 : memref<1x100x128xf32, #tpu.memory_space<vmem>> -> memref<100x128xf32, #tpu.memory_space<vmem>>
      %swap3A_324 = arith.index_cast %scan3A_316 : i32 to index
      %swap3A_325 = arith.constant 0 : index
      %swap3A_326 = tpu.vector_load %swap3A_323[%swap3A_324, %swap3A_325] {strides = array<i32>} : memref<100x128xf32, #tpu.memory_space<vmem>>, vector<1x16xf32>,
      %swap3A_327 = vector.shape_cast %swap3A_326 : vector<1x16xf32> to vector<16xf32>
      %swap3A_328 = vector.shape_cast %get3A_320 : vector<16xf32> to vector<1x16xf32>
      tpu.vector_store %swap3A_323[%swap3A_324, %swap3A_325], %swap3A_328 {add = true, strides = array<i32>} : memref<100x128xf32, #tpu.memory_space<vmem>>, vector<1x16xf32>,
      %get3A_329 = arith.index_cast %add3A_317 : i32 to index
      %get3A_330 = arith.constant 16 : index
      %get3A_331 = tpu.vector_load %arg7[%get3A_329, %get3A_330] {strides = array<i32>} : memref<200x128xf32, #tpu.memory_space<vmem>>, vector<1x16xf32>,
      %get3A_332 = vector.shape_cast %get3A_331 : vector<1x16xf32> to vector<16xf32>
      %swap3A_333 = arith.constant 0 : i32
      %swap3A_334 = arith.constant 0 : i32
      %swap3A_335 = tpu.memref_slice %arg8[%scan3A_142, %swap3A_333, %swap3A_334] : memref<6x100x128xf32, #tpu.memory_space<vmem>> -> memref<1x100x128xf32, #tpu.memory_space<vmem>>
      %swap3A_336 = tpu.memref_squeeze %swap3A_335 : memref<1x100x128xf32, #tpu.memory_space<vmem>> -> memref<100x128xf32, #tpu.memory_space<vmem>>
      %swap3A_337 = arith.index_cast %scan3A_316 : i32 to index
      %swap3A_338 = arith.constant 16 : index
      %swap3A_339 = tpu.vector_load %swap3A_336[%swap3A_337, %swap3A_338] {strides = array<i32>} : memref<100x128xf32, #tpu.memory_space<vmem>>, vector<1x16xf32>,
      %swap3A_340 = vector.shape_cast %swap3A_339 : vector<1x16xf32> to vector<16xf32>
      %swap3A_341 = vector.shape_cast %get3A_332 : vector<16xf32> to vector<1x16xf32>
      tpu.vector_store %swap3A_336[%swap3A_337, %swap3A_338], %swap3A_341 {add = true, strides = array<i32>} : memref<100x128xf32, #tpu.memory_space<vmem>>, vector<1x16xf32>,
      %get3A_342 = arith.index_cast %add3A_317 : i32 to index
      %get3A_343 = arith.constant 32 : index
      %get3A_344 = tpu.vector_load %arg7[%get3A_342, %get3A_343] {strides = array<i32>} : memref<200x128xf32, #tpu.memory_space<vmem>>, vector<1x16xf32>,
      %get3A_345 = vector.shape_cast %get3A_344 : vector<1x16xf32> to vector<16xf32>
      %swap3A_346 = arith.constant 0 : i32
      %swap3A_347 = arith.constant 0 : i32
      %swap3A_348 = tpu.memref_slice %arg8[%scan3A_142, %swap3A_346, %swap3A_347] : memref<6x100x128xf32, #tpu.memory_space<vmem>> -> memref<1x100x128xf32, #tpu.memory_space<vmem>>
      %swap3A_349 = tpu.memref_squeeze %swap3A_348 : memref<1x100x128xf32, #tpu.memory_space<vmem>> -> memref<100x128xf32, #tpu.memory_space<vmem>>
      %swap3A_350 = arith.index_cast %scan3A_316 : i32 to index
      %swap3A_351 = arith.constant 32 : index
      %swap3A_352 = tpu.vector_load %swap3A_349[%swap3A_350, %swap3A_351] {strides = array<i32>} : memref<100x128xf32, #tpu.memory_space<vmem>>, vector<1x16xf32>,
      %swap3A_353 = vector.shape_cast %swap3A_352 : vector<1x16xf32> to vector<16xf32>
      %swap3A_354 = vector.shape_cast %get3A_345 : vector<16xf32> to vector<1x16xf32>
      tpu.vector_store %swap3A_349[%swap3A_350, %swap3A_351], %swap3A_354 {add = true, strides = array<i32>} : memref<100x128xf32, #tpu.memory_space<vmem>>, vector<1x16xf32>,
      %get3A_355 = arith.index_cast %add3A_317 : i32 to index
      %get3A_356 = arith.constant 48 : index
      %get3A_357 = tpu.vector_load %arg7[%get3A_355, %get3A_356] {strides = array<i32>} : memref<200x128xf32, #tpu.memory_space<vmem>>, vector<1x16xf32>,
      %get3A_358 = vector.shape_cast %get3A_357 : vector<1x16xf32> to vector<16xf32>
      %swap3A_359 = arith.constant 0 : i32
      %swap3A_360 = arith.constant 0 : i32
      %swap3A_361 = tpu.memref_slice %arg8[%scan3A_142, %swap3A_359, %swap3A_360] : memref<6x100x128xf32, #tpu.memory_space<vmem>> -> memref<1x100x128xf32, #tpu.memory_space<vmem>>
      %swap3A_362 = tpu.memref_squeeze %swap3A_361 : memref<1x100x128xf32, #tpu.memory_space<vmem>> -> memref<100x128xf32, #tpu.memory_space<vmem>>
      %swap3A_363 = arith.index_cast %scan3A_316 : i32 to index
      %swap3A_364 = arith.constant 48 : index
      %swap3A_365 = tpu.vector_load %swap3A_362[%swap3A_363, %swap3A_364] {strides = array<i32>} : memref<100x128xf32, #tpu.memory_space<vmem>>, vector<1x16xf32>,
      %swap3A_366 = vector.shape_cast %swap3A_365 : vector<1x16xf32> to vector<16xf32>
      %swap3A_367 = vector.shape_cast %get3A_358 : vector<16xf32> to vector<1x16xf32>
      tpu.vector_store %swap3A_362[%swap3A_363, %swap3A_364], %swap3A_367 {add = true, strides = array<i32>} : memref<100x128xf32, #tpu.memory_space<vmem>>, vector<1x16xf32>,
      %get3A_368 = arith.index_cast %add3A_317 : i32 to index
      %get3A_369 = arith.constant 64 : index
      %get3A_370 = tpu.vector_load %arg7[%get3A_368, %get3A_369] {strides = array<i32>} : memref<200x128xf32, #tpu.memory_space<vmem>>, vector<1x16xf32>,
      %get3A_371 = vector.shape_cast %get3A_370 : vector<1x16xf32> to vector<16xf32>
      %swap3A_372 = arith.constant 0 : i32
      %swap3A_373 = arith.constant 0 : i32
      %swap3A_374 = tpu.memref_slice %arg8[%scan3A_142, %swap3A_372, %swap3A_373] : memref<6x100x128xf32, #tpu.memory_space<vmem>> -> memref<1x100x128xf32, #tpu.memory_space<vmem>>
      %swap3A_375 = tpu.memref_squeeze %swap3A_374 : memref<1x100x128xf32, #tpu.memory_space<vmem>> -> memref<100x128xf32, #tpu.memory_space<vmem>>
      %swap3A_376 = arith.index_cast %scan3A_316 : i32 to index
      %swap3A_377 = arith.constant 64 : index
      %swap3A_378 = tpu.vector_load %swap3A_375[%swap3A_376, %swap3A_377] {strides = array<i32>} : memref<100x128xf32, #tpu.memory_space<vmem>>, vector<1x16xf32>,
      %swap3A_379 = vector.shape_cast %swap3A_378 : vector<1x16xf32> to vector<16xf32>
      %swap3A_380 = vector.shape_cast %get3A_371 : vector<16xf32> to vector<1x16xf32>
      tpu.vector_store %swap3A_375[%swap3A_376, %swap3A_377], %swap3A_380 {add = true, strides = array<i32>} : memref<100x128xf32, #tpu.memory_space<vmem>>, vector<1x16xf32>,
      %get3A_381 = arith.index_cast %add3A_317 : i32 to index
      %get3A_382 = arith.constant 80 : index
      %get3A_383 = tpu.vector_load %arg7[%get3A_381, %get3A_382] {strides = array<i32>} : memref<200x128xf32, #tpu.memory_space<vmem>>, vector<1x16xf32>,
      %get3A_384 = vector.shape_cast %get3A_383 : vector<1x16xf32> to vector<16xf32>
      %swap3A_385 = arith.constant 0 : i32
      %swap3A_386 = arith.constant 0 : i32
      %swap3A_387 = tpu.memref_slice %arg8[%scan3A_142, %swap3A_385, %swap3A_386] : memref<6x100x128xf32, #tpu.memory_space<vmem>> -> memref<1x100x128xf32, #tpu.memory_space<vmem>>
      %swap3A_388 = tpu.memref_squeeze %swap3A_387 : memref<1x100x128xf32, #tpu.memory_space<vmem>> -> memref<100x128xf32, #tpu.memory_space<vmem>>
      %swap3A_389 = arith.index_cast %scan3A_316 : i32 to index
      %swap3A_390 = arith.constant 80 : index
      %swap3A_391 = tpu.vector_load %swap3A_388[%swap3A_389, %swap3A_390] {strides = array<i32>} : memref<100x128xf32, #tpu.memory_space<vmem>>, vector<1x16xf32>,
      %swap3A_392 = vector.shape_cast %swap3A_391 : vector<1x16xf32> to vector<16xf32>
      %swap3A_393 = vector.shape_cast %get3A_384 : vector<16xf32> to vector<1x16xf32>
      tpu.vector_store %swap3A_388[%swap3A_389, %swap3A_390], %swap3A_393 {add = true, strides = array<i32>} : memref<100x128xf32, #tpu.memory_space<vmem>>, vector<1x16xf32>,
      %get3A_394 = arith.index_cast %add3A_317 : i32 to index
      %get3A_395 = arith.constant 96 : index
      %get3A_396 = tpu.vector_load %arg7[%get3A_394, %get3A_395] {strides = array<i32>} : memref<200x128xf32, #tpu.memory_space<vmem>>, vector<1x16xf32>,
      %get3A_397 = vector.shape_cast %get3A_396 : vector<1x16xf32> to vector<16xf32>
      %swap3A_398 = arith.constant 0 : i32
      %swap3A_399 = arith.constant 0 : i32
      %swap3A_400 = tpu.memref_slice %arg8[%scan3A_142, %swap3A_398, %swap3A_399] : memref<6x100x128xf32, #tpu.memory_space<vmem>> -> memref<1x100x128xf32, #tpu.memory_space<vmem>>
      %swap3A_401 = tpu.memref_squeeze %swap3A_400 : memref<1x100x128xf32, #tpu.memory_space<vmem>> -> memref<100x128xf32, #tpu.memory_space<vmem>>
      %swap3A_402 = arith.index_cast %scan3A_316 : i32 to index
      %swap3A_403 = arith.constant 96 : index
      %swap3A_404 = tpu.vector_load %swap3A_401[%swap3A_402, %swap3A_403] {strides = array<i32>} : memref<100x128xf32, #tpu.memory_space<vmem>>, vector<1x16xf32>,
      %swap3A_405 = vector.shape_cast %swap3A_404 : vector<1x16xf32> to vector<16xf32>
      %swap3A_406 = vector.shape_cast %get3A_397 : vector<16xf32> to vector<1x16xf32>
      tpu.vector_store %swap3A_401[%swap3A_402, %swap3A_403], %swap3A_406 {add = true, strides = array<i32>} : memref<100x128xf32, #tpu.memory_space<vmem>>, vector<1x16xf32>,
      %get3A_407 = arith.index_cast %add3A_317 : i32 to index
      %get3A_408 = arith.constant 112 : index
      %get3A_409 = tpu.vector_load %arg7[%get3A_407, %get3A_408] {strides = array<i32>} : memref<200x128xf32, #tpu.memory_space<vmem>>, vector<1x16xf32>,
      %get3A_410 = vector.shape_cast %get3A_409 : vector<1x16xf32> to vector<16xf32>
      %swap3A_411 = arith.constant 0 : i32
      %swap3A_412 = arith.constant 0 : i32
      %swap3A_413 = tpu.memref_slice %arg8[%scan3A_142, %swap3A_411, %swap3A_412] : memref<6x100x128xf32, #tpu.memory_space<vmem>> -> memref<1x100x128xf32, #tpu.memory_space<vmem>>
      %swap3A_414 = tpu.memref_squeeze %swap3A_413 : memref<1x100x128xf32, #tpu.memory_space<vmem>> -> memref<100x128xf32, #tpu.memory_space<vmem>>
      %swap3A_415 = arith.index_cast %scan3A_316 : i32 to index
      %swap3A_416 = arith.constant 112 : index
      %swap3A_417 = tpu.vector_load %swap3A_414[%swap3A_415, %swap3A_416] {strides = array<i32>} : memref<100x128xf32, #tpu.memory_space<vmem>>, vector<1x16xf32>,
      %swap3A_418 = vector.shape_cast %swap3A_417 : vector<1x16xf32> to vector<16xf32>
      %swap3A_419 = vector.shape_cast %get3A_410 : vector<16xf32> to vector<1x16xf32>
      tpu.vector_store %swap3A_414[%swap3A_415, %swap3A_416], %swap3A_419 {add = true, strides = array<i32>} : memref<100x128xf32, #tpu.memory_space<vmem>>, vector<1x16xf32>,
    }
    %scan3A_147 = arith.constant 100 : i32
    %add3A_148 = arith.constant 6100 : i32
    %add3A_149 = arith.addi %mul3A_2, %add3A_148 : i32
    %dma_start3A_150 = arith.constant 1 : i32
    %dma_start3A_151 = arith.constant 0 : i32
    %dma_start3A_152 = arith.constant 0 : i32
    %dma_start3A_153 = tpu.memref_slice %arg8[%dma_start3A_150, %dma_start3A_151, %dma_start3A_152] : memref<6x100x128xf32, #tpu.memory_space<vmem>> -> memref<1x100x128xf32, #tpu.memory_space<vmem>>
    %dma_start3A_154 = tpu.memref_squeeze %dma_start3A_153 : memref<1x100x128xf32, #tpu.memory_space<vmem>> -> memref<100x128xf32, #tpu.memory_space<vmem>>
    %dma_start3A_155 = arith.constant 0 : i32
    %dma_start3A_156 = tpu.memref_slice %arg5[%add3A_149, %dma_start3A_155] : memref<204800x128xf32, #tpu.memory_space<hbm>> -> memref<100x128xf32, #tpu.memory_space<hbm>>
    %dma_start3A_157 = arith.constant 0 : i32
    %dma_start3A_158 = tpu.memref_slice %arg5[%add3A_149, %dma_start3A_157] : memref<204800x128xf32, #tpu.memory_space<hbm>> -> memref<100x128xf32, #tpu.memory_space<hbm>>
    %dma_start3A_159 = arith.constant 0 : i32
    %dma_start3A_160 = arith.constant 0 : i32
    %dma_start3A_161 = tpu.memref_slice %arg8[%dma_start3A_150, %dma_start3A_159, %dma_start3A_160] : memref<6x100x128xf32, #tpu.memory_space<vmem>> -> memref<1x100x128xf32, #tpu.memory_space<vmem>>
    %dma_start3A_162 = tpu.memref_squeeze %dma_start3A_161 : memref<1x100x128xf32, #tpu.memory_space<vmem>> -> memref<100x128xf32, #tpu.memory_space<vmem>>
    tpu.enqueue_dma source(%dma_start3A_162 : memref<100x128xf32, #tpu.memory_space<vmem>>) target(%dma_start3A_158 : memref<100x128xf32, #tpu.memory_space<hbm>>) target_semaphore(%arg16 : memref<!tpu.dma_semaphore, #tpu.memory_space<semaphore_mem>>)
    %dma_wait3A_163 = arith.constant 62 : i32
    %dma_wait3A_164 = arith.constant 2 : i32
    %dma_wait3A_165 = arith.constant 0 : i32
    %dma_wait3A_166 = arith.constant 0 : i32
    %dma_wait3A_167 = tpu.memref_slice %arg8[%dma_wait3A_164, %dma_wait3A_165, %dma_wait3A_166] : memref<6x100x128xf32, #tpu.memory_space<vmem>> -> memref<1x100x128xf32, #tpu.memory_space<vmem>>
    %dma_wait3A_168 = tpu.memref_squeeze %dma_wait3A_167 : memref<1x100x128xf32, #tpu.memory_space<vmem>> -> memref<100x128xf32, #tpu.memory_space<vmem>>
    %dma_wait3A_169 = arith.constant 0 : i32
    %dma_wait3A_170 = tpu.memref_slice %arg6[%dma_wait3A_163, %dma_wait3A_169] : memref<64x100xi32, #tpu.memory_space<vmem>> -> memref<1x100xi32, #tpu.memory_space<vmem>>
    %dma_wait3A_171 = tpu.memref_squeeze %dma_wait3A_170 : memref<1x100xi32, #tpu.memory_space<vmem>> -> memref<100xi32, #tpu.memory_space<vmem>>
    %dma_wait3A_172 = arith.constant 0 : i32
    %dma_wait3A_173 = arith.constant 0 : i32
    %dma_wait3A_174 = tpu.memref_slice %arg2[%dma_wait3A_172, %dma_wait3A_173] : memref<100000x128xf32, #tpu.memory_space<hbm>> -> memref<100000x128xf32, #tpu.memory_space<hbm>>
    tpu.wait_indirect_dma semaphore(%arg11 : memref<!tpu.dma_semaphore, #tpu.memory_space<semaphore_mem>>) src(%dma_wait3A_174 : memref<100000x128xf32, #tpu.memory_space<hbm>>) dst(%dma_wait3A_168 : memref<100x128xf32, #tpu.memory_space<vmem>>)
    %dma_wait3A_175 = arith.constant 5 : i32
    %dma_wait3A_176 = arith.constant 0 : i32
    %dma_wait3A_177 = arith.constant 0 : i32
    %dma_wait3A_178 = tpu.memref_slice %arg8[%dma_wait3A_175, %dma_wait3A_176, %dma_wait3A_177] : memref<6x100x128xf32, #tpu.memory_space<vmem>> -> memref<1x100x128xf32, #tpu.memory_space<vmem>>
    %dma_wait3A_179 = tpu.memref_squeeze %dma_wait3A_178 : memref<1x100x128xf32, #tpu.memory_space<vmem>> -> memref<100x128xf32, #tpu.memory_space<vmem>>
    %dma_wait3A_180 = arith.constant 0 : i32
    %dma_wait3A_181 = arith.constant 0 : i32
    %dma_wait3A_182 = tpu.memref_slice %arg5[%dma_wait3A_180, %dma_wait3A_181] : memref<204800x128xf32, #tpu.memory_space<hbm>> -> memref<100x128xf32, #tpu.memory_space<hbm>>
    %dma_wait3A_183 = arith.constant 0 : i32
    %dma_wait3A_184 = arith.constant 0 : i32
    %dma_wait3A_185 = tpu.memref_slice %arg5[%dma_wait3A_183, %dma_wait3A_184] : memref<204800x128xf32, #tpu.memory_space<hbm>> -> memref<100x128xf32, #tpu.memory_space<hbm>>
    %dma_wait3A_186 = arith.constant 0 : i32
    %dma_wait3A_187 = arith.constant 0 : i32
    %dma_wait3A_188 = tpu.memref_slice %arg8[%dma_wait3A_175, %dma_wait3A_186, %dma_wait3A_187] : memref<6x100x128xf32, #tpu.memory_space<vmem>> -> memref<1x100x128xf32, #tpu.memory_space<vmem>>
    %dma_wait3A_189 = tpu.memref_squeeze %dma_wait3A_188 : memref<1x100x128xf32, #tpu.memory_space<vmem>> -> memref<100x128xf32, #tpu.memory_space<vmem>>
    tpu.wait_dma2 semaphore(%arg20 : memref<!tpu.dma_semaphore, #tpu.memory_space<semaphore_mem>>) src(%dma_wait3A_189 : memref<100x128xf32, #tpu.memory_space<vmem>>) dst(%dma_wait3A_185 : memref<100x128xf32, #tpu.memory_space<hbm>>)
    %rem3A_190 = arith.constant 62 : i32
    %rem3A_191 = arith.constant 2 : i32
    %rem3A_192 = arith.remsi %rem3A_190, %rem3A_191 : i32
    %mul3A_193 = arith.constant 100 : i32
    %mul3A_194 = arith.muli %rem3A_192, %mul3A_193 : i32
    %scan3A_195 = arith.constant 0 : i32
    %scan3A_196 = arith.constant 2 : i32
    %scan3A_197 = arith.constant 0 : i32
    %scan3A_198 = arith.constant 100 : i32
    %scan3A_199 = arith.addi %scan3A_197, %scan3A_198 : i32
    %scan3A_200 = arith.constant 1 : i32
    scf.for %scan3A_316 = %scan3A_197 to %scan3A_199 step %scan3A_200  : i32 {
      %add3A_317 = arith.addi %mul3A_194, %scan3A_316 : i32
      %get3A = arith.index_cast %add3A_317 : i32 to index
      %get3A_318 = arith.constant 0 : index
      %get3A_319 = tpu.vector_load %arg7[%get3A, %get3A_318] {strides = array<i32>} : memref<200x128xf32, #tpu.memory_space<vmem>>, vector<1x16xf32>,
      %get3A_320 = vector.shape_cast %get3A_319 : vector<1x16xf32> to vector<16xf32>
      %swap3A = arith.constant 0 : i32
      %swap3A_321 = arith.constant 0 : i32
      %swap3A_322 = tpu.memref_slice %arg8[%scan3A_196, %swap3A, %swap3A_321] : memref<6x100x128xf32, #tpu.memory_space<vmem>> -> memref<1x100x128xf32, #tpu.memory_space<vmem>>
      %swap3A_323 = tpu.memref_squeeze %swap3A_322 : memref<1x100x128xf32, #tpu.memory_space<vmem>> -> memref<100x128xf32, #tpu.memory_space<vmem>>
      %swap3A_324 = arith.index_cast %scan3A_316 : i32 to index
      %swap3A_325 = arith.constant 0 : index
      %swap3A_326 = tpu.vector_load %swap3A_323[%swap3A_324, %swap3A_325] {strides = array<i32>} : memref<100x128xf32, #tpu.memory_space<vmem>>, vector<1x16xf32>,
      %swap3A_327 = vector.shape_cast %swap3A_326 : vector<1x16xf32> to vector<16xf32>
      %swap3A_328 = vector.shape_cast %get3A_320 : vector<16xf32> to vector<1x16xf32>
      tpu.vector_store %swap3A_323[%swap3A_324, %swap3A_325], %swap3A_328 {add = true, strides = array<i32>} : memref<100x128xf32, #tpu.memory_space<vmem>>, vector<1x16xf32>,
      %get3A_329 = arith.index_cast %add3A_317 : i32 to index
      %get3A_330 = arith.constant 16 : index
      %get3A_331 = tpu.vector_load %arg7[%get3A_329, %get3A_330] {strides = array<i32>} : memref<200x128xf32, #tpu.memory_space<vmem>>, vector<1x16xf32>,
      %get3A_332 = vector.shape_cast %get3A_331 : vector<1x16xf32> to vector<16xf32>
      %swap3A_333 = arith.constant 0 : i32
      %swap3A_334 = arith.constant 0 : i32
      %swap3A_335 = tpu.memref_slice %arg8[%scan3A_196, %swap3A_333, %swap3A_334] : memref<6x100x128xf32, #tpu.memory_space<vmem>> -> memref<1x100x128xf32, #tpu.memory_space<vmem>>
      %swap3A_336 = tpu.memref_squeeze %swap3A_335 : memref<1x100x128xf32, #tpu.memory_space<vmem>> -> memref<100x128xf32, #tpu.memory_space<vmem>>
      %swap3A_337 = arith.index_cast %scan3A_316 : i32 to index
      %swap3A_338 = arith.constant 16 : index
      %swap3A_339 = tpu.vector_load %swap3A_336[%swap3A_337, %swap3A_338] {strides = array<i32>} : memref<100x128xf32, #tpu.memory_space<vmem>>, vector<1x16xf32>,
      %swap3A_340 = vector.shape_cast %swap3A_339 : vector<1x16xf32> to vector<16xf32>
      %swap3A_341 = vector.shape_cast %get3A_332 : vector<16xf32> to vector<1x16xf32>
      tpu.vector_store %swap3A_336[%swap3A_337, %swap3A_338], %swap3A_341 {add = true, strides = array<i32>} : memref<100x128xf32, #tpu.memory_space<vmem>>, vector<1x16xf32>,
      %get3A_342 = arith.index_cast %add3A_317 : i32 to index
      %get3A_343 = arith.constant 32 : index
      %get3A_344 = tpu.vector_load %arg7[%get3A_342, %get3A_343] {strides = array<i32>} : memref<200x128xf32, #tpu.memory_space<vmem>>, vector<1x16xf32>,
      %get3A_345 = vector.shape_cast %get3A_344 : vector<1x16xf32> to vector<16xf32>
      %swap3A_346 = arith.constant 0 : i32
      %swap3A_347 = arith.constant 0 : i32
      %swap3A_348 = tpu.memref_slice %arg8[%scan3A_196, %swap3A_346, %swap3A_347] : memref<6x100x128xf32, #tpu.memory_space<vmem>> -> memref<1x100x128xf32, #tpu.memory_space<vmem>>
      %swap3A_349 = tpu.memref_squeeze %swap3A_348 : memref<1x100x128xf32, #tpu.memory_space<vmem>> -> memref<100x128xf32, #tpu.memory_space<vmem>>
      %swap3A_350 = arith.index_cast %scan3A_316 : i32 to index
      %swap3A_351 = arith.constant 32 : index
      %swap3A_352 = tpu.vector_load %swap3A_349[%swap3A_350, %swap3A_351] {strides = array<i32>} : memref<100x128xf32, #tpu.memory_space<vmem>>, vector<1x16xf32>,
      %swap3A_353 = vector.shape_cast %swap3A_352 : vector<1x16xf32> to vector<16xf32>
      %swap3A_354 = vector.shape_cast %get3A_345 : vector<16xf32> to vector<1x16xf32>
      tpu.vector_store %swap3A_349[%swap3A_350, %swap3A_351], %swap3A_354 {add = true, strides = array<i32>} : memref<100x128xf32, #tpu.memory_space<vmem>>, vector<1x16xf32>,
      %get3A_355 = arith.index_cast %add3A_317 : i32 to index
      %get3A_356 = arith.constant 48 : index
      %get3A_357 = tpu.vector_load %arg7[%get3A_355, %get3A_356] {strides = array<i32>} : memref<200x128xf32, #tpu.memory_space<vmem>>, vector<1x16xf32>,
      %get3A_358 = vector.shape_cast %get3A_357 : vector<1x16xf32> to vector<16xf32>
      %swap3A_359 = arith.constant 0 : i32
      %swap3A_360 = arith.constant 0 : i32
      %swap3A_361 = tpu.memref_slice %arg8[%scan3A_196, %swap3A_359, %swap3A_360] : memref<6x100x128xf32, #tpu.memory_space<vmem>> -> memref<1x100x128xf32, #tpu.memory_space<vmem>>
      %swap3A_362 = tpu.memref_squeeze %swap3A_361 : memref<1x100x128xf32, #tpu.memory_space<vmem>> -> memref<100x128xf32, #tpu.memory_space<vmem>>
      %swap3A_363 = arith.index_cast %scan3A_316 : i32 to index
      %swap3A_364 = arith.constant 48 : index
      %swap3A_365 = tpu.vector_load %swap3A_362[%swap3A_363, %swap3A_364] {strides = array<i32>} : memref<100x128xf32, #tpu.memory_space<vmem>>, vector<1x16xf32>,
      %swap3A_366 = vector.shape_cast %swap3A_365 : vector<1x16xf32> to vector<16xf32>
      %swap3A_367 = vector.shape_cast %get3A_358 : vector<16xf32> to vector<1x16xf32>
      tpu.vector_store %swap3A_362[%swap3A_363, %swap3A_364], %swap3A_367 {add = true, strides = array<i32>} : memref<100x128xf32, #tpu.memory_space<vmem>>, vector<1x16xf32>,
      %get3A_368 = arith.index_cast %add3A_317 : i32 to index
      %get3A_369 = arith.constant 64 : index
      %get3A_370 = tpu.vector_load %arg7[%get3A_368, %get3A_369] {strides = array<i32>} : memref<200x128xf32, #tpu.memory_space<vmem>>, vector<1x16xf32>,
      %get3A_371 = vector.shape_cast %get3A_370 : vector<1x16xf32> to vector<16xf32>
      %swap3A_372 = arith.constant 0 : i32
      %swap3A_373 = arith.constant 0 : i32
      %swap3A_374 = tpu.memref_slice %arg8[%scan3A_196, %swap3A_372, %swap3A_373] : memref<6x100x128xf32, #tpu.memory_space<vmem>> -> memref<1x100x128xf32, #tpu.memory_space<vmem>>
      %swap3A_375 = tpu.memref_squeeze %swap3A_374 : memref<1x100x128xf32, #tpu.memory_space<vmem>> -> memref<100x128xf32, #tpu.memory_space<vmem>>
      %swap3A_376 = arith.index_cast %scan3A_316 : i32 to index
      %swap3A_377 = arith.constant 64 : index
      %swap3A_378 = tpu.vector_load %swap3A_375[%swap3A_376, %swap3A_377] {strides = array<i32>} : memref<100x128xf32, #tpu.memory_space<vmem>>, vector<1x16xf32>,
      %swap3A_379 = vector.shape_cast %swap3A_378 : vector<1x16xf32> to vector<16xf32>
      %swap3A_380 = vector.shape_cast %get3A_371 : vector<16xf32> to vector<1x16xf32>
      tpu.vector_store %swap3A_375[%swap3A_376, %swap3A_377], %swap3A_380 {add = true, strides = array<i32>} : memref<100x128xf32, #tpu.memory_space<vmem>>, vector<1x16xf32>,
      %get3A_381 = arith.index_cast %add3A_317 : i32 to index
      %get3A_382 = arith.constant 80 : index
      %get3A_383 = tpu.vector_load %arg7[%get3A_381, %get3A_382] {strides = array<i32>} : memref<200x128xf32, #tpu.memory_space<vmem>>, vector<1x16xf32>,
      %get3A_384 = vector.shape_cast %get3A_383 : vector<1x16xf32> to vector<16xf32>
      %swap3A_385 = arith.constant 0 : i32
      %swap3A_386 = arith.constant 0 : i32
      %swap3A_387 = tpu.memref_slice %arg8[%scan3A_196, %swap3A_385, %swap3A_386] : memref<6x100x128xf32, #tpu.memory_space<vmem>> -> memref<1x100x128xf32, #tpu.memory_space<vmem>>
      %swap3A_388 = tpu.memref_squeeze %swap3A_387 : memref<1x100x128xf32, #tpu.memory_space<vmem>> -> memref<100x128xf32, #tpu.memory_space<vmem>>
      %swap3A_389 = arith.index_cast %scan3A_316 : i32 to index
      %swap3A_390 = arith.constant 80 : index
      %swap3A_391 = tpu.vector_load %swap3A_388[%swap3A_389, %swap3A_390] {strides = array<i32>} : memref<100x128xf32, #tpu.memory_space<vmem>>, vector<1x16xf32>,
      %swap3A_392 = vector.shape_cast %swap3A_391 : vector<1x16xf32> to vector<16xf32>
      %swap3A_393 = vector.shape_cast %get3A_384 : vector<16xf32> to vector<1x16xf32>
      tpu.vector_store %swap3A_388[%swap3A_389, %swap3A_390], %swap3A_393 {add = true, strides = array<i32>} : memref<100x128xf32, #tpu.memory_space<vmem>>, vector<1x16xf32>,
      %get3A_394 = arith.index_cast %add3A_317 : i32 to index
      %get3A_395 = arith.constant 96 : index
      %get3A_396 = tpu.vector_load %arg7[%get3A_394, %get3A_395] {strides = array<i32>} : memref<200x128xf32, #tpu.memory_space<vmem>>, vector<1x16xf32>,
      %get3A_397 = vector.shape_cast %get3A_396 : vector<1x16xf32> to vector<16xf32>
      %swap3A_398 = arith.constant 0 : i32
      %swap3A_399 = arith.constant 0 : i32
      %swap3A_400 = tpu.memref_slice %arg8[%scan3A_196, %swap3A_398, %swap3A_399] : memref<6x100x128xf32, #tpu.memory_space<vmem>> -> memref<1x100x128xf32, #tpu.memory_space<vmem>>
      %swap3A_401 = tpu.memref_squeeze %swap3A_400 : memref<1x100x128xf32, #tpu.memory_space<vmem>> -> memref<100x128xf32, #tpu.memory_space<vmem>>
      %swap3A_402 = arith.index_cast %scan3A_316 : i32 to index
      %swap3A_403 = arith.constant 96 : index
      %swap3A_404 = tpu.vector_load %swap3A_401[%swap3A_402, %swap3A_403] {strides = array<i32>} : memref<100x128xf32, #tpu.memory_space<vmem>>, vector<1x16xf32>,
      %swap3A_405 = vector.shape_cast %swap3A_404 : vector<1x16xf32> to vector<16xf32>
      %swap3A_406 = vector.shape_cast %get3A_397 : vector<16xf32> to vector<1x16xf32>
      tpu.vector_store %swap3A_401[%swap3A_402, %swap3A_403], %swap3A_406 {add = true, strides = array<i32>} : memref<100x128xf32, #tpu.memory_space<vmem>>, vector<1x16xf32>,
      %get3A_407 = arith.index_cast %add3A_317 : i32 to index
      %get3A_408 = arith.constant 112 : index
      %get3A_409 = tpu.vector_load %arg7[%get3A_407, %get3A_408] {strides = array<i32>} : memref<200x128xf32, #tpu.memory_space<vmem>>, vector<1x16xf32>,
      %get3A_410 = vector.shape_cast %get3A_409 : vector<1x16xf32> to vector<16xf32>
      %swap3A_411 = arith.constant 0 : i32
      %swap3A_412 = arith.constant 0 : i32
      %swap3A_413 = tpu.memref_slice %arg8[%scan3A_196, %swap3A_411, %swap3A_412] : memref<6x100x128xf32, #tpu.memory_space<vmem>> -> memref<1x100x128xf32, #tpu.memory_space<vmem>>
      %swap3A_414 = tpu.memref_squeeze %swap3A_413 : memref<1x100x128xf32, #tpu.memory_space<vmem>> -> memref<100x128xf32, #tpu.memory_space<vmem>>
      %swap3A_415 = arith.index_cast %scan3A_316 : i32 to index
      %swap3A_416 = arith.constant 112 : index
      %swap3A_417 = tpu.vector_load %swap3A_414[%swap3A_415, %swap3A_416] {strides = array<i32>} : memref<100x128xf32, #tpu.memory_space<vmem>>, vector<1x16xf32>,
      %swap3A_418 = vector.shape_cast %swap3A_417 : vector<1x16xf32> to vector<16xf32>
      %swap3A_419 = vector.shape_cast %get3A_410 : vector<16xf32> to vector<1x16xf32>
      tpu.vector_store %swap3A_414[%swap3A_415, %swap3A_416], %swap3A_419 {add = true, strides = array<i32>} : memref<100x128xf32, #tpu.memory_space<vmem>>, vector<1x16xf32>,
    }
    %scan3A_201 = arith.constant 100 : i32
    %add3A_202 = arith.constant 6200 : i32
    %add3A_203 = arith.addi %mul3A_2, %add3A_202 : i32
    %dma_start3A_204 = arith.constant 2 : i32
    %dma_start3A_205 = arith.constant 0 : i32
    %dma_start3A_206 = arith.constant 0 : i32
    %dma_start3A_207 = tpu.memref_slice %arg8[%dma_start3A_204, %dma_start3A_205, %dma_start3A_206] : memref<6x100x128xf32, #tpu.memory_space<vmem>> -> memref<1x100x128xf32, #tpu.memory_space<vmem>>
    %dma_start3A_208 = tpu.memref_squeeze %dma_start3A_207 : memref<1x100x128xf32, #tpu.memory_space<vmem>> -> memref<100x128xf32, #tpu.memory_space<vmem>>
    %dma_start3A_209 = arith.constant 0 : i32
    %dma_start3A_210 = tpu.memref_slice %arg5[%add3A_203, %dma_start3A_209] : memref<204800x128xf32, #tpu.memory_space<hbm>> -> memref<100x128xf32, #tpu.memory_space<hbm>>
    %dma_start3A_211 = arith.constant 0 : i32
    %dma_start3A_212 = tpu.memref_slice %arg5[%add3A_203, %dma_start3A_211] : memref<204800x128xf32, #tpu.memory_space<hbm>> -> memref<100x128xf32, #tpu.memory_space<hbm>>
    %dma_start3A_213 = arith.constant 0 : i32
    %dma_start3A_214 = arith.constant 0 : i32
    %dma_start3A_215 = tpu.memref_slice %arg8[%dma_start3A_204, %dma_start3A_213, %dma_start3A_214] : memref<6x100x128xf32, #tpu.memory_space<vmem>> -> memref<1x100x128xf32, #tpu.memory_space<vmem>>
    %dma_start3A_216 = tpu.memref_squeeze %dma_start3A_215 : memref<1x100x128xf32, #tpu.memory_space<vmem>> -> memref<100x128xf32, #tpu.memory_space<vmem>>
    tpu.enqueue_dma source(%dma_start3A_216 : memref<100x128xf32, #tpu.memory_space<vmem>>) target(%dma_start3A_212 : memref<100x128xf32, #tpu.memory_space<hbm>>) target_semaphore(%arg17 : memref<!tpu.dma_semaphore, #tpu.memory_space<semaphore_mem>>)
    %dma_wait3A_217 = arith.constant 63 : i32
    %dma_wait3A_218 = arith.constant 3 : i32
    %dma_wait3A_219 = arith.constant 0 : i32
    %dma_wait3A_220 = arith.constant 0 : i32
    %dma_wait3A_221 = tpu.memref_slice %arg8[%dma_wait3A_218, %dma_wait3A_219, %dma_wait3A_220] : memref<6x100x128xf32, #tpu.memory_space<vmem>> -> memref<1x100x128xf32, #tpu.memory_space<vmem>>
    %dma_wait3A_222 = tpu.memref_squeeze %dma_wait3A_221 : memref<1x100x128xf32, #tpu.memory_space<vmem>> -> memref<100x128xf32, #tpu.memory_space<vmem>>
    %dma_wait3A_223 = arith.constant 0 : i32
    %dma_wait3A_224 = tpu.memref_slice %arg6[%dma_wait3A_217, %dma_wait3A_223] : memref<64x100xi32, #tpu.memory_space<vmem>> -> memref<1x100xi32, #tpu.memory_space<vmem>>
    %dma_wait3A_225 = tpu.memref_squeeze %dma_wait3A_224 : memref<1x100xi32, #tpu.memory_space<vmem>> -> memref<100xi32, #tpu.memory_space<vmem>>
    %dma_wait3A_226 = arith.constant 0 : i32
    %dma_wait3A_227 = arith.constant 0 : i32
    %dma_wait3A_228 = tpu.memref_slice %arg2[%dma_wait3A_226, %dma_wait3A_227] : memref<100000x128xf32, #tpu.memory_space<hbm>> -> memref<100000x128xf32, #tpu.memory_space<hbm>>
    tpu.wait_indirect_dma semaphore(%arg12 : memref<!tpu.dma_semaphore, #tpu.memory_space<semaphore_mem>>) src(%dma_wait3A_228 : memref<100000x128xf32, #tpu.memory_space<hbm>>) dst(%dma_wait3A_222 : memref<100x128xf32, #tpu.memory_space<vmem>>)
    %dma_wait3A_229 = arith.constant 0 : i32
    %dma_wait3A_230 = arith.constant 0 : i32
    %dma_wait3A_231 = arith.constant 0 : i32
    %dma_wait3A_232 = tpu.memref_slice %arg8[%dma_wait3A_229, %dma_wait3A_230, %dma_wait3A_231] : memref<6x100x128xf32, #tpu.memory_space<vmem>> -> memref<1x100x128xf32, #tpu.memory_space<vmem>>
    %dma_wait3A_233 = tpu.memref_squeeze %dma_wait3A_232 : memref<1x100x128xf32, #tpu.memory_space<vmem>> -> memref<100x128xf32, #tpu.memory_space<vmem>>
    %dma_wait3A_234 = arith.constant 0 : i32
    %dma_wait3A_235 = arith.constant 0 : i32
    %dma_wait3A_236 = tpu.memref_slice %arg5[%dma_wait3A_234, %dma_wait3A_235] : memref<204800x128xf32, #tpu.memory_space<hbm>> -> memref<100x128xf32, #tpu.memory_space<hbm>>
    %dma_wait3A_237 = arith.constant 0 : i32
    %dma_wait3A_238 = arith.constant 0 : i32
    %dma_wait3A_239 = tpu.memref_slice %arg5[%dma_wait3A_237, %dma_wait3A_238] : memref<204800x128xf32, #tpu.memory_space<hbm>> -> memref<100x128xf32, #tpu.memory_space<hbm>>
    %dma_wait3A_240 = arith.constant 0 : i32
    %dma_wait3A_241 = arith.constant 0 : i32
    %dma_wait3A_242 = tpu.memref_slice %arg8[%dma_wait3A_229, %dma_wait3A_240, %dma_wait3A_241] : memref<6x100x128xf32, #tpu.memory_space<vmem>> -> memref<1x100x128xf32, #tpu.memory_space<vmem>>
    %dma_wait3A_243 = tpu.memref_squeeze %dma_wait3A_242 : memref<1x100x128xf32, #tpu.memory_space<vmem>> -> memref<100x128xf32, #tpu.memory_space<vmem>>
    tpu.wait_dma2 semaphore(%arg15 : memref<!tpu.dma_semaphore, #tpu.memory_space<semaphore_mem>>) src(%dma_wait3A_243 : memref<100x128xf32, #tpu.memory_space<vmem>>) dst(%dma_wait3A_239 : memref<100x128xf32, #tpu.memory_space<hbm>>)
    %rem3A_244 = arith.constant 63 : i32
    %rem3A_245 = arith.constant 2 : i32
    %rem3A_246 = arith.remsi %rem3A_244, %rem3A_245 : i32
    %mul3A_247 = arith.constant 100 : i32
    %mul3A_248 = arith.muli %rem3A_246, %mul3A_247 : i32
    %scan3A_249 = arith.constant 0 : i32
    %scan3A_250 = arith.constant 3 : i32
    %scan3A_251 = arith.constant 0 : i32
    %scan3A_252 = arith.constant 100 : i32
    %scan3A_253 = arith.addi %scan3A_251, %scan3A_252 : i32
    %scan3A_254 = arith.constant 1 : i32
    scf.for %scan3A_316 = %scan3A_251 to %scan3A_253 step %scan3A_254  : i32 {
      %add3A_317 = arith.addi %mul3A_248, %scan3A_316 : i32
      %get3A = arith.index_cast %add3A_317 : i32 to index
      %get3A_318 = arith.constant 0 : index
      %get3A_319 = tpu.vector_load %arg7[%get3A, %get3A_318] {strides = array<i32>} : memref<200x128xf32, #tpu.memory_space<vmem>>, vector<1x16xf32>,
      %get3A_320 = vector.shape_cast %get3A_319 : vector<1x16xf32> to vector<16xf32>
      %swap3A = arith.constant 0 : i32
      %swap3A_321 = arith.constant 0 : i32
      %swap3A_322 = tpu.memref_slice %arg8[%scan3A_250, %swap3A, %swap3A_321] : memref<6x100x128xf32, #tpu.memory_space<vmem>> -> memref<1x100x128xf32, #tpu.memory_space<vmem>>
      %swap3A_323 = tpu.memref_squeeze %swap3A_322 : memref<1x100x128xf32, #tpu.memory_space<vmem>> -> memref<100x128xf32, #tpu.memory_space<vmem>>
      %swap3A_324 = arith.index_cast %scan3A_316 : i32 to index
      %swap3A_325 = arith.constant 0 : index
      %swap3A_326 = tpu.vector_load %swap3A_323[%swap3A_324, %swap3A_325] {strides = array<i32>} : memref<100x128xf32, #tpu.memory_space<vmem>>, vector<1x16xf32>,
      %swap3A_327 = vector.shape_cast %swap3A_326 : vector<1x16xf32> to vector<16xf32>
      %swap3A_328 = vector.shape_cast %get3A_320 : vector<16xf32> to vector<1x16xf32>
      tpu.vector_store %swap3A_323[%swap3A_324, %swap3A_325], %swap3A_328 {add = true, strides = array<i32>} : memref<100x128xf32, #tpu.memory_space<vmem>>, vector<1x16xf32>,
      %get3A_329 = arith.index_cast %add3A_317 : i32 to index
      %get3A_330 = arith.constant 16 : index
      %get3A_331 = tpu.vector_load %arg7[%get3A_329, %get3A_330] {strides = array<i32>} : memref<200x128xf32, #tpu.memory_space<vmem>>, vector<1x16xf32>,
      %get3A_332 = vector.shape_cast %get3A_331 : vector<1x16xf32> to vector<16xf32>
      %swap3A_333 = arith.constant 0 : i32
      %swap3A_334 = arith.constant 0 : i32
      %swap3A_335 = tpu.memref_slice %arg8[%scan3A_250, %swap3A_333, %swap3A_334] : memref<6x100x128xf32, #tpu.memory_space<vmem>> -> memref<1x100x128xf32, #tpu.memory_space<vmem>>
      %swap3A_336 = tpu.memref_squeeze %swap3A_335 : memref<1x100x128xf32, #tpu.memory_space<vmem>> -> memref<100x128xf32, #tpu.memory_space<vmem>>
      %swap3A_337 = arith.index_cast %scan3A_316 : i32 to index
      %swap3A_338 = arith.constant 16 : index
      %swap3A_339 = tpu.vector_load %swap3A_336[%swap3A_337, %swap3A_338] {strides = array<i32>} : memref<100x128xf32, #tpu.memory_space<vmem>>, vector<1x16xf32>,
      %swap3A_340 = vector.shape_cast %swap3A_339 : vector<1x16xf32> to vector<16xf32>
      %swap3A_341 = vector.shape_cast %get3A_332 : vector<16xf32> to vector<1x16xf32>
      tpu.vector_store %swap3A_336[%swap3A_337, %swap3A_338], %swap3A_341 {add = true, strides = array<i32>} : memref<100x128xf32, #tpu.memory_space<vmem>>, vector<1x16xf32>,
      %get3A_342 = arith.index_cast %add3A_317 : i32 to index
      %get3A_343 = arith.constant 32 : index
      %get3A_344 = tpu.vector_load %arg7[%get3A_342, %get3A_343] {strides = array<i32>} : memref<200x128xf32, #tpu.memory_space<vmem>>, vector<1x16xf32>,
      %get3A_345 = vector.shape_cast %get3A_344 : vector<1x16xf32> to vector<16xf32>
      %swap3A_346 = arith.constant 0 : i32
      %swap3A_347 = arith.constant 0 : i32
      %swap3A_348 = tpu.memref_slice %arg8[%scan3A_250, %swap3A_346, %swap3A_347] : memref<6x100x128xf32, #tpu.memory_space<vmem>> -> memref<1x100x128xf32, #tpu.memory_space<vmem>>
      %swap3A_349 = tpu.memref_squeeze %swap3A_348 : memref<1x100x128xf32, #tpu.memory_space<vmem>> -> memref<100x128xf32, #tpu.memory_space<vmem>>
      %swap3A_350 = arith.index_cast %scan3A_316 : i32 to index
      %swap3A_351 = arith.constant 32 : index
      %swap3A_352 = tpu.vector_load %swap3A_349[%swap3A_350, %swap3A_351] {strides = array<i32>} : memref<100x128xf32, #tpu.memory_space<vmem>>, vector<1x16xf32>,
      %swap3A_353 = vector.shape_cast %swap3A_352 : vector<1x16xf32> to vector<16xf32>
      %swap3A_354 = vector.shape_cast %get3A_345 : vector<16xf32> to vector<1x16xf32>
      tpu.vector_store %swap3A_349[%swap3A_350, %swap3A_351], %swap3A_354 {add = true, strides = array<i32>} : memref<100x128xf32, #tpu.memory_space<vmem>>, vector<1x16xf32>,
      %get3A_355 = arith.index_cast %add3A_317 : i32 to index
      %get3A_356 = arith.constant 48 : index
      %get3A_357 = tpu.vector_load %arg7[%get3A_355, %get3A_356] {strides = array<i32>} : memref<200x128xf32, #tpu.memory_space<vmem>>, vector<1x16xf32>,
      %get3A_358 = vector.shape_cast %get3A_357 : vector<1x16xf32> to vector<16xf32>
      %swap3A_359 = arith.constant 0 : i32
      %swap3A_360 = arith.constant 0 : i32
      %swap3A_361 = tpu.memref_slice %arg8[%scan3A_250, %swap3A_359, %swap3A_360] : memref<6x100x128xf32, #tpu.memory_space<vmem>> -> memref<1x100x128xf32, #tpu.memory_space<vmem>>
      %swap3A_362 = tpu.memref_squeeze %swap3A_361 : memref<1x100x128xf32, #tpu.memory_space<vmem>> -> memref<100x128xf32, #tpu.memory_space<vmem>>
      %swap3A_363 = arith.index_cast %scan3A_316 : i32 to index
      %swap3A_364 = arith.constant 48 : index
      %swap3A_365 = tpu.vector_load %swap3A_362[%swap3A_363, %swap3A_364] {strides = array<i32>} : memref<100x128xf32, #tpu.memory_space<vmem>>, vector<1x16xf32>,
      %swap3A_366 = vector.shape_cast %swap3A_365 : vector<1x16xf32> to vector<16xf32>
      %swap3A_367 = vector.shape_cast %get3A_358 : vector<16xf32> to vector<1x16xf32>
      tpu.vector_store %swap3A_362[%swap3A_363, %swap3A_364], %swap3A_367 {add = true, strides = array<i32>} : memref<100x128xf32, #tpu.memory_space<vmem>>, vector<1x16xf32>,
      %get3A_368 = arith.index_cast %add3A_317 : i32 to index
      %get3A_369 = arith.constant 64 : index
      %get3A_370 = tpu.vector_load %arg7[%get3A_368, %get3A_369] {strides = array<i32>} : memref<200x128xf32, #tpu.memory_space<vmem>>, vector<1x16xf32>,
      %get3A_371 = vector.shape_cast %get3A_370 : vector<1x16xf32> to vector<16xf32>
      %swap3A_372 = arith.constant 0 : i32
      %swap3A_373 = arith.constant 0 : i32
      %swap3A_374 = tpu.memref_slice %arg8[%scan3A_250, %swap3A_372, %swap3A_373] : memref<6x100x128xf32, #tpu.memory_space<vmem>> -> memref<1x100x128xf32, #tpu.memory_space<vmem>>
      %swap3A_375 = tpu.memref_squeeze %swap3A_374 : memref<1x100x128xf32, #tpu.memory_space<vmem>> -> memref<100x128xf32, #tpu.memory_space<vmem>>
      %swap3A_376 = arith.index_cast %scan3A_316 : i32 to index
      %swap3A_377 = arith.constant 64 : index
      %swap3A_378 = tpu.vector_load %swap3A_375[%swap3A_376, %swap3A_377] {strides = array<i32>} : memref<100x128xf32, #tpu.memory_space<vmem>>, vector<1x16xf32>,
      %swap3A_379 = vector.shape_cast %swap3A_378 : vector<1x16xf32> to vector<16xf32>
      %swap3A_380 = vector.shape_cast %get3A_371 : vector<16xf32> to vector<1x16xf32>
      tpu.vector_store %swap3A_375[%swap3A_376, %swap3A_377], %swap3A_380 {add = true, strides = array<i32>} : memref<100x128xf32, #tpu.memory_space<vmem>>, vector<1x16xf32>,
      %get3A_381 = arith.index_cast %add3A_317 : i32 to index
      %get3A_382 = arith.constant 80 : index
      %get3A_383 = tpu.vector_load %arg7[%get3A_381, %get3A_382] {strides = array<i32>} : memref<200x128xf32, #tpu.memory_space<vmem>>, vector<1x16xf32>,
      %get3A_384 = vector.shape_cast %get3A_383 : vector<1x16xf32> to vector<16xf32>
      %swap3A_385 = arith.constant 0 : i32
      %swap3A_386 = arith.constant 0 : i32
      %swap3A_387 = tpu.memref_slice %arg8[%scan3A_250, %swap3A_385, %swap3A_386] : memref<6x100x128xf32, #tpu.memory_space<vmem>> -> memref<1x100x128xf32, #tpu.memory_space<vmem>>
      %swap3A_388 = tpu.memref_squeeze %swap3A_387 : memref<1x100x128xf32, #tpu.memory_space<vmem>> -> memref<100x128xf32, #tpu.memory_space<vmem>>
      %swap3A_389 = arith.index_cast %scan3A_316 : i32 to index
      %swap3A_390 = arith.constant 80 : index
      %swap3A_391 = tpu.vector_load %swap3A_388[%swap3A_389, %swap3A_390] {strides = array<i32>} : memref<100x128xf32, #tpu.memory_space<vmem>>, vector<1x16xf32>,
      %swap3A_392 = vector.shape_cast %swap3A_391 : vector<1x16xf32> to vector<16xf32>
      %swap3A_393 = vector.shape_cast %get3A_384 : vector<16xf32> to vector<1x16xf32>
      tpu.vector_store %swap3A_388[%swap3A_389, %swap3A_390], %swap3A_393 {add = true, strides = array<i32>} : memref<100x128xf32, #tpu.memory_space<vmem>>, vector<1x16xf32>,
      %get3A_394 = arith.index_cast %add3A_317 : i32 to index
      %get3A_395 = arith.constant 96 : index
      %get3A_396 = tpu.vector_load %arg7[%get3A_394, %get3A_395] {strides = array<i32>} : memref<200x128xf32, #tpu.memory_space<vmem>>, vector<1x16xf32>,
      %get3A_397 = vector.shape_cast %get3A_396 : vector<1x16xf32> to vector<16xf32>
      %swap3A_398 = arith.constant 0 : i32
      %swap3A_399 = arith.constant 0 : i32
      %swap3A_400 = tpu.memref_slice %arg8[%scan3A_250, %swap3A_398, %swap3A_399] : memref<6x100x128xf32, #tpu.memory_space<vmem>> -> memref<1x100x128xf32, #tpu.memory_space<vmem>>
      %swap3A_401 = tpu.memref_squeeze %swap3A_400 : memref<1x100x128xf32, #tpu.memory_space<vmem>> -> memref<100x128xf32, #tpu.memory_space<vmem>>
      %swap3A_402 = arith.index_cast %scan3A_316 : i32 to index
      %swap3A_403 = arith.constant 96 : index
      %swap3A_404 = tpu.vector_load %swap3A_401[%swap3A_402, %swap3A_403] {strides = array<i32>} : memref<100x128xf32, #tpu.memory_space<vmem>>, vector<1x16xf32>,
      %swap3A_405 = vector.shape_cast %swap3A_404 : vector<1x16xf32> to vector<16xf32>
      %swap3A_406 = vector.shape_cast %get3A_397 : vector<16xf32> to vector<1x16xf32>
      tpu.vector_store %swap3A_401[%swap3A_402, %swap3A_403], %swap3A_406 {add = true, strides = array<i32>} : memref<100x128xf32, #tpu.memory_space<vmem>>, vector<1x16xf32>,
      %get3A_407 = arith.index_cast %add3A_317 : i32 to index
      %get3A_408 = arith.constant 112 : index
      %get3A_409 = tpu.vector_load %arg7[%get3A_407, %get3A_408] {strides = array<i32>} : memref<200x128xf32, #tpu.memory_space<vmem>>, vector<1x16xf32>,
      %get3A_410 = vector.shape_cast %get3A_409 : vector<1x16xf32> to vector<16xf32>
      %swap3A_411 = arith.constant 0 : i32
      %swap3A_412 = arith.constant 0 : i32
      %swap3A_413 = tpu.memref_slice %arg8[%scan3A_250, %swap3A_411, %swap3A_412] : memref<6x100x128xf32, #tpu.memory_space<vmem>> -> memref<1x100x128xf32, #tpu.memory_space<vmem>>
      %swap3A_414 = tpu.memref_squeeze %swap3A_413 : memref<1x100x128xf32, #tpu.memory_space<vmem>> -> memref<100x128xf32, #tpu.memory_space<vmem>>
      %swap3A_415 = arith.index_cast %scan3A_316 : i32 to index
      %swap3A_416 = arith.constant 112 : index
      %swap3A_417 = tpu.vector_load %swap3A_414[%swap3A_415, %swap3A_416] {strides = array<i32>} : memref<100x128xf32, #tpu.memory_space<vmem>>, vector<1x16xf32>,
      %swap3A_418 = vector.shape_cast %swap3A_417 : vector<1x16xf32> to vector<16xf32>
      %swap3A_419 = vector.shape_cast %get3A_410 : vector<16xf32> to vector<1x16xf32>
      tpu.vector_store %swap3A_414[%swap3A_415, %swap3A_416], %swap3A_419 {add = true, strides = array<i32>} : memref<100x128xf32, #tpu.memory_space<vmem>>, vector<1x16xf32>,
    }
    %scan3A_255 = arith.constant 100 : i32
    %add3A_256 = arith.constant 6300 : i32
    %add3A_257 = arith.addi %mul3A_2, %add3A_256 : i32
    %dma_start3A_258 = arith.constant 3 : i32
    %dma_start3A_259 = arith.constant 0 : i32
    %dma_start3A_260 = arith.constant 0 : i32
    %dma_start3A_261 = tpu.memref_slice %arg8[%dma_start3A_258, %dma_start3A_259, %dma_start3A_260] : memref<6x100x128xf32, #tpu.memory_space<vmem>> -> memref<1x100x128xf32, #tpu.memory_space<vmem>>
    %dma_start3A_262 = tpu.memref_squeeze %dma_start3A_261 : memref<1x100x128xf32, #tpu.memory_space<vmem>> -> memref<100x128xf32, #tpu.memory_space<vmem>>
    %dma_start3A_263 = arith.constant 0 : i32
    %dma_start3A_264 = tpu.memref_slice %arg5[%add3A_257, %dma_start3A_263] : memref<204800x128xf32, #tpu.memory_space<hbm>> -> memref<100x128xf32, #tpu.memory_space<hbm>>
    %dma_start3A_265 = arith.constant 0 : i32
    %dma_start3A_266 = tpu.memref_slice %arg5[%add3A_257, %dma_start3A_265] : memref<204800x128xf32, #tpu.memory_space<hbm>> -> memref<100x128xf32, #tpu.memory_space<hbm>>
    %dma_start3A_267 = arith.constant 0 : i32
    %dma_start3A_268 = arith.constant 0 : i32
    %dma_start3A_269 = tpu.memref_slice %arg8[%dma_start3A_258, %dma_start3A_267, %dma_start3A_268] : memref<6x100x128xf32, #tpu.memory_space<vmem>> -> memref<1x100x128xf32, #tpu.memory_space<vmem>>
    %dma_start3A_270 = tpu.memref_squeeze %dma_start3A_269 : memref<1x100x128xf32, #tpu.memory_space<vmem>> -> memref<100x128xf32, #tpu.memory_space<vmem>>
    tpu.enqueue_dma source(%dma_start3A_270 : memref<100x128xf32, #tpu.memory_space<vmem>>) target(%dma_start3A_266 : memref<100x128xf32, #tpu.memory_space<hbm>>) target_semaphore(%arg18 : memref<!tpu.dma_semaphore, #tpu.memory_space<semaphore_mem>>)
    %dma_wait3A_271 = arith.constant 1 : i32
    %dma_wait3A_272 = arith.constant 0 : i32
    %dma_wait3A_273 = arith.constant 0 : i32
    %dma_wait3A_274 = tpu.memref_slice %arg8[%dma_wait3A_271, %dma_wait3A_272, %dma_wait3A_273] : memref<6x100x128xf32, #tpu.memory_space<vmem>> -> memref<1x100x128xf32, #tpu.memory_space<vmem>>
    %dma_wait3A_275 = tpu.memref_squeeze %dma_wait3A_274 : memref<1x100x128xf32, #tpu.memory_space<vmem>> -> memref<100x128xf32, #tpu.memory_space<vmem>>
    %dma_wait3A_276 = arith.constant 0 : i32
    %dma_wait3A_277 = arith.constant 0 : i32
    %dma_wait3A_278 = tpu.memref_slice %arg5[%dma_wait3A_276, %dma_wait3A_277] : memref<204800x128xf32, #tpu.memory_space<hbm>> -> memref<100x128xf32, #tpu.memory_space<hbm>>
    %dma_wait3A_279 = arith.constant 0 : i32
    %dma_wait3A_280 = arith.constant 0 : i32
    %dma_wait3A_281 = tpu.memref_slice %arg5[%dma_wait3A_279, %dma_wait3A_280] : memref<204800x128xf32, #tpu.memory_space<hbm>> -> memref<100x128xf32, #tpu.memory_space<hbm>>
    %dma_wait3A_282 = arith.constant 0 : i32
    %dma_wait3A_283 = arith.constant 0 : i32
    %dma_wait3A_284 = tpu.memref_slice %arg8[%dma_wait3A_271, %dma_wait3A_282, %dma_wait3A_283] : memref<6x100x128xf32, #tpu.memory_space<vmem>> -> memref<1x100x128xf32, #tpu.memory_space<vmem>>
    %dma_wait3A_285 = tpu.memref_squeeze %dma_wait3A_284 : memref<1x100x128xf32, #tpu.memory_space<vmem>> -> memref<100x128xf32, #tpu.memory_space<vmem>>
    tpu.wait_dma2 semaphore(%arg16 : memref<!tpu.dma_semaphore, #tpu.memory_space<semaphore_mem>>) src(%dma_wait3A_285 : memref<100x128xf32, #tpu.memory_space<vmem>>) dst(%dma_wait3A_281 : memref<100x128xf32, #tpu.memory_space<hbm>>)
    %dma_wait3A_286 = arith.constant 2 : i32
    %dma_wait3A_287 = arith.constant 0 : i32
    %dma_wait3A_288 = arith.constant 0 : i32
    %dma_wait3A_289 = tpu.memref_slice %arg8[%dma_wait3A_286, %dma_wait3A_287, %dma_wait3A_288] : memref<6x100x128xf32, #tpu.memory_space<vmem>> -> memref<1x100x128xf32, #tpu.memory_space<vmem>>
    %dma_wait3A_290 = tpu.memref_squeeze %dma_wait3A_289 : memref<1x100x128xf32, #tpu.memory_space<vmem>> -> memref<100x128xf32, #tpu.memory_space<vmem>>
    %dma_wait3A_291 = arith.constant 0 : i32
    %dma_wait3A_292 = arith.constant 0 : i32
    %dma_wait3A_293 = tpu.memref_slice %arg5[%dma_wait3A_291, %dma_wait3A_292] : memref<204800x128xf32, #tpu.memory_space<hbm>> -> memref<100x128xf32, #tpu.memory_space<hbm>>
    %dma_wait3A_294 = arith.constant 0 : i32
    %dma_wait3A_295 = arith.constant 0 : i32
    %dma_wait3A_296 = tpu.memref_slice %arg5[%dma_wait3A_294, %dma_wait3A_295] : memref<204800x128xf32, #tpu.memory_space<hbm>> -> memref<100x128xf32, #tpu.memory_space<hbm>>
    %dma_wait3A_297 = arith.constant 0 : i32
    %dma_wait3A_298 = arith.constant 0 : i32
    %dma_wait3A_299 = tpu.memref_slice %arg8[%dma_wait3A_286, %dma_wait3A_297, %dma_wait3A_298] : memref<6x100x128xf32, #tpu.memory_space<vmem>> -> memref<1x100x128xf32, #tpu.memory_space<vmem>>
    %dma_wait3A_300 = tpu.memref_squeeze %dma_wait3A_299 : memref<1x100x128xf32, #tpu.memory_space<vmem>> -> memref<100x128xf32, #tpu.memory_space<vmem>>
    tpu.wait_dma2 semaphore(%arg17 : memref<!tpu.dma_semaphore, #tpu.memory_space<semaphore_mem>>) src(%dma_wait3A_300 : memref<100x128xf32, #tpu.memory_space<vmem>>) dst(%dma_wait3A_296 : memref<100x128xf32, #tpu.memory_space<hbm>>)
    %dma_wait3A_301 = arith.constant 3 : i32
    %dma_wait3A_302 = arith.constant 0 : i32
    %dma_wait3A_303 = arith.constant 0 : i32
    %dma_wait3A_304 = tpu.memref_slice %arg8[%dma_wait3A_301, %dma_wait3A_302, %dma_wait3A_303] : memref<6x100x128xf32, #tpu.memory_space<vmem>> -> memref<1x100x128xf32, #tpu.memory_space<vmem>>
    %dma_wait3A_305 = tpu.memref_squeeze %dma_wait3A_304 : memref<1x100x128xf32, #tpu.memory_space<vmem>> -> memref<100x128xf32, #tpu.memory_space<vmem>>
    %dma_wait3A_306 = arith.constant 0 : i32
    %dma_wait3A_307 = arith.constant 0 : i32
    %dma_wait3A_308 = tpu.memref_slice %arg5[%dma_wait3A_306, %dma_wait3A_307] : memref<204800x128xf32, #tpu.memory_space<hbm>> -> memref<100x128xf32, #tpu.memory_space<hbm>>
    %dma_wait3A_309 = arith.constant 0 : i32
    %dma_wait3A_310 = arith.constant 0 : i32
    %dma_wait3A_311 = tpu.memref_slice %arg5[%dma_wait3A_309, %dma_wait3A_310] : memref<204800x128xf32, #tpu.memory_space<hbm>> -> memref<100x128xf32, #tpu.memory_space<hbm>>
    %dma_wait3A_312 = arith.constant 0 : i32
    %dma_wait3A_313 = arith.constant 0 : i32
    %dma_wait3A_314 = tpu.memref_slice %arg8[%dma_wait3A_301, %dma_wait3A_312, %dma_wait3A_313] : memref<6x100x128xf32, #tpu.memory_space<vmem>> -> memref<1x100x128xf32, #tpu.memory_space<vmem>>
    %dma_wait3A_315 = tpu.memref_squeeze %dma_wait3A_314 : memref<1x100x128xf32, #tpu.memory_space<vmem>> -> memref<100x128xf32, #tpu.memory_space<vmem>>
    tpu.wait_dma2 semaphore(%arg18 : memref<!tpu.dma_semaphore, #tpu.memory_space<semaphore_mem>>) src(%dma_wait3A_315 : memref<100x128xf32, #tpu.memory_space<vmem>>) dst(%dma_wait3A_311 : memref<100x128xf32, #tpu.memory_space<hbm>>)
    return
  }
}

</mosaic_0001>

<sc_bundles>
// kernel: _emb.3.cloned.1.call-start
scs
__scs_entry_jumppad:
0x0: {  	(pc) =	sbr.rel $0x88, $3  }
0x1: {  	(tag) =	ssettag $0x0;
	lr =	simm.s32 $0x1  }
0x2: {  	[smem:$0x3F9E] =	sst lr;
	_ =	strace $0xD0000000  }
0x3: {  	_ = 	snop  }
0x4: {  	_ = 	snop  }
0x5: {  	_ = 	snop  }
0x6: {  	_ = 	snop  }
0x7: {  	_ = 	snop  }
__scs_overlays_trampoline_lowered:
0x8: {  	[smem:$0x3FAD] =	sst s0  }
0x9: {  	[smem:$0x3FAE] =	sst s1  }
0xa: {  	[smem:$0x3FAF] =	sst s2  }
0xb: {  	[smem:$0x3FB0] =	sst s3  }
0xc: {  	[smem:$0x3FB1] =	sst s4  }
0xd: {  	[smem:$0x3FB2] =	sst s5  }
0xe: {  	[smem:$0x3FB3] =	sst s6  }
0xf: {  	[smem:$0x3FB4] =	sst s7  }
0x10: {  	[smem:$0x3FB5] =	sst s8  }
0x11: {  	[smem:$0x3FB6] =	sst s9;
	s0 =	simm.s32 @!p0 $0x0  }
0x12: {  	s1 =	sld [smem:$0x3F9C];
	s0 =	simm.s32 @p0 $0x1  }
0x13: {  	[smem:$0x3FB7] =	sst s0;
	s0 =	simm.s32 @!p1 $0x0  }
0x14: {  	s2 =	sld [smem:$0x3F9B];
	s0 =	simm.s32 @p1 $0x1  }
0x15: {  	[smem:$0x3FB8] =	sst s0;
	s0 =	simm.s32 @!p2 $0x0  }
0x16: {  	s3 =	sld [smem:$0x3FDB];
	s0 =	simm.s32 @p2 $0x1  }
0x17: {  	s4 =	simm.s32 $0x1BF5;
	[smem:$0x3FBA] =	sst s0  }
0x18: {  	s0 =	sld [smem:$0x3F9D];
	_ =	swait.ge [sflag:s4], $0x0  }
0x19: {  	s7 =	sld [smem:$0x3F9E]  }
0x1a: {  	s8 =	sadd.s32 $0xFFFFE003, lr  }
0x1b: {  	s9 =	sadd.s32 $0xFFFFFEF7, lr;
	s5 =	simm.s32 $0xFFFFFFFF;
	p2 =	slt.u32 s8, $0xFFFFF086  }
0x1c: {  	p1 =	slt.u32 s9, $0xF7A;
	s5 =	simm.s32 @!p2 $0x0  }
0x1d: {  	s5 =	simm.s32 @p1 $0x1;
	p0 =	seq.s32 s7, s2  }
0x1e: {  	s7 =	smul.u32 @!p0 $0xF7A, s2;
	p2 =	seq.s32 @!p0 s5, $0x0  }
0x1f: {  	s9 =	smul.u32 $0xF7A, s1;
	s8 =	simm.s32 @!p0 $0x1BF5;
	p2 =	por !p2, p0  }
0x20: {  	[sflag:s8] =	ssyncset.s32 @!p0 $0xFFFFF086;
	s6 =	sadd.s32 @!p0 s3, s7;
	s7 =	simm.s32 @!p0 $0x108  }
0x21: {  	s3 =	sadd.s32 s3, s9;
	s6 =	sadd.s32 @!p0 $0x88, s6;
	s7 =	simm.s32 @p2 $0x1082  }
0x22: {  	[simem:s7], [sflag:s8] =	dma.local @!p0 [hbm:s6], $0xF7A  }
0x23: {  	s9 =	sor.u32 $0xD0000000, s2;
	s6 =	simm.s32 $0x108;
	_ =	swait.ge @!p0 [sflag:s8], $0x0  }
0x24: {  	s3 =	sadd.s32 $0x88, s3;
	s6 =	simm.s32 @!p1 $0x1082;
	[sflag:s4] =	ssyncset.s32 $0xFFFFF086  }
0x25: {  	[simem:s6], [sflag:s4] =	dma.local [hbm:s3], $0xF7A  }
0x26: {  	[smem:$0x3F9E] =	sst s1;
	(tag) =	ssettag s2;
	_ =	strace s9  }
0x27: {  	s1 =	sld [smem:$0x3FAE]  }
0x28: {  	s2 =	sld [smem:$0x3FAF]  }
0x29: {  	s4 =	sld [smem:$0x3FB1]  }
0x2a: {  	p0 =	seq.s32 s5, $0x0;
	s5 =	sld [smem:$0x3FB2]  }
0x2b: {  	s6 =	sld [smem:$0x3FB3]  }
0x2c: {  	s7 =	sld [smem:$0x3FB4]  }
0x2d: {  	s3 =	simm.s32 $0x108;
	s8 =	sld [smem:$0x3FB5]  }
0x2e: {  	s3 =	simm.s32 @!p0 $0x1082;
	s9 =	sld [smem:$0x3FB6]  }
0x2f: {  	lr =	sadd.s32 s0, s3;
	s0 =	sld [smem:$0x3FAD]  }
0x30: {  	s3 =	sld [smem:$0x3FB0]  }
0x31: {  	[smem:$0x3FB9] =	sst s10  }
0x32: {  	s10 =	sld [smem:$0x3FB7];
	_ =	sdelay $0x3  }
0x33: {  	p0 =	seq.s32 s10, $0x1;
	s10 =	sld [smem:$0x3FB9];
	_ =	sdelay $0x3  }
0x34: {  	[smem:$0x3FB9] =	sst s10  }
0x35: {  	s10 =	sld [smem:$0x3FB8];
	_ =	sdelay $0x3  }
0x36: {  	p1 =	seq.s32 s10, $0x1;
	s10 =	sld [smem:$0x3FB9];
	_ =	sdelay $0x3  }
0x37: {  	[smem:$0x3FB9] =	sst s10  }
0x38: {  	s10 =	sld [smem:$0x3FBA]  }
0x39: {  	_ = 	snop;
	(pc) =	sbr.ind lr, $3  }
0x3a: {  	_ = 	snop  }
0x3b: {  	_ = 	snop  }
0x3c: {  	p2 =	seq.s32 s10, $0x1;
	s10 =	sld [smem:$0x3FB9]  }
0x3d: {  	_ =	shalt  }
0x3e: {  	_ =	shalt  }
0x3f: {  	_ =	shalt  }
0x40: {  	_ =	shalt  }
0x41: {  	_ =	shalt  }
0x42: {  	_ =	shalt  }
0x43: {  	_ =	shalt  }
0x44: {  	_ =	shalt  }
0x45: {  	_ =	shalt  }
0x46: {  	_ =	shalt  }
0x47: {  	_ =	shalt  }
0x48: {  	_ =	shalt  }
0x49: {  	_ =	shalt  }
0x4a: {  	_ =	shalt  }
0x4b: {  	_ =	shalt  }
0x4c: {  	_ =	shalt  }
0x4d: {  	_ =	shalt  }
0x4e: {  	_ =	shalt  }
0x4f: {  	_ =	shalt  }
0x50: {  	_ =	shalt  }
0x51: {  	_ =	shalt  }
0x52: {  	_ =	shalt  }
0x53: {  	_ =	shalt  }
0x54: {  	_ =	shalt  }
0x55: {  	_ =	shalt  }
0x56: {  	_ =	shalt  }
0x57: {  	_ =	shalt  }
0x58: {  	_ =	shalt  }
0x59: {  	_ =	shalt  }
0x5a: {  	_ =	shalt  }
0x5b: {  	_ =	shalt  }
0x5c: {  	_ =	shalt  }
0x5d: {  	_ =	shalt  }
0x5e: {  	_ =	shalt  }
0x5f: {  	_ =	shalt  }
0x60: {  	_ =	shalt  }
0x61: {  	_ =	shalt  }
0x62: {  	_ =	shalt  }
0x63: {  	_ =	shalt  }
0x64: {  	_ =	shalt  }
0x65: {  	_ =	shalt  }
0x66: {  	_ =	shalt  }
0x67: {  	_ =	shalt  }
0x68: {  	_ =	shalt  }
0x69: {  	_ =	shalt  }
0x6a: {  	_ =	shalt  }
0x6b: {  	_ =	shalt  }
0x6c: {  	_ =	shalt  }
0x6d: {  	_ =	shalt  }
0x6e: {  	_ =	shalt  }
0x6f: {  	_ =	shalt  }
0x70: {  	_ =	shalt  }
0x71: {  	_ =	shalt  }
0x72: {  	_ =	shalt  }
0x73: {  	_ =	shalt  }
0x74: {  	_ =	shalt  }
0x75: {  	_ =	shalt  }
0x76: {  	_ =	shalt  }
0x77: {  	_ =	shalt  }
0x78: {  	_ =	shalt  }
0x79: {  	_ =	shalt  }
0x7a: {  	_ =	shalt  }
0x7b: {  	_ =	shalt  }
0x7c: {  	_ =	shalt  }
0x7d: {  	_ =	shalt  }
0x7e: {  	_ =	shalt  }
0x7f: {  	_ =	shalt  }
0x80: {  	_ =	shalt  }
0x81: {  	_ =	shalt  }
0x82: {  	_ =	shalt  }
0x83: {  	_ =	shalt  }
0x84: {  	_ =	shalt  }
0x85: {  	_ =	shalt  }
0x86: {  	_ =	shalt  }
0x87: {  	_ =	shalt  }
.Lfunc_end0:
.L_simem_size_0:
called_computation_lowered:
.L_overlay_start_0:
0x88: {  	s2 =	sld [smem:$0x3FD9]  }
0x89: {  	s3 =	sld [smem:$0x3FFE];
	_ =	sdelay $0x1  }
0x8a: {  	s1 =	srdreg.scid  }
0x8b: {  	s0 =	sand.u32 $0x1, s1  }
0x8c: {  	s17 =	sshll.u32 s0, $0xA;
	s2 =	sadd.s32 s3, s2  }
0x8d: {  	s2 =	sadd.s32 s2, s17  }
0x8e: {  	[smem:$0x3FC5] =	sst s2  }
0x8f: {  	_ = 	snop  }
0x90: {  	s2 =	sld [smem:$0x3FC8]  }
0x91: {  	s18 =	sld [smem:$0x3FC7]  }
0x92: {  	s4 =	sld [smem:$0x3FD0];
	(tm) =	ssettm $0x1  }
0x93: {  	s5 =	sld [smem:$0x3FFB];
	_ =	sdelay $0x3  }
0x94: {  	_ =	strace s5  }
0x95: {  	s5 =	sld [smem:$0x3FFC];
	_ =	sdelay $0x3  }
0x96: {  	_ =	strace s5  }
0x97: {  	s5 =	sld [smem:$0x3FFD];
	_ =	sdelay $0x3  }
0x98: {  	_ =	strace s5  }
0x99: {  	_ =	strace $0x8FFFFFFF  }
0x9a: {  	s19 =	sld [smem:$0x3FDB];
	_ =	sdelay $0x1  }
0x9b: {  	s6 =	simm.s32 $_scs_section_size  }
0x9c: {  	s7 =	simm.s32 $_size__tile_overlayer_lowered;
	s8 =	simm.s32 $_tile_overlayer_lowered  }
0x9d: {  	s22 =	simm.s32 $0x1BFF;
	s21 =	sshll.u32 s8, $0x1;
	s5 =	sadd.s32 s6, s19  }
0x9e: {  	s9 =	simm.s32 $0x0;
	s20 =	sshll.u32 s7, $0x1;
	s7 =	sadd.s32 s21, s5  }
0x9f: {  	[timem:s9], [sflag:s22] =	dma.local [hbm:s7], s20  }
0xa0: {  	_ =	swait.ge [sflag:s22], s20  }
0xa1: {  	s6 =	ssub.s32 $0x0, s20;
	[sflag:s22] =	ssyncset.done $0x0  }
0xa2: {  	[sflag:s22] =	ssyncadd.s32 s6;
	_ =	sdelay $0x1  }
0xa3: {  	s23 =	simm.s32 $0x1B8B  }
0xa4: {  	_ =	swait.ge [sflag:s23], $0x1  }
0xa5: {  	[sflag:s23] =	ssyncset.done $0x0  }
0xa6: {  	s25 =	simm.s32 $0x1B8E;
	s24 =	sld [smem:$0x3FFE];
	[sflag:s23] =	ssyncadd.s32 $0xFFFFFFFF  }
0xa7: {  	s26 =	simm.s32 $execute0_lowered;
	[smem:$0x3FD2] =	sst s25  }
0xa8: {  	s7 =	sshll.u32 s26, $0x1;
	_ =	strace $0x80000046;
	[dreg:$0x1] =	wrdreg $0xFFFFFFFF  }
0xa9: {  	s28 =	simm.s32 $_size_execute0_lowered;
	s5 =	sadd.s32 s5, s7;
	[dreg:$0x0] =	wrdreg $0x0  }
0xaa: {  	s7 =	sshll.u32 s28, $0x1;
	[dreg:$0x2] =	wrdreg s5  }
0xab: {  	[dreg:$0x3] =	wrdreg s7  }
0xac: {  	[dreg:$0x4] =	wrdreg $0xC0  }
0xad: {  	_ =	task [dreg:s9], $0x5FFFF  }
0xae: {  	[dreg:$0x1] =	wrdreg $0xFFFFFFFF  }
0xaf: {  	[dreg:$0x0] =	wrdreg $0x60  }
0xb0: {  	[dreg:$0x2] =	wrdreg s2  }
0xb1: {  	[dreg:$0x3] =	wrdreg s24  }
0xb2: {  	[dreg:$0x4] =	wrdreg s18  }
0xb3: {  	[dreg:$0x5] =	wrdreg s4  }
0xb4: {  	[dreg:$0x6] =	wrdreg $0x9  }
0xb5: {  	_ =	task.clear_ibuf [dreg:s9], $0x7FFFF;
	_ =	strace $0x90000046  }
0xb6: {  	s29 =	simm.s32 $0x9;
	_ =	strace $0x80000048  }
0xb7: {  	_ =	swait.ge [sflag:s29], $0x1  }
0xb8: {  	[sflag:s29] =	ssyncadd.s32 $0xFFFFFFFF  }
0xb9: {  	_ =	strace $0x90000048  }
0xba: {  	_ =	sfence  }
0xbb: {  	s30 =	sld [smem:$0x0];
	_ =	sdelay $0x2  }
0xbc: {  	s31 =	sshll.u32 s1, $0xD;
	s1 =	sshrl.u32 s1, $0x2  }
0xbd: {  	s3 =	sand.u32 $0x4000, s31;
	s1 =	sadd.s32 s1, s30  }
0xbe: {  	s0 =	sor.u32 s3, s0;
	s1 =	sshll.u32 s1, $0x11  }
0xbf: {  	s0 =	sor.u32 s1, s0  }
0xc0: {  	s0 =	sadd.s32 $0x8F2B, s0  }
0xc1: {  	[sflag:s0] =	ssyncadd.remote.s32 $0x1  }
0xc2: {  	_ =	sfence.sel $0xFFFF  }
0xc3: {  	[dreg:$0x0] =	wrdreg $0xFFFFFFFF;
	(pc) =	sbr.abs _section_cstart, $3  }
0xc4: {  	[dreg:$0x1] =	wrdreg $0xFFFFFFFF  }
0xc5: {  	_ =	task.clear_ibuf [dreg:s9], $0x2FFFF;
	_ =	strace $0x9FFFFFFF  }
0xc6: {  	(tm) =	ssettm $0x7FFFFFFF  }
0xc7: {  	_ =	shalt  }
tec
execute0_lowered:
.L_overlay_start_1:
0x0: {  	(tag) =	ssettag $0x1  }
0x1: {  	s1 =	rddreg [dreg:$0x0]  }
0x2: {  	s0 =	rddreg [dreg:$0x1]  }
0x3: {  	s2 =	srdreg.scid;
	s3 =	stileid.u32  }
0x4: {  	s4 =	rddreg [dreg:$0x3];
	s5 =	simm.s32 $0x0;
	s17 =	simm.s32 $0x64  }
0x5: {  	s18 =	simm.s32 $0x7E00;
	s20 =	simm.s32 $0xB000;
	s28 =	simm.s32 $0x14600  }
0x6: {  	s29 =	simm.s32 $0x3;
	s30 =	simm.s32 $0x17800;
	s31 =	simm.s32 $0x4  }
0x7: {  	s16 =	simm.s32 $0x6;
	s2 =	sand.u32 $0x1, s2;
	s3 =	sshll.u32 s3, $0x1  }
0x8: {  	s19 =	simm.s32 $0x9;
	s21 =	simm.s32 $0xA;
	s3 =	sor.u32 s2, s3  }
0x9: {  	s11 =	simm.s32 $0x0;
	s2 =	ssub.s32 $0x2, s2;
	s6 =	smul.u32 $0x340, s3  }
0xa: {  	[smem:$0x7FF] =	sst s5;
	s7 =	smul.u32 $0xC8000, s3;
	s8 =	sshrl.u32 s2, $0x1  }
0xb: {  	_ =	strace $0x80000047;
	s2 =	ssub.s32 s2, s8;
	s0 =	sadd.s32 s6, s0  }
0xc: {  	s6 =	smul.u32 $0x1900, s3;
	s22 =	sshrl.u32 s7, $0x3;
	s26 =	smax.u32 s2, $0x1  }
0xd: {  	s0 =	sadd.s32 $0x400, s0;
	s23 =	sadd.s32 s4, s22;
	[dreg:$0xa] =	wrdreg s26  }
0xe: {  	s2 =	simm.s32 $0x7;
	[dreg:$0x5] =	wrdreg s0;
	s3 =	sadd.s32 $0x17700, s23  }
0xf: {  	s22 =	simm.s32 $0xE200;
	s24 =	sadd.s32 $0x17D40, s23;
	[dreg:$0x6] =	wrdreg s3  }
0x10: {  	s26 =	simm.s32 $0x2;
	s25 =	sadd.s32 $0x18380, s23;
	[dreg:$0x7] =	wrdreg s24  }
0x11: {  	s8 =	sor.u32 $0x64, s6;
	s0 =	sadd.s32 $0x189C0, s23;
	[dreg:$0x8] =	wrdreg s25  }
0x12: {  	s9 =	sor.u32 $0xC8, s6;
	[dreg:$0x9] =	wrdreg s0;
	s24 =	simm.s32 $0x1  }
0x13: {  	s25 =	simm.s32 $0x11400;
	s0 =	simm.s32 $0x5;
	s3 =	simm.s32 $0x8  }
.LBB2_1:
0x14: {  	s7 =	rddreg [dreg:$0x5];
	s13 =	simm.s32 $0xE  }
0x15: {  	[tilespmem:s5], [sflag:$0xE] =	stream.linear.gather [hbm4b:s7+s5], $0x1A00, $0x38;
	[tilespmem:$0x1AA00] =	vst v63  }
0x16: {  	_ =	swait.ge [sflag:s13], $0x1A00  }
0x17: {  	[sflag:s13] =	ssyncset.done $0x0  }
0x18: {  	[sflag:s13] =	ssyncadd.s32 $0xFFFFE600  }
0x19: {  	s10 =	simm.s32 $0x1A00;
	s7 =	rddreg [dreg:$0x2]  }
0x1a: {  	[tilespmem:s10], [sflag:$0xD] =	stream.linear.gather [hbm4b:s7+s5], $0x6400, $0x38;
	[tilespmem:$0x1AA00] =	vst v63  }
0x1b: {  	_ = 	snop  }
0x1c: {  	[tilespmem:s18], [sflag:$0x1] =	stream.indirect.gather [hbm4b:s1+s17], $0x80, s5, s17, $0xb8;
	[tilespmem:$0x1AA00] =	vst v63  }
0x1d: {  	s14 =	simm.s32 $0x68  }
0x1e: {  	[tilespmem:s20], [sflag:$0x2] =	stream.indirect.gather [hbm4b:s1+s17], $0x80, s14, s17, $0xb8;
	[tilespmem:$0x1AA00] =	vst v63  }
0x1f: {  	s15 =	simm.s32 $0xD0;
	s23 =	simm.s32 $0xD  }
0x20: {  	[tilespmem:s22], [sflag:$0x3] =	stream.indirect.gather [hbm4b:s1+s17], $0x80, s15, s17, $0xb8;
	[tilespmem:$0x1AA00] =	vst v63  }
0x21: {  	_ =	swait.ge [sflag:s23], $0x6400  }
0x22: {  	[sflag:s23] =	ssyncset.done $0x0  }
0x23: {  	s12 =	simm.s32 $0x0;
	[sflag:s23] =	ssyncadd.s32 $0xFFFF9C00  }
.LBB2_2:
0x24: {  	s15 =	smul.u32 $0x6, s12;
	_ =	swait.ge [sflag:s24], $0x3200  }
0x25: {  	p0 =	seq.s32 s12, $0x0;
	[sflag:s24] =	ssyncset.done $0x0  }
0x26: {  	s7 =	simm.s32 @!p0 $0xA;
	[sflag:s24] =	ssyncadd.s32 $0xFFFFCE00;
	s13 =	sadd.s32 $0x3, s15  }
0x27: {  	_ =	swait.ge @!p0 [sflag:s7], $0x3200;
	s10 =	smul.u32 $0x1A0, s13  }
0x28: {  	s14 =	simm.s32 $0x200;
	[sflag:s7] =	ssyncset.done @!p0 $0x0  }
0x29: {  	[sflag:s7] =	ssyncadd.s32 @!p0 $0xFFFFCE00;
	s23 =	sshra.s32 s10, $0x2;
	s7 =	simm.s32 $0x0  }
0x2a: {  	[tilespmem:s25], [sflag:$0x4] =	stream.indirect.gather [hbm4b:s1+s17], $0x80, s23, s17, $0xb8;
	[tilespmem:$0x1AA00] =	vst v63  }
.LBB2_3:
0x2b: {  	p1 =	sne.s32 s14, $0xC600;
	v0 =	vld [tilespmem:s7+$0x1A70]  }
0x2c: {  	v1 =	vld [tilespmem:s7+$0x1A00]  }
0x2d: {  	v2 =	vld [tilespmem:s7+$0x1A10]  }
0x2e: {  	v3 =	vld [tilespmem:s7+$0x1A20]  }
0x2f: {  	v4 =	vld [tilespmem:s7+$0x1A30]  }
0x30: {  	[tilespmem:s7+$0x7E70] =	vst.add.f32.msk $0xffff, v0  }
0x31: {  	v0 =	vld [tilespmem:s7+$0x1A40]  }
0x32: {  	v5 =	vld [tilespmem:s7+$0x1A50]  }
0x33: {  	v6 =	vld [tilespmem:s7+$0x1A60]  }
0x34: {  	[tilespmem:s7+$0x7E00] =	vst.add.f32.msk $0xffff, v1  }
0x35: {  	[tilespmem:s7+$0x7E10] =	vst.add.f32.msk $0xffff, v2  }
.Ltmp0:
0x36: {  	[tilespmem:s7+$0x7E20] =	vst.add.f32.msk $0xffff, v3;
	(pc) =	sbr.rel @p1 .LBB2_3-.Ltmp0, $4  }
0x37: {  	[tilespmem:s7+$0x7E30] =	vst.add.f32.msk $0xffff, v4  }
0x38: {  	[tilespmem:s7+$0x7E40] =	vst.add.f32.msk $0xffff, v0  }
0x39: {  	[tilespmem:s7+$0x7E50] =	vst.add.f32.msk $0xffff, v5  }
0x3a: {  	[tilespmem:s7+$0x7E60] =	vst.add.f32.msk $0xffff, v6;
	s7 =	sshra.s32 s14, $0x2;
	s14 =	sadd.s32 $0x200, s14  }
0x3b: {  	v0 =	vld [tilespmem:s7+$0x1A70]  }
0x3c: {  	v1 =	vld [tilespmem:s7+$0x1A00]  }
0x3d: {  	v2 =	vld [tilespmem:s7+$0x1A10]  }
0x3e: {  	v3 =	vld [tilespmem:s7+$0x1A20]  }
0x3f: {  	v4 =	vld [tilespmem:s7+$0x1A30]  }
0x40: {  	v63 =	vld [tilespmem:s7+$0x1A40]  }
0x41: {  	v5 =	vld [tilespmem:s7+$0x1A50]  }
0x42: {  	v6 =	vld [tilespmem:s7+$0x1A60]  }
0x43: {  	[tilespmem:s7+$0x7E70] =	vst.add.f32.msk $0xffff, v0  }
0x44: {  	[tilespmem:s7+$0x7E00] =	vst.add.f32.msk $0xffff, v1  }
0x45: {  	[tilespmem:s7+$0x7E10] =	vst.add.f32.msk $0xffff, v2  }
0x46: {  	s23 =	smul.u32 $0x258, s12;
	[tilespmem:s7+$0x7E20] =	vst.add.f32.msk $0xffff, v3  }
0x47: {  	[tilespmem:s7+$0x7E30] =	vst.add.f32.msk $0xffff, v4  }
0x48: {  	s10 =	sadd.s32 s6, s23;
	[tilespmem:s7+$0x7E40] =	vst.add.f32.msk $0xffff, v63  }
0x49: {  	s10 =	sshll.u32 s10, $0x4;
	[tilespmem:s7+$0x7E50] =	vst.add.f32.msk $0xffff, v5  }
0x4a: {  	s14 =	sadd.s32 s4, s10;
	[tilespmem:s7+$0x7E60] =	vst.add.f32.msk $0xffff, v6  }
0x4b: {  	[hbm4b:s14+s5] =	stream.linear.scatter [tilespmem:s18], [sflag:$0x7], $0x3200, $0x38;
	[tilespmem:$0x1AA00] =	vst v63  }
0x4c: {  	_ =	swait.ge [sflag:s26], $0x3200  }
0x4d: {  	[sflag:s26] =	ssyncset.done $0x0  }
0x4e: {  	s7 =	simm.s32 @!p0 $0xB;
	s14 =	sadd.s32 $0x4, s15;
	[sflag:s26] =	ssyncadd.s32 $0xFFFFCE00  }
0x4f: {  	s10 =	smul.u32 $0x1A0, s14;
	_ =	swait.ge @!p0 [sflag:s7], $0x3200  }
0x50: {  	[sflag:s7] =	ssyncset.done @!p0 $0x0  }
0x51: {  	s10 =	sshra.s32 s10, $0x2;
	[sflag:s7] =	ssyncadd.s32 @!p0 $0xFFFFCE00  }
0x52: {  	[tilespmem:s28], [sflag:$0x5] =	stream.indirect.gather [hbm4b:s1+s17], $0x80, s10, s17, $0xb8;
	[tilespmem:$0x1AA00] =	vst v63  }
0x53: {  	s7 =	simm.s32 $0x0;
	s10 =	simm.s32 $0x200  }
.LBB2_5:
0x54: {  	p1 =	sne.s32 s10, $0xC600;
	v0 =	vld [tilespmem:s7+$0x4C70]  }
0x55: {  	v1 =	vld [tilespmem:s7+$0x4C00]  }
0x56: {  	v2 =	vld [tilespmem:s7+$0x4C10]  }
0x57: {  	v3 =	vld [tilespmem:s7+$0x4C20]  }
0x58: {  	v4 =	vld [tilespmem:s7+$0x4C30]  }
0x59: {  	[tilespmem:s7+$0xB070] =	vst.add.f32.msk $0xffff, v0  }
0x5a: {  	v0 =	vld [tilespmem:s7+$0x4C40]  }
0x5b: {  	v5 =	vld [tilespmem:s7+$0x4C50]  }
0x5c: {  	v6 =	vld [tilespmem:s7+$0x4C60]  }
0x5d: {  	[tilespmem:s7+$0xB000] =	vst.add.f32.msk $0xffff, v1  }
0x5e: {  	[tilespmem:s7+$0xB010] =	vst.add.f32.msk $0xffff, v2  }
.Ltmp1:
0x5f: {  	[tilespmem:s7+$0xB020] =	vst.add.f32.msk $0xffff, v3;
	(pc) =	sbr.rel @p1 .LBB2_5-.Ltmp1, $4  }
0x60: {  	[tilespmem:s7+$0xB030] =	vst.add.f32.msk $0xffff, v4  }
0x61: {  	[tilespmem:s7+$0xB040] =	vst.add.f32.msk $0xffff, v0  }
0x62: {  	[tilespmem:s7+$0xB050] =	vst.add.f32.msk $0xffff, v5  }
0x63: {  	[tilespmem:s7+$0xB060] =	vst.add.f32.msk $0xffff, v6;
	s7 =	sshra.s32 s10, $0x2;
	s10 =	sadd.s32 $0x200, s10  }
0x64: {  	v0 =	vld [tilespmem:s7+$0x4C70]  }
0x65: {  	v1 =	vld [tilespmem:s7+$0x4C00]  }
0x66: {  	v2 =	vld [tilespmem:s7+$0x4C10]  }
0x67: {  	v3 =	vld [tilespmem:s7+$0x4C20]  }
0x68: {  	v4 =	vld [tilespmem:s7+$0x4C30]  }
0x69: {  	v63 =	vld [tilespmem:s7+$0x4C40]  }
0x6a: {  	v5 =	vld [tilespmem:s7+$0x4C50]  }
0x6b: {  	v6 =	vld [tilespmem:s7+$0x4C60]  }
0x6c: {  	[tilespmem:s7+$0xB070] =	vst.add.f32.msk $0xffff, v0  }
0x6d: {  	[tilespmem:s7+$0xB000] =	vst.add.f32.msk $0xffff, v1  }
0x6e: {  	[tilespmem:s7+$0xB010] =	vst.add.f32.msk $0xffff, v2  }
0x6f: {  	[tilespmem:s7+$0xB020] =	vst.add.f32.msk $0xffff, v3  }
0x70: {  	s10 =	sadd.s32 s23, s8;
	[tilespmem:s7+$0xB030] =	vst.add.f32.msk $0xffff, v4  }
0x71: {  	s10 =	sshll.u32 s10, $0x4;
	[tilespmem:s7+$0xB040] =	vst.add.f32.msk $0xffff, v63  }
0x72: {  	s10 =	sand.u32 $0x1FFFFFC0, s10;
	[tilespmem:s7+$0xB050] =	vst.add.f32.msk $0xffff, v5  }
0x73: {  	s10 =	sadd.s32 s4, s10;
	[tilespmem:s7+$0xB060] =	vst.add.f32.msk $0xffff, v6  }
0x74: {  	[hbm4b:s10+s5] =	stream.linear.scatter [tilespmem:s20], [sflag:$0x8], $0x3200, $0x38;
	[tilespmem:$0x1AA00] =	vst v63  }
0x75: {  	_ =	swait.ge [sflag:s29], $0x3200  }
0x76: {  	[sflag:s29] =	ssyncset.done $0x0  }
0x77: {  	s15 =	sadd.s32 $0x5, s15;
	s7 =	simm.s32 @!p0 $0xC;
	[sflag:s29] =	ssyncadd.s32 $0xFFFFCE00  }
0x78: {  	s10 =	smul.u32 $0x1A0, s15;
	_ =	swait.ge @!p0 [sflag:s7], $0x3200  }
0x79: {  	[sflag:s7] =	ssyncset.done @!p0 $0x0  }
0x7a: {  	s10 =	sshra.s32 s10, $0x2;
	[sflag:s7] =	ssyncadd.s32 @!p0 $0xFFFFCE00  }
0x7b: {  	[tilespmem:s30], [sflag:$0x6] =	stream.indirect.gather [hbm4b:s1+s17], $0x80, s10, s17, $0xb8;
	[tilespmem:$0x1AA00] =	vst v63  }
0x7c: {  	s7 =	simm.s32 $0x0;
	s10 =	simm.s32 $0x200  }
.LBB2_7:
0x7d: {  	p0 =	sne.s32 s10, $0xC600;
	v0 =	vld [tilespmem:s7+$0x1A70]  }
0x7e: {  	v1 =	vld [tilespmem:s7+$0x1A00]  }
0x7f: {  	v2 =	vld [tilespmem:s7+$0x1A10]  }
0x80: {  	v3 =	vld [tilespmem:s7+$0x1A20]  }
0x81: {  	v4 =	vld [tilespmem:s7+$0x1A30]  }
0x82: {  	[tilespmem:s7+$0xE270] =	vst.add.f32.msk $0xffff, v0  }
0x83: {  	v0 =	vld [tilespmem:s7+$0x1A40]  }
0x84: {  	v5 =	vld [tilespmem:s7+$0x1A50]  }
0x85: {  	v6 =	vld [tilespmem:s7+$0x1A60]  }
0x86: {  	[tilespmem:s7+$0xE200] =	vst.add.f32.msk $0xffff, v1  }
0x87: {  	[tilespmem:s7+$0xE210] =	vst.add.f32.msk $0xffff, v2  }
.Ltmp2:
0x88: {  	[tilespmem:s7+$0xE220] =	vst.add.f32.msk $0xffff, v3;
	(pc) =	sbr.rel @p0 .LBB2_7-.Ltmp2, $4  }
0x89: {  	[tilespmem:s7+$0xE230] =	vst.add.f32.msk $0xffff, v4  }
0x8a: {  	[tilespmem:s7+$0xE240] =	vst.add.f32.msk $0xffff, v0  }
0x8b: {  	[tilespmem:s7+$0xE250] =	vst.add.f32.msk $0xffff, v5  }
0x8c: {  	[tilespmem:s7+$0xE260] =	vst.add.f32.msk $0xffff, v6;
	s7 =	sshra.s32 s10, $0x2;
	s10 =	sadd.s32 $0x200, s10  }
0x8d: {  	v0 =	vld [tilespmem:s7+$0x1A70]  }
0x8e: {  	v1 =	vld [tilespmem:s7+$0x1A00]  }
0x8f: {  	v2 =	vld [tilespmem:s7+$0x1A10]  }
0x90: {  	v3 =	vld [tilespmem:s7+$0x1A20]  }
0x91: {  	v4 =	vld [tilespmem:s7+$0x1A30]  }
0x92: {  	v63 =	vld [tilespmem:s7+$0x1A40]  }
0x93: {  	v5 =	vld [tilespmem:s7+$0x1A50]  }
0x94: {  	v6 =	vld [tilespmem:s7+$0x1A60]  }
0x95: {  	[tilespmem:s7+$0xE270] =	vst.add.f32.msk $0xffff, v0  }
0x96: {  	[tilespmem:s7+$0xE200] =	vst.add.f32.msk $0xffff, v1  }
0x97: {  	[tilespmem:s7+$0xE210] =	vst.add.f32.msk $0xffff, v2  }
0x98: {  	[tilespmem:s7+$0xE220] =	vst.add.f32.msk $0xffff, v3  }
0x99: {  	s10 =	sadd.s32 s23, s9;
	[tilespmem:s7+$0xE230] =	vst.add.f32.msk $0xffff, v4  }
0x9a: {  	s10 =	sshll.u32 s10, $0x4;
	[tilespmem:s7+$0xE240] =	vst.add.f32.msk $0xffff, v63  }
0x9b: {  	s10 =	sand.u32 $0x1FFFFF80, s10;
	[tilespmem:s7+$0xE250] =	vst.add.f32.msk $0xffff, v5  }
0x9c: {  	s23 =	simm.s32 $0x0;
	s10 =	sadd.s32 s4, s10;
	[tilespmem:s7+$0xE260] =	vst.add.f32.msk $0xffff, v6  }
0x9d: {  	[hbm4b:s10+s23] =	stream.linear.scatter [tilespmem:s22], [sflag:$0x9], $0x3200, $0x38;
	[tilespmem:$0x1AA00] =	vst v63  }
0x9e: {  	_ =	swait.ge [sflag:s31], $0x3200  }
0x9f: {  	[sflag:s31] =	ssyncset.done $0x0  }
0xa0: {  	s23 =	smul.u32 $0x9C0, s12;
	[sflag:s31] =	ssyncadd.s32 $0xFFFFCE00  }
0xa1: {  	_ =	swait.ge [sflag:s2], $0x3200  }
0xa2: {  	s23 =	sshra.s32 s23, $0x2;
	[sflag:s2] =	ssyncset.done $0x0  }
0xa3: {  	s7 =	sadd.s32 $0x270, s23;
	[sflag:s2] =	ssyncadd.s32 $0xFFFFCE00  }
0xa4: {  	[tilespmem:s18], [sflag:$0x1] =	stream.indirect.gather [hbm4b:s1+s17], $0x80, s7, s17, $0xb8;
	[tilespmem:$0x1AA00] =	vst v63  }
0xa5: {  	s10 =	simm.s32 $0x200;
	s7 =	simm.s32 $0x0  }
.LBB2_9:
0xa6: {  	p0 =	sne.s32 s10, $0xC600;
	v0 =	vld [tilespmem:s7+$0x4C70]  }
0xa7: {  	v1 =	vld [tilespmem:s7+$0x4C00]  }
0xa8: {  	v2 =	vld [tilespmem:s7+$0x4C10]  }
0xa9: {  	v3 =	vld [tilespmem:s7+$0x4C20]  }
0xaa: {  	v4 =	vld [tilespmem:s7+$0x4C30]  }
0xab: {  	[tilespmem:s7+$0x11470] =	vst.add.f32.msk $0xffff, v0  }
0xac: {  	v0 =	vld [tilespmem:s7+$0x4C40]  }
0xad: {  	v5 =	vld [tilespmem:s7+$0x4C50]  }
0xae: {  	v6 =	vld [tilespmem:s7+$0x4C60]  }
0xaf: {  	[tilespmem:s7+$0x11400] =	vst.add.f32.msk $0xffff, v1  }
0xb0: {  	[tilespmem:s7+$0x11410] =	vst.add.f32.msk $0xffff, v2  }
.Ltmp3:
0xb1: {  	[tilespmem:s7+$0x11420] =	vst.add.f32.msk $0xffff, v3;
	(pc) =	sbr.rel @p0 .LBB2_9-.Ltmp3, $4  }
0xb2: {  	[tilespmem:s7+$0x11430] =	vst.add.f32.msk $0xffff, v4  }
0xb3: {  	[tilespmem:s7+$0x11440] =	vst.add.f32.msk $0xffff, v0  }
0xb4: {  	[tilespmem:s7+$0x11450] =	vst.add.f32.msk $0xffff, v5  }
0xb5: {  	[tilespmem:s7+$0x11460] =	vst.add.f32.msk $0xffff, v6;
	s7 =	sshra.s32 s10, $0x2;
	s10 =	sadd.s32 $0x200, s10  }
0xb6: {  	v0 =	vld [tilespmem:s7+$0x4C70]  }
0xb7: {  	v1 =	vld [tilespmem:s7+$0x4C00]  }
0xb8: {  	v2 =	vld [tilespmem:s7+$0x4C10]  }
0xb9: {  	v3 =	vld [tilespmem:s7+$0x4C20]  }
0xba: {  	v4 =	vld [tilespmem:s7+$0x4C30]  }
0xbb: {  	v63 =	vld [tilespmem:s7+$0x4C40]  }
0xbc: {  	v5 =	vld [tilespmem:s7+$0x4C50]  }
0xbd: {  	v6 =	vld [tilespmem:s7+$0x4C60]  }
0xbe: {  	[tilespmem:s7+$0x11470] =	vst.add.f32.msk $0xffff, v0  }
0xbf: {  	[tilespmem:s7+$0x11400] =	vst.add.f32.msk $0xffff, v1  }
0xc0: {  	s10 =	smul.u32 $0x64, s13;
	[tilespmem:s7+$0x11410] =	vst.add.f32.msk $0xffff, v2  }
0xc1: {  	[tilespmem:s7+$0x11420] =	vst.add.f32.msk $0xffff, v3  }
0xc2: {  	s10 =	sadd.s32 s6, s10;
	[tilespmem:s7+$0x11430] =	vst.add.f32.msk $0xffff, v4  }
0xc3: {  	s10 =	sshll.u32 s10, $0x4;
	[tilespmem:s7+$0x11440] =	vst.add.f32.msk $0xffff, v63  }
0xc4: {  	s10 =	sand.u32 $0x1FFFFFC0, s10;
	[tilespmem:s7+$0x11450] =	vst.add.f32.msk $0xffff, v5  }
0xc5: {  	s13 =	simm.s32 $0x0;
	[tilespmem:s7+$0x11460] =	vst.add.f32.msk $0xffff, v6;
	s10 =	sadd.s32 s4, s10  }
0xc6: {  	[hbm4b:s10+s13] =	stream.linear.scatter [tilespmem:s25], [sflag:$0xA], $0x3200, $0x38;
	[tilespmem:$0x1AA00] =	vst v63  }
0xc7: {  	_ =	swait.ge [sflag:s0], $0x3200  }
0xc8: {  	[sflag:s0] =	ssyncset.done $0x0  }
0xc9: {  	[sflag:s0] =	ssyncadd.s32 $0xFFFFCE00  }
0xca: {  	_ =	swait.ge [sflag:s3], $0x3200  }
0xcb: {  	s7 =	simm.s32 $0x0;
	[sflag:s3] =	ssyncset.done $0x0  }
0xcc: {  	s13 =	sadd.s32 $0x2D8, s23;
	s10 =	simm.s32 $0x200;
	[sflag:s3] =	ssyncadd.s32 $0xFFFFCE00  }
0xcd: {  	[tilespmem:s20], [sflag:$0x2] =	stream.indirect.gather [hbm4b:s1+s17], $0x80, s13, s17, $0xb8;
	[tilespmem:$0x1AA00] =	vst v63  }
.LBB2_11:
0xce: {  	p0 =	sne.s32 s10, $0xC600;
	v0 =	vld [tilespmem:s7+$0x1A70]  }
0xcf: {  	v1 =	vld [tilespmem:s7+$0x1A00]  }
0xd0: {  	v2 =	vld [tilespmem:s7+$0x1A10]  }
0xd1: {  	v3 =	vld [tilespmem:s7+$0x1A20]  }
0xd2: {  	v4 =	vld [tilespmem:s7+$0x1A30]  }
0xd3: {  	[tilespmem:s7+$0x14670] =	vst.add.f32.msk $0xffff, v0  }
0xd4: {  	v0 =	vld [tilespmem:s7+$0x1A40]  }
0xd5: {  	v5 =	vld [tilespmem:s7+$0x1A50]  }
0xd6: {  	v6 =	vld [tilespmem:s7+$0x1A60]  }
0xd7: {  	[tilespmem:s7+$0x14600] =	vst.add.f32.msk $0xffff, v1  }
0xd8: {  	[tilespmem:s7+$0x14610] =	vst.add.f32.msk $0xffff, v2  }
.Ltmp4:
0xd9: {  	[tilespmem:s7+$0x14620] =	vst.add.f32.msk $0xffff, v3;
	(pc) =	sbr.rel @p0 .LBB2_11-.Ltmp4, $4  }
0xda: {  	[tilespmem:s7+$0x14630] =	vst.add.f32.msk $0xffff, v4  }
0xdb: {  	[tilespmem:s7+$0x14640] =	vst.add.f32.msk $0xffff, v0  }
0xdc: {  	[tilespmem:s7+$0x14650] =	vst.add.f32.msk $0xffff, v5  }
0xdd: {  	[tilespmem:s7+$0x14660] =	vst.add.f32.msk $0xffff, v6;
	s7 =	sshra.s32 s10, $0x2;
	s10 =	sadd.s32 $0x200, s10  }
0xde: {  	v0 =	vld [tilespmem:s7+$0x1A70]  }
0xdf: {  	v1 =	vld [tilespmem:s7+$0x1A00]  }
0xe0: {  	v2 =	vld [tilespmem:s7+$0x1A10]  }
0xe1: {  	v3 =	vld [tilespmem:s7+$0x1A20]  }
0xe2: {  	v4 =	vld [tilespmem:s7+$0x1A30]  }
0xe3: {  	v63 =	vld [tilespmem:s7+$0x1A40]  }
0xe4: {  	v5 =	vld [tilespmem:s7+$0x1A50]  }
0xe5: {  	v6 =	vld [tilespmem:s7+$0x1A60]  }
0xe6: {  	[tilespmem:s7+$0x14670] =	vst.add.f32.msk $0xffff, v0  }
0xe7: {  	[tilespmem:s7+$0x14600] =	vst.add.f32.msk $0xffff, v1  }
0xe8: {  	s10 =	smul.u32 $0x64, s14;
	[tilespmem:s7+$0x14610] =	vst.add.f32.msk $0xffff, v2  }
0xe9: {  	[tilespmem:s7+$0x14620] =	vst.add.f32.msk $0xffff, v3  }
0xea: {  	s10 =	sadd.s32 s6, s10;
	[tilespmem:s7+$0x14630] =	vst.add.f32.msk $0xffff, v4  }
0xeb: {  	s10 =	sshll.u32 s10, $0x4;
	[tilespmem:s7+$0x14640] =	vst.add.f32.msk $0xffff, v63  }
0xec: {  	s10 =	sand.u32 $0x1FFFFF80, s10;
	[tilespmem:s7+$0x14650] =	vst.add.f32.msk $0xffff, v5  }
0xed: {  	s14 =	simm.s32 $0x0;
	[tilespmem:s7+$0x14660] =	vst.add.f32.msk $0xffff, v6;
	s13 =	sadd.s32 s4, s10  }
0xee: {  	[hbm4b:s13+s14] =	stream.linear.scatter [tilespmem:s28], [sflag:$0xB], $0x3200, $0x38;
	[tilespmem:$0x1AA00] =	vst v63  }
0xef: {  	_ =	swait.ge [sflag:s16], $0x3200  }
0xf0: {  	[sflag:s16] =	ssyncset.done $0x0  }
0xf1: {  	[sflag:s16] =	ssyncadd.s32 $0xFFFFCE00  }
0xf2: {  	_ =	swait.ge [sflag:s19], $0x3200  }
0xf3: {  	s23 =	sadd.s32 $0x340, s23;
	[sflag:s19] =	ssyncset.done $0x0  }
0xf4: {  	s7 =	simm.s32 $0x0;
	s10 =	simm.s32 $0x200;
	[sflag:s19] =	ssyncadd.s32 $0xFFFFCE00  }
0xf5: {  	[tilespmem:s22], [sflag:$0x3] =	stream.indirect.gather [hbm4b:s1+s17], $0x80, s23, s17, $0xb8;
	[tilespmem:$0x1AA00] =	vst v63  }
.LBB2_13:
0xf6: {  	p0 =	sne.s32 s10, $0xC600;
	v0 =	vld [tilespmem:s7+$0x4C70]  }
0xf7: {  	v1 =	vld [tilespmem:s7+$0x4C00]  }
0xf8: {  	v2 =	vld [tilespmem:s7+$0x4C10]  }
0xf9: {  	v3 =	vld [tilespmem:s7+$0x4C20]  }
0xfa: {  	v4 =	vld [tilespmem:s7+$0x4C30]  }
0xfb: {  	[tilespmem:s7+$0x17870] =	vst.add.f32.msk $0xffff, v0  }
0xfc: {  	v0 =	vld [tilespmem:s7+$0x4C40]  }
0xfd: {  	v5 =	vld [tilespmem:s7+$0x4C50]  }
0xfe: {  	v6 =	vld [tilespmem:s7+$0x4C60]  }
0xff: {  	[tilespmem:s7+$0x17800] =	vst.add.f32.msk $0xffff, v1  }
0x100: {  	[tilespmem:s7+$0x17810] =	vst.add.f32.msk $0xffff, v2  }
.Ltmp5:
0x101: {  	[tilespmem:s7+$0x17820] =	vst.add.f32.msk $0xffff, v3;
	(pc) =	sbr.rel @p0 .LBB2_13-.Ltmp5, $4  }
0x102: {  	[tilespmem:s7+$0x17830] =	vst.add.f32.msk $0xffff, v4  }
0x103: {  	[tilespmem:s7+$0x17840] =	vst.add.f32.msk $0xffff, v0  }
0x104: {  	[tilespmem:s7+$0x17850] =	vst.add.f32.msk $0xffff, v5  }
0x105: {  	[tilespmem:s7+$0x17860] =	vst.add.f32.msk $0xffff, v6;
	s7 =	sshra.s32 s10, $0x2;
	s10 =	sadd.s32 $0x200, s10  }
0x106: {  	v0 =	vld [tilespmem:s7+$0x4C70]  }
0x107: {  	v1 =	vld [tilespmem:s7+$0x4C00]  }
0x108: {  	v2 =	vld [tilespmem:s7+$0x4C10]  }
0x109: {  	v3 =	vld [tilespmem:s7+$0x4C20]  }
0x10a: {  	v4 =	vld [tilespmem:s7+$0x4C30]  }
0x10b: {  	v63 =	vld [tilespmem:s7+$0x4C40]  }
0x10c: {  	v5 =	vld [tilespmem:s7+$0x4C50]  }
0x10d: {  	v6 =	vld [tilespmem:s7+$0x4C60]  }
0x10e: {  	[tilespmem:s7+$0x17870] =	vst.add.f32.msk $0xffff, v0  }
0x10f: {  	[tilespmem:s7+$0x17800] =	vst.add.f32.msk $0xffff, v1  }
0x110: {  	s10 =	smul.u32 $0x64, s15;
	s12 =	sadd.s32 $0x1, s12;
	[tilespmem:s7+$0x17810] =	vst.add.f32.msk $0xffff, v2  }
0x111: {  	p0 =	sne.s32 s12, $0xA;
	[tilespmem:s7+$0x17820] =	vst.add.f32.msk $0xffff, v3  }
.Ltmp6:
0x112: {  	s10 =	sadd.s32 s6, s10;
	[tilespmem:s7+$0x17830] =	vst.add.f32.msk $0xffff, v4;
	(pc) =	sbr.rel @p0 .LBB2_2-.Ltmp6, $4  }
0x113: {  	s10 =	sshll.u32 s10, $0x4;
	[tilespmem:s7+$0x17840] =	vst.add.f32.msk $0xffff, v63  }
0x114: {  	s10 =	sand.u32 $0x1FFFFFC0, s10;
	[tilespmem:s7+$0x17850] =	vst.add.f32.msk $0xffff, v5  }
0x115: {  	[tilespmem:s7+$0x17860] =	vst.add.f32.msk $0xffff, v6;
	s23 =	sadd.s32 s4, s10  }
0x116: {  	[hbm4b:s23+s5] =	stream.linear.scatter [tilespmem:s30], [sflag:$0xC], $0x3200, $0x38;
	[tilespmem:$0x1AA00] =	vst v63  }
0x117: {  	_ =	swait.ge [sflag:s24], $0x3200  }
0x118: {  	[sflag:s24] =	ssyncset.done $0x0  }
0x119: {  	[sflag:s24] =	ssyncadd.s32 $0xFFFFCE00  }
0x11a: {  	_ =	swait.ge [sflag:s21], $0x3200  }
0x11b: {  	[sflag:s21] =	ssyncset.done $0x0  }
0x11c: {  	s7 =	simm.s32 $0x1998;
	[sflag:s21] =	ssyncadd.s32 $0xFFFFCE00  }
0x11d: {  	[tilespmem:s25], [sflag:$0x4] =	stream.indirect.gather [hbm4b:s1+s17], $0x80, s7, s17, $0xb8;
	[tilespmem:$0x1AA00] =	vst v63  }
0x11e: {  	s10 =	simm.s32 $0x200;
	s7 =	simm.s32 $0x0  }
.LBB2_16:
0x11f: {  	p0 =	sne.s32 s10, $0xC600;
	v0 =	vld [tilespmem:s7+$0x1A70]  }
0x120: {  	v1 =	vld [tilespmem:s7+$0x1A00]  }
0x121: {  	v2 =	vld [tilespmem:s7+$0x1A10]  }
0x122: {  	v3 =	vld [tilespmem:s7+$0x1A20]  }
0x123: {  	v4 =	vld [tilespmem:s7+$0x1A30]  }
0x124: {  	[tilespmem:s7+$0x7E70] =	vst.add.f32.msk $0xffff, v0  }
0x125: {  	v0 =	vld [tilespmem:s7+$0x1A40]  }
0x126: {  	v5 =	vld [tilespmem:s7+$0x1A50]  }
0x127: {  	v6 =	vld [tilespmem:s7+$0x1A60]  }
0x128: {  	[tilespmem:s7+$0x7E00] =	vst.add.f32.msk $0xffff, v1  }
0x129: {  	[tilespmem:s7+$0x7E10] =	vst.add.f32.msk $0xffff, v2  }
.Ltmp7:
0x12a: {  	[tilespmem:s7+$0x7E20] =	vst.add.f32.msk $0xffff, v3;
	(pc) =	sbr.rel @p0 .LBB2_16-.Ltmp7, $4  }
0x12b: {  	[tilespmem:s7+$0x7E30] =	vst.add.f32.msk $0xffff, v4  }
0x12c: {  	[tilespmem:s7+$0x7E40] =	vst.add.f32.msk $0xffff, v0  }
0x12d: {  	[tilespmem:s7+$0x7E50] =	vst.add.f32.msk $0xffff, v5  }
0x12e: {  	[tilespmem:s7+$0x7E60] =	vst.add.f32.msk $0xffff, v6;
	s7 =	sshra.s32 s10, $0x2;
	s10 =	sadd.s32 $0x200, s10  }
0x12f: {  	v0 =	vld [tilespmem:s7+$0x1A70]  }
0x130: {  	v1 =	vld [tilespmem:s7+$0x1A00]  }
0x131: {  	v2 =	vld [tilespmem:s7+$0x1A10]  }
0x132: {  	v3 =	vld [tilespmem:s7+$0x1A20]  }
0x133: {  	v4 =	vld [tilespmem:s7+$0x1A30]  }
0x134: {  	v63 =	vld [tilespmem:s7+$0x1A40]  }
0x135: {  	v5 =	vld [tilespmem:s7+$0x1A50]  }
0x136: {  	v6 =	vld [tilespmem:s7+$0x1A60]  }
0x137: {  	[tilespmem:s7+$0x7E70] =	vst.add.f32.msk $0xffff, v0  }
0x138: {  	[tilespmem:s7+$0x7E00] =	vst.add.f32.msk $0xffff, v1  }
0x139: {  	[tilespmem:s7+$0x7E10] =	vst.add.f32.msk $0xffff, v2  }
0x13a: {  	[tilespmem:s7+$0x7E20] =	vst.add.f32.msk $0xffff, v3  }
0x13b: {  	[tilespmem:s7+$0x7E30] =	vst.add.f32.msk $0xffff, v4  }
0x13c: {  	[tilespmem:s7+$0x7E40] =	vst.add.f32.msk $0xffff, v63  }
0x13d: {  	[tilespmem:s7+$0x7E50] =	vst.add.f32.msk $0xffff, v5  }
0x13e: {  	s15 =	simm.s32 $0x0;
	s10 =	rddreg [dreg:$0x6];
	[tilespmem:s7+$0x7E60] =	vst.add.f32.msk $0xffff, v6  }
0x13f: {  	[hbm4b:s10+s15] =	stream.linear.scatter [tilespmem:s18], [sflag:$0x7], $0x3200, $0x38;
	[tilespmem:$0x1AA00] =	vst v63  }
0x140: {  	_ =	swait.ge [sflag:s26], $0x3200  }
0x141: {  	[sflag:s26] =	ssyncset.done $0x0  }
0x142: {  	s23 =	simm.s32 $0xB;
	[sflag:s26] =	ssyncadd.s32 $0xFFFFCE00  }
0x143: {  	_ =	swait.ge [sflag:s23], $0x3200  }
0x144: {  	[sflag:s23] =	ssyncset.done $0x0  }
0x145: {  	s7 =	simm.s32 $0x0;
	s10 =	simm.s32 $0x200;
	[sflag:s23] =	ssyncadd.s32 $0xFFFFCE00  }
.LBB2_18:
0x146: {  	p0 =	sne.s32 s10, $0xC600;
	v0 =	vld [tilespmem:s7+$0x4C70]  }
0x147: {  	v1 =	vld [tilespmem:s7+$0x4C00]  }
0x148: {  	v2 =	vld [tilespmem:s7+$0x4C10]  }
0x149: {  	v3 =	vld [tilespmem:s7+$0x4C20]  }
0x14a: {  	v4 =	vld [tilespmem:s7+$0x4C30]  }
0x14b: {  	[tilespmem:s7+$0xB070] =	vst.add.f32.msk $0xffff, v0  }
0x14c: {  	v0 =	vld [tilespmem:s7+$0x4C40]  }
0x14d: {  	v5 =	vld [tilespmem:s7+$0x4C50]  }
0x14e: {  	v6 =	vld [tilespmem:s7+$0x4C60]  }
0x14f: {  	[tilespmem:s7+$0xB000] =	vst.add.f32.msk $0xffff, v1  }
0x150: {  	[tilespmem:s7+$0xB010] =	vst.add.f32.msk $0xffff, v2  }
.Ltmp8:
0x151: {  	[tilespmem:s7+$0xB020] =	vst.add.f32.msk $0xffff, v3;
	(pc) =	sbr.rel @p0 .LBB2_18-.Ltmp8, $4  }
0x152: {  	[tilespmem:s7+$0xB030] =	vst.add.f32.msk $0xffff, v4  }
0x153: {  	[tilespmem:s7+$0xB040] =	vst.add.f32.msk $0xffff, v0  }
0x154: {  	[tilespmem:s7+$0xB050] =	vst.add.f32.msk $0xffff, v5  }
0x155: {  	[tilespmem:s7+$0xB060] =	vst.add.f32.msk $0xffff, v6;
	s7 =	sshra.s32 s10, $0x2;
	s10 =	sadd.s32 $0x200, s10  }
0x156: {  	v0 =	vld [tilespmem:s7+$0x4C70]  }
0x157: {  	v1 =	vld [tilespmem:s7+$0x4C00]  }
0x158: {  	v2 =	vld [tilespmem:s7+$0x4C10]  }
0x159: {  	v3 =	vld [tilespmem:s7+$0x4C20]  }
0x15a: {  	v4 =	vld [tilespmem:s7+$0x4C30]  }
0x15b: {  	v63 =	vld [tilespmem:s7+$0x4C40]  }
0x15c: {  	v5 =	vld [tilespmem:s7+$0x4C50]  }
0x15d: {  	v6 =	vld [tilespmem:s7+$0x4C60]  }
0x15e: {  	[tilespmem:s7+$0xB070] =	vst.add.f32.msk $0xffff, v0  }
0x15f: {  	[tilespmem:s7+$0xB000] =	vst.add.f32.msk $0xffff, v1  }
0x160: {  	[tilespmem:s7+$0xB010] =	vst.add.f32.msk $0xffff, v2  }
0x161: {  	[tilespmem:s7+$0xB020] =	vst.add.f32.msk $0xffff, v3  }
0x162: {  	[tilespmem:s7+$0xB030] =	vst.add.f32.msk $0xffff, v4  }
0x163: {  	[tilespmem:s7+$0xB040] =	vst.add.f32.msk $0xffff, v63  }
0x164: {  	[tilespmem:s7+$0xB050] =	vst.add.f32.msk $0xffff, v5  }
0x165: {  	s15 =	simm.s32 $0x0;
	s10 =	rddreg [dreg:$0x7];
	[tilespmem:s7+$0xB060] =	vst.add.f32.msk $0xffff, v6  }
0x166: {  	[hbm4b:s10+s15] =	stream.linear.scatter [tilespmem:s20], [sflag:$0x8], $0x3200, $0x38;
	[tilespmem:$0x1AA00] =	vst v63  }
0x167: {  	_ =	swait.ge [sflag:s29], $0x3200  }
0x168: {  	[sflag:s29] =	ssyncset.done $0x0  }
0x169: {  	s23 =	simm.s32 $0xC;
	[sflag:s29] =	ssyncadd.s32 $0xFFFFCE00  }
0x16a: {  	_ =	swait.ge [sflag:s23], $0x3200  }
0x16b: {  	[sflag:s23] =	ssyncset.done $0x0  }
0x16c: {  	s7 =	simm.s32 $0x0;
	s10 =	simm.s32 $0x200;
	[sflag:s23] =	ssyncadd.s32 $0xFFFFCE00  }
.LBB2_20:
0x16d: {  	p0 =	sne.s32 s10, $0xC600;
	v0 =	vld [tilespmem:s7+$0x1A70]  }
0x16e: {  	v1 =	vld [tilespmem:s7+$0x1A00]  }
0x16f: {  	v2 =	vld [tilespmem:s7+$0x1A10]  }
0x170: {  	v3 =	vld [tilespmem:s7+$0x1A20]  }
0x171: {  	v4 =	vld [tilespmem:s7+$0x1A30]  }
0x172: {  	[tilespmem:s7+$0xE270] =	vst.add.f32.msk $0xffff, v0  }
0x173: {  	v0 =	vld [tilespmem:s7+$0x1A40]  }
0x174: {  	v5 =	vld [tilespmem:s7+$0x1A50]  }
0x175: {  	v6 =	vld [tilespmem:s7+$0x1A60]  }
0x176: {  	[tilespmem:s7+$0xE200] =	vst.add.f32.msk $0xffff, v1  }
0x177: {  	[tilespmem:s7+$0xE210] =	vst.add.f32.msk $0xffff, v2  }
.Ltmp9:
0x178: {  	[tilespmem:s7+$0xE220] =	vst.add.f32.msk $0xffff, v3;
	(pc) =	sbr.rel @p0 .LBB2_20-.Ltmp9, $4  }
0x179: {  	[tilespmem:s7+$0xE230] =	vst.add.f32.msk $0xffff, v4  }
0x17a: {  	[tilespmem:s7+$0xE240] =	vst.add.f32.msk $0xffff, v0  }
0x17b: {  	[tilespmem:s7+$0xE250] =	vst.add.f32.msk $0xffff, v5  }
0x17c: {  	[tilespmem:s7+$0xE260] =	vst.add.f32.msk $0xffff, v6;
	s7 =	sshra.s32 s10, $0x2;
	s10 =	sadd.s32 $0x200, s10  }
0x17d: {  	v0 =	vld [tilespmem:s7+$0x1A70]  }
0x17e: {  	v1 =	vld [tilespmem:s7+$0x1A00]  }
0x17f: {  	v2 =	vld [tilespmem:s7+$0x1A10]  }
0x180: {  	v3 =	vld [tilespmem:s7+$0x1A20]  }
0x181: {  	v4 =	vld [tilespmem:s7+$0x1A30]  }
0x182: {  	v63 =	vld [tilespmem:s7+$0x1A40]  }
0x183: {  	v5 =	vld [tilespmem:s7+$0x1A50]  }
0x184: {  	v6 =	vld [tilespmem:s7+$0x1A60]  }
0x185: {  	[tilespmem:s7+$0xE270] =	vst.add.f32.msk $0xffff, v0  }
0x186: {  	[tilespmem:s7+$0xE200] =	vst.add.f32.msk $0xffff, v1  }
0x187: {  	[tilespmem:s7+$0xE210] =	vst.add.f32.msk $0xffff, v2  }
0x188: {  	[tilespmem:s7+$0xE220] =	vst.add.f32.msk $0xffff, v3  }
0x189: {  	[tilespmem:s7+$0xE230] =	vst.add.f32.msk $0xffff, v4  }
0x18a: {  	[tilespmem:s7+$0xE240] =	vst.add.f32.msk $0xffff, v63  }
0x18b: {  	[tilespmem:s7+$0xE250] =	vst.add.f32.msk $0xffff, v5  }
0x18c: {  	s23 =	simm.s32 $0x0;
	s10 =	rddreg [dreg:$0x8];
	[tilespmem:s7+$0xE260] =	vst.add.f32.msk $0xffff, v6  }
0x18d: {  	[hbm4b:s10+s23] =	stream.linear.scatter [tilespmem:s22], [sflag:$0x9], $0x3200, $0x38;
	[tilespmem:$0x1AA00] =	vst v63  }
0x18e: {  	_ =	swait.ge [sflag:s31], $0x3200  }
0x18f: {  	[sflag:s31] =	ssyncset.done $0x0  }
0x190: {  	[sflag:s31] =	ssyncadd.s32 $0xFFFFCE00  }
0x191: {  	_ =	swait.ge [sflag:s2], $0x3200  }
0x192: {  	[sflag:s2] =	ssyncset.done $0x0  }
0x193: {  	s7 =	simm.s32 $0x0;
	s10 =	simm.s32 $0x200;
	[sflag:s2] =	ssyncadd.s32 $0xFFFFCE00  }
.LBB2_22:
0x194: {  	p0 =	sne.s32 s10, $0xC600;
	v0 =	vld [tilespmem:s7+$0x4C70]  }
0x195: {  	v1 =	vld [tilespmem:s7+$0x4C00]  }
0x196: {  	v2 =	vld [tilespmem:s7+$0x4C10]  }
0x197: {  	v3 =	vld [tilespmem:s7+$0x4C20]  }
0x198: {  	v4 =	vld [tilespmem:s7+$0x4C30]  }
0x199: {  	[tilespmem:s7+$0x11470] =	vst.add.f32.msk $0xffff, v0  }
0x19a: {  	v0 =	vld [tilespmem:s7+$0x4C40]  }
0x19b: {  	v5 =	vld [tilespmem:s7+$0x4C50]  }
0x19c: {  	v6 =	vld [tilespmem:s7+$0x4C60]  }
0x19d: {  	[tilespmem:s7+$0x11400] =	vst.add.f32.msk $0xffff, v1  }
0x19e: {  	[tilespmem:s7+$0x11410] =	vst.add.f32.msk $0xffff, v2  }
.Ltmp10:
0x19f: {  	[tilespmem:s7+$0x11420] =	vst.add.f32.msk $0xffff, v3;
	(pc) =	sbr.rel @p0 .LBB2_22-.Ltmp10, $4  }
0x1a0: {  	[tilespmem:s7+$0x11430] =	vst.add.f32.msk $0xffff, v4  }
0x1a1: {  	[tilespmem:s7+$0x11440] =	vst.add.f32.msk $0xffff, v0  }
0x1a2: {  	[tilespmem:s7+$0x11450] =	vst.add.f32.msk $0xffff, v5  }
0x1a3: {  	[tilespmem:s7+$0x11460] =	vst.add.f32.msk $0xffff, v6;
	s7 =	sshra.s32 s10, $0x2;
	s10 =	sadd.s32 $0x200, s10  }
0x1a4: {  	v0 =	vld [tilespmem:s7+$0x4C70]  }
0x1a5: {  	v1 =	vld [tilespmem:s7+$0x4C00]  }
0x1a6: {  	v2 =	vld [tilespmem:s7+$0x4C10]  }
0x1a7: {  	v3 =	vld [tilespmem:s7+$0x4C20]  }
0x1a8: {  	v4 =	vld [tilespmem:s7+$0x4C30]  }
0x1a9: {  	v63 =	vld [tilespmem:s7+$0x4C40]  }
0x1aa: {  	v5 =	vld [tilespmem:s7+$0x4C50]  }
0x1ab: {  	v6 =	vld [tilespmem:s7+$0x4C60]  }
0x1ac: {  	[tilespmem:s7+$0x11470] =	vst.add.f32.msk $0xffff, v0  }
0x1ad: {  	[tilespmem:s7+$0x11400] =	vst.add.f32.msk $0xffff, v1  }
0x1ae: {  	[tilespmem:s7+$0x11410] =	vst.add.f32.msk $0xffff, v2  }
0x1af: {  	[tilespmem:s7+$0x11420] =	vst.add.f32.msk $0xffff, v3  }
0x1b0: {  	[tilespmem:s7+$0x11430] =	vst.add.f32.msk $0xffff, v4  }
0x1b1: {  	[tilespmem:s7+$0x11440] =	vst.add.f32.msk $0xffff, v63  }
0x1b2: {  	[tilespmem:s7+$0x11450] =	vst.add.f32.msk $0xffff, v5  }
0x1b3: {  	s15 =	rddreg [dreg:$0x9];
	[tilespmem:s7+$0x11460] =	vst.add.f32.msk $0xffff, v6  }
0x1b4: {  	[hbm4b:s15+s5] =	stream.linear.scatter [tilespmem:s25], [sflag:$0xA], $0x3200, $0x38;
	[tilespmem:$0x1AA00] =	vst v63  }
0x1b5: {  	_ =	swait.ge [sflag:s3], $0x3200  }
0x1b6: {  	[sflag:s3] =	ssyncset.done $0x0  }
0x1b7: {  	[sflag:s3] =	ssyncadd.s32 $0xFFFFCE00  }
0x1b8: {  	_ =	swait.ge [sflag:s19], $0x3200  }
0x1b9: {  	[sflag:s19] =	ssyncset.done $0x0  }
0x1ba: {  	[sflag:s19] =	ssyncadd.s32 $0xFFFFCE00  }
0x1bb: {  	_ =	swait.ge [sflag:s21], $0x3200  }
0x1bc: {  	s11 =	sadd.s32 $0x1, s11;
	s23 =	rddreg [dreg:$0xa]  }
0x1bd: {  	p0 =	sne.s32 s11, s23  }
.Ltmp11:
0x1be: {  	_ = 	snop;
	(pc) =	sbr.rel @p0 .LBB2_1-.Ltmp11, $3  }
0x1bf: {  	_ =	sdelay $0x1  }
0x1c0: {  	[sflag:s21] =	ssyncset.done $0x0  }
0x1c1: {  	[sflag:s21] =	ssyncadd.s32 $0xFFFFCE00  }
0x1c2: {  	_ =	sfence.sel $0x180000  }
0x1c3: {  	[bflag:$0x0] =	sbarrier.arrive $0xFFFF  }
0x1c4: {  	_ =	strace $0x90000047  }
0x1c5: {  	s0 =	stileid.u32;
	[bflag:$0x2] =	sbarrier.arrive $0xFFFF  }
0x1c6: {  	p0 =	sne.s32 s0, $0x0;
	s0 =	rddreg [dreg:$0x4]  }
0x1c7: {  	s0 =	sadd.s32 @!p0 $0x100000, s0  }
0x1c8: {  	[sflag:s0] =	ssyncadd.tile.s32 @!p0 $0x1;
	_ =	shalt  }
.Lfunc_end2:
_tile_overlayer_lowered:
.L_overlay_start_2:
0x1c9: {  	(tag) =	ssettag $0x2  }
0x1ca: {  	s0 =	rddreg [dreg:$0x0];
	s2 =	stileid.u32  }
0x1cb: {  	s1 =	rddreg [dreg:$0x1];
	p0 =	sne.s32 s2, $0x0  }
0x1cc: {  	s3 =	rddreg [dreg:$0x2];
	[bflag:$0x3] =	sbarrier.arrive $0xFFFF;
	s2 =	simm.s32 @!p0 $0x1C0E  }
0x1cd: {  	[timem:s3], [sflag:s2] =	dma.local @!p0 [hbm:s0], s1  }
0x1ce: {  	s0 =	simm.s32 @!p0 $0xE  }
0x1cf: {  	_ =	swait.ge @!p0 [sflag:s0], s1  }
0x1d0: {  	s1 =	ssub.s32 @!p0 $0x0, s1;
	[sflag:s0] =	ssyncset.done @!p0 $0x0  }
0x1d1: {  	[sflag:s0] =	ssyncadd.s32 @!p0 s1  }
0x1d2: {  	[bflag:$0x3] =	sbarrier.arrive $0xFFFF  }
0x1d3: {  	_ =	shalt  }

</sc_bundles>
